<compile_context>
chip_gen: v7x
topology: tpu7x:2x2x1
jax: 0.10.2.dev20260603
libtpu: 0.0.44.dev20260713+nightly
codegen_flags: <defaults>
</compile_context>

<pallas_src>
import functools

import jax
import jax.numpy as jnp
from jax import lax
from jax.experimental import pallas as pl
from jax.experimental.pallas import tpu as pltpu
from jax.experimental.pallas import tpu_sc as plsc

N = 10000
E = 160000
F = 8
D_IN0 = 128
D_OUT = 16
NG = 128
POS_DIM = 3

CHUNK = 128
NWORKERS = 32
NCHUNKS = E // CHUNK
STEPS = 40
E_PAD = STEPS * NWORKERS * CHUNK
N_PAD = 10240
ROWS_PER_TILE = N_PAD // 16



def _t0_body(x_ref, w0r_ref, posp_ref, u_ref, hw_ref, posu_ref):
    hw_ref[...] = jnp.dot(x_ref[...], w0r_ref[...],
                          preferred_element_type=jnp.float32)
    posu_ref[...] = jnp.dot(posp_ref[...], u_ref[...],
                            preferred_element_type=jnp.float32)


def _t0(x, w0r, pos_pad, u_cat):
    bn = 1000
    grid = (N // bn,)
    return pl.pallas_call(
        _t0_body,
        grid=grid,
        in_specs=[
            pl.BlockSpec((bn, D_IN0), lambda i: (i, 0)),
            pl.BlockSpec((D_IN0, F * D_OUT), lambda i: (0, 0)),
            pl.BlockSpec((bn, 8), lambda i: (i, 0)),
            pl.BlockSpec((8, 32), lambda i: (0, 0)),
        ],
        out_specs=[
            pl.BlockSpec((bn, F * D_OUT), lambda i: (i, 0)),
            pl.BlockSpec((bn, 32), lambda i: (i, 0)),
        ],
        out_shape=[
            jax.ShapeDtypeStruct((N, F * D_OUT), jnp.float32),
            jax.ShapeDtypeStruct((N, 32), jnp.float32),
        ],
    )(x, w0r, pos_pad, u_cat)


def _tmix_body(part_ref, wb_ref, wnext_ref, hw_ref):
    h = jax.nn.relu(part_ref[0] + part_ref[1] + wb_ref[...])
    hw_ref[...] = jnp.dot(h, wnext_ref[...],
                          preferred_element_type=jnp.float32)


def _tmix(part, wb, wnext):
    bn = 1024
    grid = (N_PAD // bn,)
    return pl.pallas_call(
        _tmix_body,
        grid=grid,
        in_specs=[
            pl.BlockSpec((2, bn, D_OUT), lambda i: (0, i, 0)),
            pl.BlockSpec((1, D_OUT), lambda i: (0, 0)),
            pl.BlockSpec((D_OUT, F * D_OUT), lambda i: (0, 0)),
        ],
        out_specs=pl.BlockSpec((bn, F * D_OUT), lambda i: (i, 0)),
        out_shape=jax.ShapeDtypeStruct((N_PAD, F * D_OUT), jnp.float32),
    )(part, wb, wnext)


def _t2_body(part_ref, wb_ref, n2g_ref, nf_ref, gf_ref):
    h = jax.nn.relu(part_ref[0] + part_ref[1] + wb_ref[...])
    nf_ref[...] = h
    n2g = n2g_ref[0]
    gids = lax.broadcasted_iota(jnp.int32, (NG, n2g.shape[1]), 0)
    onehot = (jnp.broadcast_to(n2g, (NG, n2g.shape[1])) == gids)
    onehot = onehot.astype(jnp.float32)
    gf_part = lax.dot_general(onehot, h, (((1,), (0,)), ((), ())),
                              preferred_element_type=jnp.float32)

    @pl.when(pl.program_id(0) == 0)
    def _():
        gf_ref[...] = jnp.zeros_like(gf_ref)

    gf_ref[...] += gf_part


def _t2(part, wb, n2g3d):
    bn = 1024
    grid = (N_PAD // bn,)
    return pl.pallas_call(
        _t2_body,
        grid=grid,
        in_specs=[
            pl.BlockSpec((2, bn, D_OUT), lambda i: (0, i, 0)),
            pl.BlockSpec((1, D_OUT), lambda i: (0, 0)),
            pl.BlockSpec((1, 1, bn), lambda i: (i, 0, 0)),
        ],
        out_specs=[
            pl.BlockSpec((bn, D_OUT), lambda i: (i, 0)),
            pl.BlockSpec((NG, D_OUT), lambda i: (0, 0)),
        ],
        out_shape=[
            jax.ShapeDtypeStruct((N_PAD, D_OUT), jnp.float32),
            jax.ShapeDtypeStruct((NG, D_OUT), jnp.float32),
        ],
    )(part, wb, n2g3d)



@functools.cache
def _mesh():
    return plsc.VectorSubcoreMesh(core_axis_name="c", subcore_axis_name="s",
                                  num_cores=2, num_subcores=16)


def _sgate_body(posu_hbm, src_hbm, dst_hbm, bias_hbm, gate_hbm,
                sbuf, dbuf, gs, gd, go, bbuf, sem0, sem1):
    cid = lax.axis_index("c")
    sid = lax.axis_index("s")
    wid = sid * 2 + cid
    pltpu.sync_copy(bias_hbm, bbuf)
    b0 = bbuf[pl.ds(0, 16)]
    b1 = bbuf[pl.ds(16, 16)]

    def chunk_body(c, _):
        o = (wid + c * NWORKERS) * CHUNK
        pltpu.sync_copy(src_hbm.at[pl.ds(o, CHUNK)], sbuf)
        pltpu.sync_copy(dst_hbm.at[pl.ds(o, CHUNK)], dbuf)
        cp0 = pltpu.async_copy(posu_hbm.at[sbuf], gs, sem0)
        cp1 = pltpu.async_copy(posu_hbm.at[dbuf], gd, sem1)
        cp0.wait()
        cp1.wait()

        valid = jnp.where(c < NCHUNKS, 1.0, 0.0)

        def edge_body(e, _):
            v0 = jnp.maximum(
                gs[e, pl.ds(0, 16)] - gd[e, pl.ds(0, 16)] + b0, 0.0)
            v1 = jnp.maximum(
                gs[e, pl.ds(16, 16)] - gd[e, pl.ds(16, 16)] + b1, 0.0)
            go[e, pl.ds(0, 16)] = v0 * valid
            go[e, pl.ds(16, 16)] = v1 * valid
            return 0

        lax.fori_loop(0, CHUNK, edge_body, 0)
        pltpu.sync_copy(go, gate_hbm.at[pl.ds(o, CHUNK), :])
        return 0

    nchunks = (NCHUNKS - wid + NWORKERS - 1) // NWORKERS
    lax.fori_loop(0, nchunks, chunk_body, 0)


def _sgate(posu, src, dst, bias):
    f = pl.kernel(
        _sgate_body,
        out_type=jax.ShapeDtypeStruct((E_PAD, 32), jnp.float32),
        mesh=_mesh(),
        compiler_params=pltpu.CompilerParams(use_tc_tiling_on_sc=False),
        scratch_types=(
            [pltpu.VMEM((CHUNK,), jnp.int32)] * 2
            + [pltpu.VMEM((CHUNK, 32), jnp.float32)] * 3
            + [pltpu.VMEM((32,), jnp.float32)]
            + [pltpu.SemaphoreType.DMA] * 2
        ),
    )
    return f(posu, src, dst, bias)


def _sedge_body(layer, hw_hbm, gate_hbm, src_hbm, dst_hbm, zeros_hbm,
                part_hbm, acc, sbuf, dbuf, gbuf, rows, mbuf, sem0):
    cid = lax.axis_index("c")
    sid = lax.axis_index("s")
    wid = sid * 2 + cid
    pltpu.sync_copy(zeros_hbm.at[pl.ds(sid * ROWS_PER_TILE, ROWS_PER_TILE), :],
                    acc.at[pl.ds(sid * ROWS_PER_TILE, ROWS_PER_TILE), :])
    plsc.subcore_barrier()
    gvec = 16 * (layer // 2)
    glane = 8 * (layer % 2)

    def chunk_body(c, _):
        o = (wid + c * NWORKERS) * CHUNK
        pltpu.sync_copy(src_hbm.at[pl.ds(o, CHUNK)], sbuf)
        pltpu.sync_copy(dst_hbm.at[pl.ds(o, CHUNK)], dbuf)
        pltpu.sync_copy(gate_hbm.at[pl.ds(o, CHUNK), :], gbuf)
        pltpu.async_copy(hw_hbm.at[sbuf], rows, sem0).wait()

        def edge_body(e, _):
            gv = gbuf[e, pl.ds(gvec, 16)]
            acc_v = gv[glane] * rows[e, pl.ds(0, 16)]
            for k in range(1, F):
                acc_v += gv[glane + k] * rows[e, pl.ds(16 * k, 16)]
            mbuf[e, :] = acc_v
            return 0

        lax.fori_loop(0, CHUNK, edge_body, 0)
        pltpu.sync_copy(mbuf, acc.at[dbuf], add=True)
        return 0

    nchunks = (NCHUNKS - wid + NWORKERS - 1) // NWORKERS
    lax.fori_loop(0, nchunks, chunk_body, 0)
    plsc.subcore_barrier()
    pltpu.sync_copy(
        acc.at[pl.ds(sid * ROWS_PER_TILE, ROWS_PER_TILE), :],
        part_hbm.at[cid, pl.ds(sid * ROWS_PER_TILE, ROWS_PER_TILE), :])


def _sedge(layer, hw, gate, src, dst, zeros):
    f = pl.kernel(
        functools.partial(_sedge_body, layer),
        out_type=jax.ShapeDtypeStruct((2, N_PAD, D_OUT), jnp.float32),
        mesh=_mesh(),
        compiler_params=pltpu.CompilerParams(use_tc_tiling_on_sc=False),
        scratch_types=(
            [pltpu.VMEM_SHARED((N_PAD, D_OUT), jnp.float32)]
            + [pltpu.VMEM((CHUNK,), jnp.int32)] * 2
            + [pltpu.VMEM((CHUNK, 32), jnp.float32)]
            + [pltpu.VMEM((CHUNK, F * D_OUT), jnp.float32)]
            + [pltpu.VMEM((CHUNK, D_OUT), jnp.float32)]
            + [pltpu.SemaphoreType.DMA]
        ),
    )
    return f(hw, gate, src, dst, zeros)



@jax.jit
def kernel(x, pos, edge_index, node2graph,
           U0, b0, W0, Wb0, U1, b1, W1, Wb1, U2, b2, W2, Wb2):
    src = edge_index[0]
    dst = edge_index[1]
    pad_ids = jnp.arange(E_PAD - E, dtype=jnp.int32) % N
    src = jnp.concatenate([src, pad_ids])
    dst = jnp.concatenate([dst, pad_ids])

    def repack(w, d_in):
        return w.reshape(F, d_in, D_OUT).transpose(1, 0, 2).reshape(d_in, F * D_OUT)

    w0r = repack(W0, D_IN0)
    w1r = repack(W1, D_OUT)
    w2r = repack(W2, D_OUT)

    pos_pad = jnp.pad(pos, ((0, 0), (0, 8 - POS_DIM)))
    u_cat = jnp.zeros((8, 32), jnp.float32)
    u_cat = u_cat.at[:POS_DIM, 0:F].set(U0)
    u_cat = u_cat.at[:POS_DIM, F:2 * F].set(U1)
    u_cat = u_cat.at[:POS_DIM, 2 * F:3 * F].set(U2)
    bias = jnp.concatenate([b0, b1, b2, jnp.zeros((8,), jnp.float32)])

    hw0, posu = _t0(x, w0r, pos_pad, u_cat)
    gate = _sgate(posu, src, dst, bias)

    zeros = jnp.zeros((N_PAD, D_OUT), jnp.float32)
    part0 = _sedge(0, hw0, gate, src, dst, zeros)
    hw1 = _tmix(part0, Wb0.reshape(1, D_OUT), w1r)
    part1 = _sedge(1, hw1, gate, src, dst, zeros)
    hw2 = _tmix(part1, Wb1.reshape(1, D_OUT), w2r)
    part2 = _sedge(2, hw2, gate, src, dst, zeros)

    n2g_pad = jnp.concatenate(
        [node2graph, jnp.full((N_PAD - N,), NG, jnp.int32)])
    n2g3d = n2g_pad.reshape(10, 1, 1024)
    node_feature, graph_feature = _t2(part2, Wb2.reshape(1, D_OUT), n2g3d)
    return graph_feature, node_feature[:N]

# --- scband reference (transcript-rebuilt; emitter-appended) ---
"""Pipeline reference for scband-spatial-graph-convolutional-network-15942918603403 (READ-ONLY COPY).

The authoritative reference and input builder live on the scoring server;
editing this copy changes nothing except your own understanding.
"""

import jax, jax.numpy as jnp
import numpy as np

N = 10000
E = 160000
F = 8
DIMS = [128, 16, 16, 16]
NG = 128
POS_DIM = 3


def setup_inputs(seed: int = 0):
    key = jax.random.key(seed)
    ks = jax.random.split(key, 20)
    inp = {}
    inp['x'] = jax.random.normal(ks[0], (N, DIMS[0]), dtype=jnp.float32)
    inp['pos'] = jax.random.normal(ks[1], (N, POS_DIM), dtype=jnp.float32)
    inp['edge_index'] = jax.random.randint(ks[2], (2, E), 0, N, dtype=jnp.int32)
    inp['node2graph'] = jnp.sort(jax.random.randint(ks[3], (N,), 0, NG, dtype=jnp.int32))
    for i in range(3):
        d_in, d_out = DIMS[i], DIMS[i + 1]
        inp['U%d' % i] = jax.random.normal(ks[4 + 4 * i], (POS_DIM, F), dtype=jnp.float32) * 0.1
        inp['b%d' % i] = jnp.zeros((F,), dtype=jnp.float32)
        inp['W%d' % i] = jax.random.normal(ks[5 + 4 * i], (F * d_in, d_out), dtype=jnp.float32) * (1.0 / np.sqrt(F * d_in))
        inp['Wb%d' % i] = jnp.zeros((d_out,), dtype=jnp.float32)
    return inp


def _sgcn_layer(h, pos, src, dst, U, b, W, Wb):
    # Spatial graph conv: per-edge spatial gates from relative positions,
    # per-filter gated message aggregation, then linear mix + activation.
    rel = pos[src] - pos[dst]                      # [E, POS_DIM]
    gate = jax.nn.relu(rel @ U + b)                # [E, F]
    msg = h[src]                                   # [E, d_in]
    aggs = []
    for k in range(F):
        aggs.append(jax.ops.segment_sum(gate[:, k:k + 1] * msg, dst, num_segments=N))
    agg = jnp.concatenate(aggs, axis=-1)           # [N, F * d_in]
    return jax.nn.relu(agg @ W + Wb)               # [N, d_out]


def reference(x, pos, edge_index, node2graph, U0, b0, W0, Wb0, U1, b1, W1, Wb1, U2, b2, W2, Wb2):
    src, dst = edge_index[0], edge_index[1]
    h = x
    for (U, b, W, Wb) in [(U0, b0, W0, Wb0), (U1, b1, W1, Wb1), (U2, b2, W2, Wb2)]:
        h = _sgcn_layer(h, pos, src, dst, U, b, W, Wb)
    node_feature = h
    graph_feature = jax.ops.segment_sum(node_feature, node2graph, num_segments=NG)
    return graph_feature, node_feature

if __name__ == "__main__":
    import jax
    _d = setup_inputs()
    print(jax.jit(kernel)(*tuple(_d.values())))

</pallas_src>

<mosaic_0001>
#map = affine_map<(d0, d1) -> (0, 0)>
#map1 = affine_map<(d0, d1) -> (0)>
module attributes {stable_mosaic.version = 14 : i64} {
  func.func @_sgate_body(%arg0: i32, %arg1: i32, %arg2: memref<10000x32xf32, #tpu.memory_space<hbm>>, %arg3: memref<163840xi32, #tpu.memory_space<hbm>>, %arg4: memref<163840xi32, #tpu.memory_space<hbm>>, %arg5: memref<32xf32, #tpu.memory_space<hbm>>, %arg6: memref<163840x32xf32, #tpu.memory_space<hbm>>, %arg7: memref<128xi32, #tpu.memory_space<vmem>>, %arg8: memref<128xi32, #tpu.memory_space<vmem>>, %arg9: memref<128x32xf32, #tpu.memory_space<vmem>>, %arg10: memref<128x32xf32, #tpu.memory_space<vmem>>, %arg11: memref<128x32xf32, #tpu.memory_space<vmem>>, %arg12: memref<32xf32, #tpu.memory_space<vmem>>, %arg13: memref<!tpu.dma_semaphore, #tpu.memory_space<semaphore_mem>>, %arg14: memref<!tpu.dma_semaphore, #tpu.memory_space<semaphore_mem>>) attributes {dimension_semantics = [#tpu.dimension_semantics<core_parallel>, #tpu.dimension_semantics<subcore_parallel>], iteration_bounds = array<i64: 2, 16>, scalar_prefetch = 0 : i64, scratch_operands = 8 : i64, tpu.core_type = #tpu.core_type<sc_vector_subcore>, window_params = [{transform_indices = #map}, {transform_indices = #map1}, {transform_indices = #map1}, {transform_indices = #map1}, {transform_indices = #map}]} {
    %mul3A = arith.constant 2 : i32
    %mul3A_0 = arith.muli %arg1, %mul3A : i32
    %add3A = arith.addi %mul3A_0, %arg0 : i32
    "tpu.region"() ({
      %run_scoped3A = tpu.sem_alloc : memref<!tpu.dma_semaphore, #tpu.memory_space<semaphore_mem>>
      tpu.enqueue_dma source(%arg5 : memref<32xf32, #tpu.memory_space<hbm>>) target(%arg12 : memref<32xf32, #tpu.memory_space<vmem>>) target_semaphore(%run_scoped3A : memref<!tpu.dma_semaphore, #tpu.memory_space<semaphore_mem>>)
      tpu.wait_dma2 semaphore(%run_scoped3A : memref<!tpu.dma_semaphore, #tpu.memory_space<semaphore_mem>>) src(%arg5 : memref<32xf32, #tpu.memory_space<hbm>>) dst(%arg12 : memref<32xf32, #tpu.memory_space<vmem>>)
      tpu.yield
    }) : () -> ()
    %get3A = arith.constant 0 : index
    %get3A_1 = tpu.vector_load %arg12[%get3A] {strides = array<i32>} : memref<32xf32, #tpu.memory_space<vmem>>, vector<16xf32>,
    %get3A_2 = vector.shape_cast %get3A_1 : vector<16xf32> to vector<16xf32>
    %get3A_3 = arith.constant 16 : index
    %get3A_4 = tpu.vector_load %arg12[%get3A_3] {strides = array<i32>} : memref<32xf32, #tpu.memory_space<vmem>>, vector<16xf32>,
    %get3A_5 = vector.shape_cast %get3A_4 : vector<16xf32> to vector<16xf32>
    %sub3A = arith.constant 1250 : i32
    %sub3A_6 = arith.subi %sub3A, %add3A : i32
    %add3A_7 = arith.constant 32 : i32
    %add3A_8 = arith.addi %sub3A_6, %add3A_7 : i32
    %sub3A_9 = arith.constant 1 : i32
    %sub3A_10 = arith.subi %add3A_8, %sub3A_9 : i32
    %jit3A = arith.constant 32 : i32
    %div3A = arith.divsi %sub3A_10, %jit3A : i32
    %sign3A = arith.constant 0 : i32
    %sign3A_11 = arith.cmpi sgt, %sub3A_10, %sign3A : i32
    %sign3A_12 = arith.extui %sign3A_11 : i1 to i32
    %sign3A_13 = arith.constant 0 : i32
    %sign3A_14 = arith.cmpi slt, %sub3A_10, %sign3A_13 : i32
    %sign3A_15 = arith.extui %sign3A_14 : i1 to i32
    %sign3A_16 = arith.subi %sign3A_12, %sign3A_15 : i32
    %sign3A_17 = arith.constant 0 : i32
    %sign3A_18 = arith.cmpi sgt, %jit3A, %sign3A_17 : i32
    %sign3A_19 = arith.extui %sign3A_18 : i1 to i32
    %sign3A_20 = arith.constant 0 : i32
    %sign3A_21 = arith.cmpi slt, %jit3A, %sign3A_20 : i32
    %sign3A_22 = arith.extui %sign3A_21 : i1 to i32
    %sign3A_23 = arith.subi %sign3A_19, %sign3A_22 : i32
    %ne3A = arith.cmpi ne, %sign3A_16, %sign3A_23 : i32
    %rem3A = arith.remsi %sub3A_10, %jit3A : i32
    %ne3A_24 = arith.constant 0 : i32
    %ne3A_25 = arith.cmpi ne, %rem3A, %ne3A_24 : i32
    %and3A = arith.andi %ne3A, %ne3A_25 : i1
    %sub3A_26 = arith.constant 1 : i32
    %sub3A_27 = arith.subi %div3A, %sub3A_26 : i32
    %select_n3A = arith.select %and3A, %sub3A_27, %div3A : i32
    %while3A = arith.constant 0 : i32
    %while3A_28 = arith.constant 0 : i32
    %while3A_29 = arith.subi %select_n3A, %while3A : i32
    %while3A_30 = arith.addi %while3A, %while3A_29 : i32
    %while3A_31 = arith.constant 1 : i32
    %while3A_32 = arith.divsi %while3A_29, %while3A_31 : i32
    %while3A_33 = arith.muli %while3A_32, %while3A_31 : i32
    %while3A_34 = arith.addi %while3A, %while3A_33 : i32
    %while3A_35 = arith.constant 1 : i32
    %while3A_36 = scf.for %while3A_39 = %while3A to %while3A_34 step %while3A_35 iter_args(%while3A_40 = %while3A_28) -> (i32)  : i32 {
      %mul3A_41 = arith.constant 32 : i32
      %mul3A_42 = arith.muli %while3A_39, %mul3A_41 : i32
      %add3A_43 = arith.addi %add3A, %mul3A_42 : i32
      %mul3A_44 = arith.constant 128 : i32
      %mul3A_45 = arith.muli %add3A_43, %mul3A_44 : i32
      "tpu.region"() ({
        %run_scoped3A = tpu.sem_alloc : memref<!tpu.dma_semaphore, #tpu.memory_space<semaphore_mem>>
        %dma_start3A_67 = tpu.memref_slice %arg3[%mul3A_45] : memref<163840xi32, #tpu.memory_space<hbm>> -> memref<128xi32, #tpu.memory_space<hbm>>
        %dma_start3A_68 = tpu.memref_slice %arg3[%mul3A_45] : memref<163840xi32, #tpu.memory_space<hbm>> -> memref<128xi32, #tpu.memory_space<hbm>>
        tpu.enqueue_dma source(%dma_start3A_68 : memref<128xi32, #tpu.memory_space<hbm>>) target(%arg7 : memref<128xi32, #tpu.memory_space<vmem>>) target_semaphore(%run_scoped3A : memref<!tpu.dma_semaphore, #tpu.memory_space<semaphore_mem>>)
        %dma_wait3A_69 = tpu.memref_slice %arg3[%mul3A_45] : memref<163840xi32, #tpu.memory_space<hbm>> -> memref<128xi32, #tpu.memory_space<hbm>>
        %dma_wait3A_70 = tpu.memref_slice %arg3[%mul3A_45] : memref<163840xi32, #tpu.memory_space<hbm>> -> memref<128xi32, #tpu.memory_space<hbm>>
        tpu.wait_dma2 semaphore(%run_scoped3A : memref<!tpu.dma_semaphore, #tpu.memory_space<semaphore_mem>>) src(%dma_wait3A_70 : memref<128xi32, #tpu.memory_space<hbm>>) dst(%arg7 : memref<128xi32, #tpu.memory_space<vmem>>)
        tpu.yield
      }) : () -> ()
      "tpu.region"() ({
        %run_scoped3A = tpu.sem_alloc : memref<!tpu.dma_semaphore, #tpu.memory_space<semaphore_mem>>
        %dma_start3A_67 = tpu.memref_slice %arg4[%mul3A_45] : memref<163840xi32, #tpu.memory_space<hbm>> -> memref<128xi32, #tpu.memory_space<hbm>>
        %dma_start3A_68 = tpu.memref_slice %arg4[%mul3A_45] : memref<163840xi32, #tpu.memory_space<hbm>> -> memref<128xi32, #tpu.memory_space<hbm>>
        tpu.enqueue_dma source(%dma_start3A_68 : memref<128xi32, #tpu.memory_space<hbm>>) target(%arg8 : memref<128xi32, #tpu.memory_space<vmem>>) target_semaphore(%run_scoped3A : memref<!tpu.dma_semaphore, #tpu.memory_space<semaphore_mem>>)
        %dma_wait3A_69 = tpu.memref_slice %arg4[%mul3A_45] : memref<163840xi32, #tpu.memory_space<hbm>> -> memref<128xi32, #tpu.memory_space<hbm>>
        %dma_wait3A_70 = tpu.memref_slice %arg4[%mul3A_45] : memref<163840xi32, #tpu.memory_space<hbm>> -> memref<128xi32, #tpu.memory_space<hbm>>
        tpu.wait_dma2 semaphore(%run_scoped3A : memref<!tpu.dma_semaphore, #tpu.memory_space<semaphore_mem>>) src(%dma_wait3A_70 : memref<128xi32, #tpu.memory_space<hbm>>) dst(%arg8 : memref<128xi32, #tpu.memory_space<vmem>>)
        tpu.yield
      }) : () -> ()
      %dma_start3A = arith.constant 0 : i32
      %dma_start3A_46 = arith.constant 0 : i32
      %dma_start3A_47 = tpu.memref_slice %arg2[%dma_start3A, %dma_start3A_46] : memref<10000x32xf32, #tpu.memory_space<hbm>> -> memref<10000x32xf32, #tpu.memory_space<hbm>>
      tpu.enqueue_indirect_dma source(%dma_start3A_47 : memref<10000x32xf32, #tpu.memory_space<hbm>>) target(%arg9 : memref<128x32xf32, #tpu.memory_space<vmem>>) offsets(%arg7 : memref<128xi32, #tpu.memory_space<vmem>>) semaphore(%arg13 : memref<!tpu.dma_semaphore, #tpu.memory_space<semaphore_mem>>)
      %dma_start3A_48 = arith.constant 0 : i32
      %dma_start3A_49 = arith.constant 0 : i32
      %dma_start3A_50 = tpu.memref_slice %arg2[%dma_start3A_48, %dma_start3A_49] : memref<10000x32xf32, #tpu.memory_space<hbm>> -> memref<10000x32xf32, #tpu.memory_space<hbm>>
      tpu.enqueue_indirect_dma source(%dma_start3A_50 : memref<10000x32xf32, #tpu.memory_space<hbm>>) target(%arg10 : memref<128x32xf32, #tpu.memory_space<vmem>>) offsets(%arg8 : memref<128xi32, #tpu.memory_space<vmem>>) semaphore(%arg14 : memref<!tpu.dma_semaphore, #tpu.memory_space<semaphore_mem>>)
      %dma_wait3A = arith.constant 0 : i32
      %dma_wait3A_51 = arith.constant 0 : i32
      %dma_wait3A_52 = tpu.memref_slice %arg2[%dma_wait3A, %dma_wait3A_51] : memref<10000x32xf32, #tpu.memory_space<hbm>> -> memref<10000x32xf32, #tpu.memory_space<hbm>>
      tpu.wait_indirect_dma semaphore(%arg13 : memref<!tpu.dma_semaphore, #tpu.memory_space<semaphore_mem>>) src(%dma_wait3A_52 : memref<10000x32xf32, #tpu.memory_space<hbm>>) dst(%arg9 : memref<128x32xf32, #tpu.memory_space<vmem>>)
      %dma_wait3A_53 = arith.constant 0 : i32
      %dma_wait3A_54 = arith.constant 0 : i32
      %dma_wait3A_55 = tpu.memref_slice %arg2[%dma_wait3A_53, %dma_wait3A_54] : memref<10000x32xf32, #tpu.memory_space<hbm>> -> memref<10000x32xf32, #tpu.memory_space<hbm>>
      tpu.wait_indirect_dma semaphore(%arg14 : memref<!tpu.dma_semaphore, #tpu.memory_space<semaphore_mem>>) src(%dma_wait3A_55 : memref<10000x32xf32, #tpu.memory_space<hbm>>) dst(%arg10 : memref<128x32xf32, #tpu.memory_space<vmem>>)
      %lt3A = arith.constant 1250 : i32
      %lt3A_56 = arith.cmpi slt, %while3A_39, %lt3A : i32
      %jit3A_57 = arith.constant 1.000000e+00 : f32
      %jit3A_58 = arith.constant 0.000000e+00 : f32
      %select_n3A_59 = arith.select %lt3A_56, %jit3A_57, %jit3A_58 : f32
      %scan3A = arith.constant 0 : i32
      %scan3A_60 = arith.constant 0 : i32
      %scan3A_61 = arith.constant 128 : i32
      %scan3A_62 = arith.addi %scan3A_60, %scan3A_61 : i32
      %scan3A_63 = arith.constant 1 : i32
      %scan3A_64 = scf.for %scan3A_67 = %scan3A_60 to %scan3A_62 step %scan3A_63 iter_args(%scan3A_68 = %scan3A) -> (i32)  : i32 {
        %get3A_69 = arith.index_cast %scan3A_67 : i32 to index
        %get3A_70 = arith.constant 0 : index
        %get3A_71 = tpu.vector_load %arg9[%get3A_69, %get3A_70] {strides = array<i32>} : memref<128x32xf32, #tpu.memory_space<vmem>>, vector<1x16xf32>,
        %get3A_72 = vector.shape_cast %get3A_71 : vector<1x16xf32> to vector<16xf32>
        %get3A_73 = arith.index_cast %scan3A_67 : i32 to index
        %get3A_74 = arith.constant 0 : index
        %get3A_75 = tpu.vector_load %arg10[%get3A_73, %get3A_74] {strides = array<i32>} : memref<128x32xf32, #tpu.memory_space<vmem>>, vector<1x16xf32>,
        %get3A_76 = vector.shape_cast %get3A_75 : vector<1x16xf32> to vector<16xf32>
        %sub3A_77 = arith.subf %get3A_72, %get3A_76 : vector<16xf32>
        %add3A_78 = arith.addf %sub3A_77, %get3A_2 : vector<16xf32>
        %max3A = arith.constant 0.000000e+00 : f32
        %max3A_79 = vector.broadcast %max3A : f32 to vector<16xf32>
        %max3A_80 = arith.maximumf %add3A_78, %max3A_79 : vector<16xf32>
        %get3A_81 = arith.index_cast %scan3A_67 : i32 to index
        %get3A_82 = arith.constant 16 : index
        %get3A_83 = tpu.vector_load %arg9[%get3A_81, %get3A_82] {strides = array<i32>} : memref<128x32xf32, #tpu.memory_space<vmem>>, vector<1x16xf32>,
        %get3A_84 = vector.shape_cast %get3A_83 : vector<1x16xf32> to vector<16xf32>
        %get3A_85 = arith.index_cast %scan3A_67 : i32 to index
        %get3A_86 = arith.constant 16 : index
        %get3A_87 = tpu.vector_load %arg10[%get3A_85, %get3A_86] {strides = array<i32>} : memref<128x32xf32, #tpu.memory_space<vmem>>, vector<1x16xf32>,
        %get3A_88 = vector.shape_cast %get3A_87 : vector<1x16xf32> to vector<16xf32>
        %sub3A_89 = arith.subf %get3A_84, %get3A_88 : vector<16xf32>
        %add3A_90 = arith.addf %sub3A_89, %get3A_5 : vector<16xf32>
        %max3A_91 = arith.constant 0.000000e+00 : f32
        %max3A_92 = vector.broadcast %max3A_91 : f32 to vector<16xf32>
        %max3A_93 = arith.maximumf %add3A_90, %max3A_92 : vector<16xf32>
        %mul3A_94 = vector.broadcast %select_n3A_59 : f32 to vector<16xf32>
        %mul3A_95 = arith.mulf %max3A_80, %mul3A_94 : vector<16xf32>
        %swap3A = arith.index_cast %scan3A_67 : i32 to index
        %swap3A_96 = arith.constant 0 : index
        %swap3A_97 = tpu.vector_load %arg11[%swap3A, %swap3A_96] {strides = array<i32>} : memref<128x32xf32, #tpu.memory_space<vmem>>, vector<1x16xf32>,
        %swap3A_98 = vector.shape_cast %swap3A_97 : vector<1x16xf32> to vector<16xf32>
        %swap3A_99 = vector.shape_cast %mul3A_95 : vector<16xf32> to vector<1x16xf32>
        tpu.vector_store %arg11[%swap3A, %swap3A_96], %swap3A_99 {strides = array<i32>} : memref<128x32xf32, #tpu.memory_space<vmem>>, vector<1x16xf32>,
        %mul3A_100 = vector.broadcast %select_n3A_59 : f32 to vector<16xf32>
        %mul3A_101 = arith.mulf %max3A_93, %mul3A_100 : vector<16xf32>
        %swap3A_102 = arith.index_cast %scan3A_67 : i32 to index
        %swap3A_103 = arith.constant 16 : index
        %swap3A_104 = tpu.vector_load %arg11[%swap3A_102, %swap3A_103] {strides = array<i32>} : memref<128x32xf32, #tpu.memory_space<vmem>>, vector<1x16xf32>,
        %swap3A_105 = vector.shape_cast %swap3A_104 : vector<1x16xf32> to vector<16xf32>
        %swap3A_106 = vector.shape_cast %mul3A_101 : vector<16xf32> to vector<1x16xf32>
        tpu.vector_store %arg11[%swap3A_102, %swap3A_103], %swap3A_106 {strides = array<i32>} : memref<128x32xf32, #tpu.memory_space<vmem>>, vector<1x16xf32>,
        %scan3A_107 = arith.constant 0 : i32
        scf.yield %scan3A_107 : i32
      }
      %scan3A_65 = arith.constant 128 : i32
      "tpu.region"() ({
        %run_scoped3A = tpu.sem_alloc : memref<!tpu.dma_semaphore, #tpu.memory_space<semaphore_mem>>
        %dma_start3A_67 = arith.constant 0 : i32
        %dma_start3A_68 = tpu.memref_slice %arg6[%mul3A_45, %dma_start3A_67] : memref<163840x32xf32, #tpu.memory_space<hbm>> -> memref<128x32xf32, #tpu.memory_space<hbm>>
        %dma_start3A_69 = arith.constant 0 : i32
        %dma_start3A_70 = tpu.memref_slice %arg6[%mul3A_45, %dma_start3A_69] : memref<163840x32xf32, #tpu.memory_space<hbm>> -> memref<128x32xf32, #tpu.memory_space<hbm>>
        tpu.enqueue_dma source(%arg11 : memref<128x32xf32, #tpu.memory_space<vmem>>) target(%dma_start3A_70 : memref<128x32xf32, #tpu.memory_space<hbm>>) target_semaphore(%run_scoped3A : memref<!tpu.dma_semaphore, #tpu.memory_space<semaphore_mem>>)
        %dma_wait3A_71 = arith.constant 0 : i32
        %dma_wait3A_72 = tpu.memref_slice %arg6[%mul3A_45, %dma_wait3A_71] : memref<163840x32xf32, #tpu.memory_space<hbm>> -> memref<128x32xf32, #tpu.memory_space<hbm>>
        %dma_wait3A_73 = arith.constant 0 : i32
        %dma_wait3A_74 = tpu.memref_slice %arg6[%mul3A_45, %dma_wait3A_73] : memref<163840x32xf32, #tpu.memory_space<hbm>> -> memref<128x32xf32, #tpu.memory_space<hbm>>
        tpu.wait_dma2 semaphore(%run_scoped3A : memref<!tpu.dma_semaphore, #tpu.memory_space<semaphore_mem>>) src(%arg11 : memref<128x32xf32, #tpu.memory_space<vmem>>) dst(%dma_wait3A_74 : memref<128x32xf32, #tpu.memory_space<hbm>>)
        tpu.yield
      }) : () -> ()
      %while3A_66 = arith.constant 0 : i32
      scf.yield %while3A_66 : i32
    }
    %while3A_37 = arith.constant 1 : i32
    %while3A_38 = scf.for %while3A_39 = %while3A_34 to %while3A_30 step %while3A_37 iter_args(%while3A_40 = %while3A_36) -> (i32)  : i32 {
      %mul3A_41 = arith.constant 32 : i32
      %mul3A_42 = arith.muli %while3A_39, %mul3A_41 : i32
      %add3A_43 = arith.addi %add3A, %mul3A_42 : i32
      %mul3A_44 = arith.constant 128 : i32
      %mul3A_45 = arith.muli %add3A_43, %mul3A_44 : i32
      "tpu.region"() ({
        %run_scoped3A = tpu.sem_alloc : memref<!tpu.dma_semaphore, #tpu.memory_space<semaphore_mem>>
        %dma_start3A_67 = tpu.memref_slice %arg3[%mul3A_45] : memref<163840xi32, #tpu.memory_space<hbm>> -> memref<128xi32, #tpu.memory_space<hbm>>
        %dma_start3A_68 = tpu.memref_slice %arg3[%mul3A_45] : memref<163840xi32, #tpu.memory_space<hbm>> -> memref<128xi32, #tpu.memory_space<hbm>>
        tpu.enqueue_dma source(%dma_start3A_68 : memref<128xi32, #tpu.memory_space<hbm>>) target(%arg7 : memref<128xi32, #tpu.memory_space<vmem>>) target_semaphore(%run_scoped3A : memref<!tpu.dma_semaphore, #tpu.memory_space<semaphore_mem>>)
        %dma_wait3A_69 = tpu.memref_slice %arg3[%mul3A_45] : memref<163840xi32, #tpu.memory_space<hbm>> -> memref<128xi32, #tpu.memory_space<hbm>>
        %dma_wait3A_70 = tpu.memref_slice %arg3[%mul3A_45] : memref<163840xi32, #tpu.memory_space<hbm>> -> memref<128xi32, #tpu.memory_space<hbm>>
        tpu.wait_dma2 semaphore(%run_scoped3A : memref<!tpu.dma_semaphore, #tpu.memory_space<semaphore_mem>>) src(%dma_wait3A_70 : memref<128xi32, #tpu.memory_space<hbm>>) dst(%arg7 : memref<128xi32, #tpu.memory_space<vmem>>)
        tpu.yield
      }) : () -> ()
      "tpu.region"() ({
        %run_scoped3A = tpu.sem_alloc : memref<!tpu.dma_semaphore, #tpu.memory_space<semaphore_mem>>
        %dma_start3A_67 = tpu.memref_slice %arg4[%mul3A_45] : memref<163840xi32, #tpu.memory_space<hbm>> -> memref<128xi32, #tpu.memory_space<hbm>>
        %dma_start3A_68 = tpu.memref_slice %arg4[%mul3A_45] : memref<163840xi32, #tpu.memory_space<hbm>> -> memref<128xi32, #tpu.memory_space<hbm>>
        tpu.enqueue_dma source(%dma_start3A_68 : memref<128xi32, #tpu.memory_space<hbm>>) target(%arg8 : memref<128xi32, #tpu.memory_space<vmem>>) target_semaphore(%run_scoped3A : memref<!tpu.dma_semaphore, #tpu.memory_space<semaphore_mem>>)
        %dma_wait3A_69 = tpu.memref_slice %arg4[%mul3A_45] : memref<163840xi32, #tpu.memory_space<hbm>> -> memref<128xi32, #tpu.memory_space<hbm>>
        %dma_wait3A_70 = tpu.memref_slice %arg4[%mul3A_45] : memref<163840xi32, #tpu.memory_space<hbm>> -> memref<128xi32, #tpu.memory_space<hbm>>
        tpu.wait_dma2 semaphore(%run_scoped3A : memref<!tpu.dma_semaphore, #tpu.memory_space<semaphore_mem>>) src(%dma_wait3A_70 : memref<128xi32, #tpu.memory_space<hbm>>) dst(%arg8 : memref<128xi32, #tpu.memory_space<vmem>>)
        tpu.yield
      }) : () -> ()
      %dma_start3A = arith.constant 0 : i32
      %dma_start3A_46 = arith.constant 0 : i32
      %dma_start3A_47 = tpu.memref_slice %arg2[%dma_start3A, %dma_start3A_46] : memref<10000x32xf32, #tpu.memory_space<hbm>> -> memref<10000x32xf32, #tpu.memory_space<hbm>>
      tpu.enqueue_indirect_dma source(%dma_start3A_47 : memref<10000x32xf32, #tpu.memory_space<hbm>>) target(%arg9 : memref<128x32xf32, #tpu.memory_space<vmem>>) offsets(%arg7 : memref<128xi32, #tpu.memory_space<vmem>>) semaphore(%arg13 : memref<!tpu.dma_semaphore, #tpu.memory_space<semaphore_mem>>)
      %dma_start3A_48 = arith.constant 0 : i32
      %dma_start3A_49 = arith.constant 0 : i32
      %dma_start3A_50 = tpu.memref_slice %arg2[%dma_start3A_48, %dma_start3A_49] : memref<10000x32xf32, #tpu.memory_space<hbm>> -> memref<10000x32xf32, #tpu.memory_space<hbm>>
      tpu.enqueue_indirect_dma source(%dma_start3A_50 : memref<10000x32xf32, #tpu.memory_space<hbm>>) target(%arg10 : memref<128x32xf32, #tpu.memory_space<vmem>>) offsets(%arg8 : memref<128xi32, #tpu.memory_space<vmem>>) semaphore(%arg14 : memref<!tpu.dma_semaphore, #tpu.memory_space<semaphore_mem>>)
      %dma_wait3A = arith.constant 0 : i32
      %dma_wait3A_51 = arith.constant 0 : i32
      %dma_wait3A_52 = tpu.memref_slice %arg2[%dma_wait3A, %dma_wait3A_51] : memref<10000x32xf32, #tpu.memory_space<hbm>> -> memref<10000x32xf32, #tpu.memory_space<hbm>>
      tpu.wait_indirect_dma semaphore(%arg13 : memref<!tpu.dma_semaphore, #tpu.memory_space<semaphore_mem>>) src(%dma_wait3A_52 : memref<10000x32xf32, #tpu.memory_space<hbm>>) dst(%arg9 : memref<128x32xf32, #tpu.memory_space<vmem>>)
      %dma_wait3A_53 = arith.constant 0 : i32
      %dma_wait3A_54 = arith.constant 0 : i32
      %dma_wait3A_55 = tpu.memref_slice %arg2[%dma_wait3A_53, %dma_wait3A_54] : memref<10000x32xf32, #tpu.memory_space<hbm>> -> memref<10000x32xf32, #tpu.memory_space<hbm>>
      tpu.wait_indirect_dma semaphore(%arg14 : memref<!tpu.dma_semaphore, #tpu.memory_space<semaphore_mem>>) src(%dma_wait3A_55 : memref<10000x32xf32, #tpu.memory_space<hbm>>) dst(%arg10 : memref<128x32xf32, #tpu.memory_space<vmem>>)
      %lt3A = arith.constant 1250 : i32
      %lt3A_56 = arith.cmpi slt, %while3A_39, %lt3A : i32
      %jit3A_57 = arith.constant 1.000000e+00 : f32
      %jit3A_58 = arith.constant 0.000000e+00 : f32
      %select_n3A_59 = arith.select %lt3A_56, %jit3A_57, %jit3A_58 : f32
      %scan3A = arith.constant 0 : i32
      %scan3A_60 = arith.constant 0 : i32
      %scan3A_61 = arith.constant 128 : i32
      %scan3A_62 = arith.addi %scan3A_60, %scan3A_61 : i32
      %scan3A_63 = arith.constant 1 : i32
      %scan3A_64 = scf.for %scan3A_67 = %scan3A_60 to %scan3A_62 step %scan3A_63 iter_args(%scan3A_68 = %scan3A) -> (i32)  : i32 {
        %get3A_69 = arith.index_cast %scan3A_67 : i32 to index
        %get3A_70 = arith.constant 0 : index
        %get3A_71 = tpu.vector_load %arg9[%get3A_69, %get3A_70] {strides = array<i32>} : memref<128x32xf32, #tpu.memory_space<vmem>>, vector<1x16xf32>,
        %get3A_72 = vector.shape_cast %get3A_71 : vector<1x16xf32> to vector<16xf32>
        %get3A_73 = arith.index_cast %scan3A_67 : i32 to index
        %get3A_74 = arith.constant 0 : index
        %get3A_75 = tpu.vector_load %arg10[%get3A_73, %get3A_74] {strides = array<i32>} : memref<128x32xf32, #tpu.memory_space<vmem>>, vector<1x16xf32>,
        %get3A_76 = vector.shape_cast %get3A_75 : vector<1x16xf32> to vector<16xf32>
        %sub3A_77 = arith.subf %get3A_72, %get3A_76 : vector<16xf32>
        %add3A_78 = arith.addf %sub3A_77, %get3A_2 : vector<16xf32>
        %max3A = arith.constant 0.000000e+00 : f32
        %max3A_79 = vector.broadcast %max3A : f32 to vector<16xf32>
        %max3A_80 = arith.maximumf %add3A_78, %max3A_79 : vector<16xf32>
        %get3A_81 = arith.index_cast %scan3A_67 : i32 to index
        %get3A_82 = arith.constant 16 : index
        %get3A_83 = tpu.vector_load %arg9[%get3A_81, %get3A_82] {strides = array<i32>} : memref<128x32xf32, #tpu.memory_space<vmem>>, vector<1x16xf32>,
        %get3A_84 = vector.shape_cast %get3A_83 : vector<1x16xf32> to vector<16xf32>
        %get3A_85 = arith.index_cast %scan3A_67 : i32 to index
        %get3A_86 = arith.constant 16 : index
        %get3A_87 = tpu.vector_load %arg10[%get3A_85, %get3A_86] {strides = array<i32>} : memref<128x32xf32, #tpu.memory_space<vmem>>, vector<1x16xf32>,
        %get3A_88 = vector.shape_cast %get3A_87 : vector<1x16xf32> to vector<16xf32>
        %sub3A_89 = arith.subf %get3A_84, %get3A_88 : vector<16xf32>
        %add3A_90 = arith.addf %sub3A_89, %get3A_5 : vector<16xf32>
        %max3A_91 = arith.constant 0.000000e+00 : f32
        %max3A_92 = vector.broadcast %max3A_91 : f32 to vector<16xf32>
        %max3A_93 = arith.maximumf %add3A_90, %max3A_92 : vector<16xf32>
        %mul3A_94 = vector.broadcast %select_n3A_59 : f32 to vector<16xf32>
        %mul3A_95 = arith.mulf %max3A_80, %mul3A_94 : vector<16xf32>
        %swap3A = arith.index_cast %scan3A_67 : i32 to index
        %swap3A_96 = arith.constant 0 : index
        %swap3A_97 = tpu.vector_load %arg11[%swap3A, %swap3A_96] {strides = array<i32>} : memref<128x32xf32, #tpu.memory_space<vmem>>, vector<1x16xf32>,
        %swap3A_98 = vector.shape_cast %swap3A_97 : vector<1x16xf32> to vector<16xf32>
        %swap3A_99 = vector.shape_cast %mul3A_95 : vector<16xf32> to vector<1x16xf32>
        tpu.vector_store %arg11[%swap3A, %swap3A_96], %swap3A_99 {strides = array<i32>} : memref<128x32xf32, #tpu.memory_space<vmem>>, vector<1x16xf32>,
        %mul3A_100 = vector.broadcast %select_n3A_59 : f32 to vector<16xf32>
        %mul3A_101 = arith.mulf %max3A_93, %mul3A_100 : vector<16xf32>
        %swap3A_102 = arith.index_cast %scan3A_67 : i32 to index
        %swap3A_103 = arith.constant 16 : index
        %swap3A_104 = tpu.vector_load %arg11[%swap3A_102, %swap3A_103] {strides = array<i32>} : memref<128x32xf32, #tpu.memory_space<vmem>>, vector<1x16xf32>,
        %swap3A_105 = vector.shape_cast %swap3A_104 : vector<1x16xf32> to vector<16xf32>
        %swap3A_106 = vector.shape_cast %mul3A_101 : vector<16xf32> to vector<1x16xf32>
        tpu.vector_store %arg11[%swap3A_102, %swap3A_103], %swap3A_106 {strides = array<i32>} : memref<128x32xf32, #tpu.memory_space<vmem>>, vector<1x16xf32>,
        %scan3A_107 = arith.constant 0 : i32
        scf.yield %scan3A_107 : i32
      }
      %scan3A_65 = arith.constant 128 : i32
      "tpu.region"() ({
        %run_scoped3A = tpu.sem_alloc : memref<!tpu.dma_semaphore, #tpu.memory_space<semaphore_mem>>
        %dma_start3A_67 = arith.constant 0 : i32
        %dma_start3A_68 = tpu.memref_slice %arg6[%mul3A_45, %dma_start3A_67] : memref<163840x32xf32, #tpu.memory_space<hbm>> -> memref<128x32xf32, #tpu.memory_space<hbm>>
        %dma_start3A_69 = arith.constant 0 : i32
        %dma_start3A_70 = tpu.memref_slice %arg6[%mul3A_45, %dma_start3A_69] : memref<163840x32xf32, #tpu.memory_space<hbm>> -> memref<128x32xf32, #tpu.memory_space<hbm>>
        tpu.enqueue_dma source(%arg11 : memref<128x32xf32, #tpu.memory_space<vmem>>) target(%dma_start3A_70 : memref<128x32xf32, #tpu.memory_space<hbm>>) target_semaphore(%run_scoped3A : memref<!tpu.dma_semaphore, #tpu.memory_space<semaphore_mem>>)
        %dma_wait3A_71 = arith.constant 0 : i32
        %dma_wait3A_72 = tpu.memref_slice %arg6[%mul3A_45, %dma_wait3A_71] : memref<163840x32xf32, #tpu.memory_space<hbm>> -> memref<128x32xf32, #tpu.memory_space<hbm>>
        %dma_wait3A_73 = arith.constant 0 : i32
        %dma_wait3A_74 = tpu.memref_slice %arg6[%mul3A_45, %dma_wait3A_73] : memref<163840x32xf32, #tpu.memory_space<hbm>> -> memref<128x32xf32, #tpu.memory_space<hbm>>
        tpu.wait_dma2 semaphore(%run_scoped3A : memref<!tpu.dma_semaphore, #tpu.memory_space<semaphore_mem>>) src(%arg11 : memref<128x32xf32, #tpu.memory_space<vmem>>) dst(%dma_wait3A_74 : memref<128x32xf32, #tpu.memory_space<hbm>>)
        tpu.yield
      }) : () -> ()
      %while3A_66 = arith.constant 0 : i32
      scf.yield %while3A_66 : i32
    }
    return
  }
}

#map = affine_map<(d0, d1) -> (0, 0)>
#map1 = affine_map<(d0, d1) -> (0)>
#map2 = affine_map<(d0, d1) -> (0, 0, 0)>
module attributes {stable_mosaic.version = 14 : i64} {
  func.func @_sedge_body(%arg0: i32, %arg1: i32, %arg2: memref<10240x128xf32, #tpu.memory_space<hbm>>, %arg3: memref<163840x32xf32, #tpu.memory_space<hbm>>, %arg4: memref<163840xi32, #tpu.memory_space<hbm>>, %arg5: memref<163840xi32, #tpu.memory_space<hbm>>, %arg6: memref<10240x16xf32, #tpu.memory_space<hbm>>, %arg7: memref<2x10240x16xf32, #tpu.memory_space<hbm>>, %arg8: memref<10240x16xf32, #tpu.memory_space<vmem_shared>>, %arg9: memref<128xi32, #tpu.memory_space<vmem>>, %arg10: memref<128xi32, #tpu.memory_space<vmem>>, %arg11: memref<128x32xf32, #tpu.memory_space<vmem>>, %arg12: memref<128x128xf32, #tpu.memory_space<vmem>>, %arg13: memref<128x16xf32, #tpu.memory_space<vmem>>, %arg14: memref<!tpu.dma_semaphore, #tpu.memory_space<semaphore_mem>>) attributes {dimension_semantics = [#tpu.dimension_semantics<core_parallel>, #tpu.dimension_semantics<subcore_parallel>], iteration_bounds = array<i64: 2, 16>, scalar_prefetch = 0 : i64, scratch_operands = 7 : i64, tpu.core_type = #tpu.core_type<sc_vector_subcore>, window_params = [{transform_indices = #map}, {transform_indices = #map}, {transform_indices = #map1}, {transform_indices = #map1}, {transform_indices = #map}, {transform_indices = #map2}]} {
    %mul3A = arith.constant 2 : i32
    %mul3A_0 = arith.muli %arg1, %mul3A : i32
    %add3A = arith.addi %mul3A_0, %arg0 : i32
    %mul3A_1 = arith.constant 640 : i32
    %mul3A_2 = arith.muli %arg1, %mul3A_1 : i32
    %mul3A_3 = arith.constant 640 : i32
    %mul3A_4 = arith.muli %arg1, %mul3A_3 : i32
    "tpu.region"() ({
      %run_scoped3A = tpu.sem_alloc : memref<!tpu.dma_semaphore, #tpu.memory_space<semaphore_mem>>
      %dma_start3A = arith.constant 0 : i32
      %dma_start3A_43 = tpu.memref_slice %arg8[%mul3A_4, %dma_start3A] : memref<10240x16xf32, #tpu.memory_space<vmem_shared>> -> memref<640x16xf32, #tpu.memory_space<vmem_shared>>
      %dma_start3A_44 = arith.constant 0 : i32
      %dma_start3A_45 = tpu.memref_slice %arg6[%mul3A_2, %dma_start3A_44] : memref<10240x16xf32, #tpu.memory_space<hbm>> -> memref<640x16xf32, #tpu.memory_space<hbm>>
      tpu.enqueue_dma source(%dma_start3A_45 : memref<640x16xf32, #tpu.memory_space<hbm>>) target(%dma_start3A_43 : memref<640x16xf32, #tpu.memory_space<vmem_shared>>) target_semaphore(%run_scoped3A : memref<!tpu.dma_semaphore, #tpu.memory_space<semaphore_mem>>)
      %dma_wait3A = arith.constant 0 : i32
      %dma_wait3A_46 = tpu.memref_slice %arg8[%mul3A_4, %dma_wait3A] : memref<10240x16xf32, #tpu.memory_space<vmem_shared>> -> memref<640x16xf32, #tpu.memory_space<vmem_shared>>
      %dma_wait3A_47 = arith.constant 0 : i32
      %dma_wait3A_48 = tpu.memref_slice %arg6[%mul3A_2, %dma_wait3A_47] : memref<10240x16xf32, #tpu.memory_space<hbm>> -> memref<640x16xf32, #tpu.memory_space<hbm>>
      tpu.wait_dma2 semaphore(%run_scoped3A : memref<!tpu.dma_semaphore, #tpu.memory_space<semaphore_mem>>) src(%dma_wait3A_48 : memref<640x16xf32, #tpu.memory_space<hbm>>) dst(%dma_wait3A_46 : memref<640x16xf32, #tpu.memory_space<vmem_shared>>)
      tpu.yield
    }) : () -> ()
    %barrier3A = arith.constant 0 : index
    tpu.barrier barrier_id(%barrier3A)
    %sub3A = arith.constant 1250 : i32
    %sub3A_5 = arith.subi %sub3A, %add3A : i32
    %add3A_6 = arith.constant 32 : i32
    %add3A_7 = arith.addi %sub3A_5, %add3A_6 : i32
    %sub3A_8 = arith.constant 1 : i32
    %sub3A_9 = arith.subi %add3A_7, %sub3A_8 : i32
    %jit3A = arith.constant 32 : i32
    %div3A = arith.divsi %sub3A_9, %jit3A : i32
    %sign3A = arith.constant 0 : i32
    %sign3A_10 = arith.cmpi sgt, %sub3A_9, %sign3A : i32
    %sign3A_11 = arith.extui %sign3A_10 : i1 to i32
    %sign3A_12 = arith.constant 0 : i32
    %sign3A_13 = arith.cmpi slt, %sub3A_9, %sign3A_12 : i32
    %sign3A_14 = arith.extui %sign3A_13 : i1 to i32
    %sign3A_15 = arith.subi %sign3A_11, %sign3A_14 : i32
    %sign3A_16 = arith.constant 0 : i32
    %sign3A_17 = arith.cmpi sgt, %jit3A, %sign3A_16 : i32
    %sign3A_18 = arith.extui %sign3A_17 : i1 to i32
    %sign3A_19 = arith.constant 0 : i32
    %sign3A_20 = arith.cmpi slt, %jit3A, %sign3A_19 : i32
    %sign3A_21 = arith.extui %sign3A_20 : i1 to i32
    %sign3A_22 = arith.subi %sign3A_18, %sign3A_21 : i32
    %ne3A = arith.cmpi ne, %sign3A_15, %sign3A_22 : i32
    %rem3A = arith.remsi %sub3A_9, %jit3A : i32
    %ne3A_23 = arith.constant 0 : i32
    %ne3A_24 = arith.cmpi ne, %rem3A, %ne3A_23 : i32
    %and3A = arith.andi %ne3A, %ne3A_24 : i1
    %sub3A_25 = arith.constant 1 : i32
    %sub3A_26 = arith.subi %div3A, %sub3A_25 : i32
    %select_n3A = arith.select %and3A, %sub3A_26, %div3A : i32
    %while3A = arith.constant 0 : i32
    %while3A_27 = arith.constant 0 : i32
    %while3A_28 = arith.subi %select_n3A, %while3A : i32
    %while3A_29 = arith.addi %while3A, %while3A_28 : i32
    %while3A_30 = arith.constant 1 : i32
    %while3A_31 = arith.divsi %while3A_28, %while3A_30 : i32
    %while3A_32 = arith.muli %while3A_31, %while3A_30 : i32
    %while3A_33 = arith.addi %while3A, %while3A_32 : i32
    %while3A_34 = arith.constant 1 : i32
    %while3A_35 = scf.for %while3A_43 = %while3A to %while3A_33 step %while3A_34 iter_args(%while3A_44 = %while3A_27) -> (i32)  : i32 {
      %mul3A_45 = arith.constant 32 : i32
      %mul3A_46 = arith.muli %while3A_43, %mul3A_45 : i32
      %add3A_47 = arith.addi %add3A, %mul3A_46 : i32
      %mul3A_48 = arith.constant 128 : i32
      %mul3A_49 = arith.muli %add3A_47, %mul3A_48 : i32
      "tpu.region"() ({
        %run_scoped3A = tpu.sem_alloc : memref<!tpu.dma_semaphore, #tpu.memory_space<semaphore_mem>>
        %dma_start3A_61 = tpu.memref_slice %arg4[%mul3A_49] : memref<163840xi32, #tpu.memory_space<hbm>> -> memref<128xi32, #tpu.memory_space<hbm>>
        %dma_start3A_62 = tpu.memref_slice %arg4[%mul3A_49] : memref<163840xi32, #tpu.memory_space<hbm>> -> memref<128xi32, #tpu.memory_space<hbm>>
        tpu.enqueue_dma source(%dma_start3A_62 : memref<128xi32, #tpu.memory_space<hbm>>) target(%arg9 : memref<128xi32, #tpu.memory_space<vmem>>) target_semaphore(%run_scoped3A : memref<!tpu.dma_semaphore, #tpu.memory_space<semaphore_mem>>)
        %dma_wait3A_63 = tpu.memref_slice %arg4[%mul3A_49] : memref<163840xi32, #tpu.memory_space<hbm>> -> memref<128xi32, #tpu.memory_space<hbm>>
        %dma_wait3A_64 = tpu.memref_slice %arg4[%mul3A_49] : memref<163840xi32, #tpu.memory_space<hbm>> -> memref<128xi32, #tpu.memory_space<hbm>>
        tpu.wait_dma2 semaphore(%run_scoped3A : memref<!tpu.dma_semaphore, #tpu.memory_space<semaphore_mem>>) src(%dma_wait3A_64 : memref<128xi32, #tpu.memory_space<hbm>>) dst(%arg9 : memref<128xi32, #tpu.memory_space<vmem>>)
        tpu.yield
      }) : () -> ()
      "tpu.region"() ({
        %run_scoped3A = tpu.sem_alloc : memref<!tpu.dma_semaphore, #tpu.memory_space<semaphore_mem>>
        %dma_start3A_61 = tpu.memref_slice %arg5[%mul3A_49] : memref<163840xi32, #tpu.memory_space<hbm>> -> memref<128xi32, #tpu.memory_space<hbm>>
        %dma_start3A_62 = tpu.memref_slice %arg5[%mul3A_49] : memref<163840xi32, #tpu.memory_space<hbm>> -> memref<128xi32, #tpu.memory_space<hbm>>
        tpu.enqueue_dma source(%dma_start3A_62 : memref<128xi32, #tpu.memory_space<hbm>>) target(%arg10 : memref<128xi32, #tpu.memory_space<vmem>>) target_semaphore(%run_scoped3A : memref<!tpu.dma_semaphore, #tpu.memory_space<semaphore_mem>>)
        %dma_wait3A_63 = tpu.memref_slice %arg5[%mul3A_49] : memref<163840xi32, #tpu.memory_space<hbm>> -> memref<128xi32, #tpu.memory_space<hbm>>
        %dma_wait3A_64 = tpu.memref_slice %arg5[%mul3A_49] : memref<163840xi32, #tpu.memory_space<hbm>> -> memref<128xi32, #tpu.memory_space<hbm>>
        tpu.wait_dma2 semaphore(%run_scoped3A : memref<!tpu.dma_semaphore, #tpu.memory_space<semaphore_mem>>) src(%dma_wait3A_64 : memref<128xi32, #tpu.memory_space<hbm>>) dst(%arg10 : memref<128xi32, #tpu.memory_space<vmem>>)
        tpu.yield
      }) : () -> ()
      "tpu.region"() ({
        %run_scoped3A = tpu.sem_alloc : memref<!tpu.dma_semaphore, #tpu.memory_space<semaphore_mem>>
        %dma_start3A_61 = arith.constant 0 : i32
        %dma_start3A_62 = tpu.memref_slice %arg3[%mul3A_49, %dma_start3A_61] : memref<163840x32xf32, #tpu.memory_space<hbm>> -> memref<128x32xf32, #tpu.memory_space<hbm>>
        %dma_start3A_63 = arith.constant 0 : i32
        %dma_start3A_64 = tpu.memref_slice %arg3[%mul3A_49, %dma_start3A_63] : memref<163840x32xf32, #tpu.memory_space<hbm>> -> memref<128x32xf32, #tpu.memory_space<hbm>>
        tpu.enqueue_dma source(%dma_start3A_64 : memref<128x32xf32, #tpu.memory_space<hbm>>) target(%arg11 : memref<128x32xf32, #tpu.memory_space<vmem>>) target_semaphore(%run_scoped3A : memref<!tpu.dma_semaphore, #tpu.memory_space<semaphore_mem>>)
        %dma_wait3A_65 = arith.constant 0 : i32
        %dma_wait3A_66 = tpu.memref_slice %arg3[%mul3A_49, %dma_wait3A_65] : memref<163840x32xf32, #tpu.memory_space<hbm>> -> memref<128x32xf32, #tpu.memory_space<hbm>>
        %dma_wait3A_67 = arith.constant 0 : i32
        %dma_wait3A_68 = tpu.memref_slice %arg3[%mul3A_49, %dma_wait3A_67] : memref<163840x32xf32, #tpu.memory_space<hbm>> -> memref<128x32xf32, #tpu.memory_space<hbm>>
        tpu.wait_dma2 semaphore(%run_scoped3A : memref<!tpu.dma_semaphore, #tpu.memory_space<semaphore_mem>>) src(%dma_wait3A_68 : memref<128x32xf32, #tpu.memory_space<hbm>>) dst(%arg11 : memref<128x32xf32, #tpu.memory_space<vmem>>)
        tpu.yield
      }) : () -> ()
      %dma_start3A = arith.constant 0 : i32
      %dma_start3A_50 = arith.constant 0 : i32
      %dma_start3A_51 = tpu.memref_slice %arg2[%dma_start3A, %dma_start3A_50] : memref<10240x128xf32, #tpu.memory_space<hbm>> -> memref<10240x128xf32, #tpu.memory_space<hbm>>
      tpu.enqueue_indirect_dma source(%dma_start3A_51 : memref<10240x128xf32, #tpu.memory_space<hbm>>) target(%arg12 : memref<128x128xf32, #tpu.memory_space<vmem>>) offsets(%arg9 : memref<128xi32, #tpu.memory_space<vmem>>) semaphore(%arg14 : memref<!tpu.dma_semaphore, #tpu.memory_space<semaphore_mem>>)
      %dma_wait3A = arith.constant 0 : i32
      %dma_wait3A_52 = arith.constant 0 : i32
      %dma_wait3A_53 = tpu.memref_slice %arg2[%dma_wait3A, %dma_wait3A_52] : memref<10240x128xf32, #tpu.memory_space<hbm>> -> memref<10240x128xf32, #tpu.memory_space<hbm>>
      tpu.wait_indirect_dma semaphore(%arg14 : memref<!tpu.dma_semaphore, #tpu.memory_space<semaphore_mem>>) src(%dma_wait3A_53 : memref<10240x128xf32, #tpu.memory_space<hbm>>) dst(%arg12 : memref<128x128xf32, #tpu.memory_space<vmem>>)
      %scan3A = arith.constant 0 : i32
      %scan3A_54 = arith.constant 0 : i32
      %scan3A_55 = arith.constant 128 : i32
      %scan3A_56 = arith.addi %scan3A_54, %scan3A_55 : i32
      %scan3A_57 = arith.constant 1 : i32
      %scan3A_58 = scf.for %scan3A_61 = %scan3A_54 to %scan3A_56 step %scan3A_57 iter_args(%scan3A_62 = %scan3A) -> (i32)  : i32 {
        %get3A = arith.index_cast %scan3A_61 : i32 to index
        %get3A_63 = arith.constant 16 : index
        %get3A_64 = tpu.vector_load %arg11[%get3A, %get3A_63] {strides = array<i32>} : memref<128x32xf32, #tpu.memory_space<vmem>>, vector<1x16xf32>,
        %get3A_65 = vector.shape_cast %get3A_64 : vector<1x16xf32> to vector<16xf32>
        %slice3A = vector.extract_strided_slice %get3A_65 {offsets = [0], sizes = [1], strides = [1]} : vector<16xf32> to vector<1xf32>
        %squeeze3A = vector.extract %slice3A[0] : f32 from vector<1xf32>
        %get3A_66 = arith.index_cast %scan3A_61 : i32 to index
        %get3A_67 = arith.constant 0 : index
        %get3A_68 = tpu.vector_load %arg12[%get3A_66, %get3A_67] {strides = array<i32>} : memref<128x128xf32, #tpu.memory_space<vmem>>, vector<1x16xf32>,
        %get3A_69 = vector.shape_cast %get3A_68 : vector<1x16xf32> to vector<16xf32>
        %mul3A_70 = vector.broadcast %squeeze3A : f32 to vector<16xf32>
        %mul3A_71 = arith.mulf %mul3A_70, %get3A_69 : vector<16xf32>
        %slice3A_72 = vector.extract_strided_slice %get3A_65 {offsets = [1], sizes = [1], strides = [1]} : vector<16xf32> to vector<1xf32>
        %squeeze3A_73 = vector.extract %slice3A_72[0] : f32 from vector<1xf32>
        %get3A_74 = arith.index_cast %scan3A_61 : i32 to index
        %get3A_75 = arith.constant 16 : index
        %get3A_76 = tpu.vector_load %arg12[%get3A_74, %get3A_75] {strides = array<i32>} : memref<128x128xf32, #tpu.memory_space<vmem>>, vector<1x16xf32>,
        %get3A_77 = vector.shape_cast %get3A_76 : vector<1x16xf32> to vector<16xf32>
        %mul3A_78 = vector.broadcast %squeeze3A_73 : f32 to vector<16xf32>
        %mul3A_79 = arith.mulf %mul3A_78, %get3A_77 : vector<16xf32>
        %add3A_80 = arith.addf %mul3A_71, %mul3A_79 : vector<16xf32>
        %slice3A_81 = vector.extract_strided_slice %get3A_65 {offsets = [2], sizes = [1], strides = [1]} : vector<16xf32> to vector<1xf32>
        %squeeze3A_82 = vector.extract %slice3A_81[0] : f32 from vector<1xf32>
        %get3A_83 = arith.index_cast %scan3A_61 : i32 to index
        %get3A_84 = arith.constant 32 : index
        %get3A_85 = tpu.vector_load %arg12[%get3A_83, %get3A_84] {strides = array<i32>} : memref<128x128xf32, #tpu.memory_space<vmem>>, vector<1x16xf32>,
        %get3A_86 = vector.shape_cast %get3A_85 : vector<1x16xf32> to vector<16xf32>
        %mul3A_87 = vector.broadcast %squeeze3A_82 : f32 to vector<16xf32>
        %mul3A_88 = arith.mulf %mul3A_87, %get3A_86 : vector<16xf32>
        %add3A_89 = arith.addf %add3A_80, %mul3A_88 : vector<16xf32>
        %slice3A_90 = vector.extract_strided_slice %get3A_65 {offsets = [3], sizes = [1], strides = [1]} : vector<16xf32> to vector<1xf32>
        %squeeze3A_91 = vector.extract %slice3A_90[0] : f32 from vector<1xf32>
        %get3A_92 = arith.index_cast %scan3A_61 : i32 to index
        %get3A_93 = arith.constant 48 : index
        %get3A_94 = tpu.vector_load %arg12[%get3A_92, %get3A_93] {strides = array<i32>} : memref<128x128xf32, #tpu.memory_space<vmem>>, vector<1x16xf32>,
        %get3A_95 = vector.shape_cast %get3A_94 : vector<1x16xf32> to vector<16xf32>
        %mul3A_96 = vector.broadcast %squeeze3A_91 : f32 to vector<16xf32>
        %mul3A_97 = arith.mulf %mul3A_96, %get3A_95 : vector<16xf32>
        %add3A_98 = arith.addf %add3A_89, %mul3A_97 : vector<16xf32>
        %slice3A_99 = vector.extract_strided_slice %get3A_65 {offsets = [4], sizes = [1], strides = [1]} : vector<16xf32> to vector<1xf32>
        %squeeze3A_100 = vector.extract %slice3A_99[0] : f32 from vector<1xf32>
        %get3A_101 = arith.index_cast %scan3A_61 : i32 to index
        %get3A_102 = arith.constant 64 : index
        %get3A_103 = tpu.vector_load %arg12[%get3A_101, %get3A_102] {strides = array<i32>} : memref<128x128xf32, #tpu.memory_space<vmem>>, vector<1x16xf32>,
        %get3A_104 = vector.shape_cast %get3A_103 : vector<1x16xf32> to vector<16xf32>
        %mul3A_105 = vector.broadcast %squeeze3A_100 : f32 to vector<16xf32>
        %mul3A_106 = arith.mulf %mul3A_105, %get3A_104 : vector<16xf32>
        %add3A_107 = arith.addf %add3A_98, %mul3A_106 : vector<16xf32>
        %slice3A_108 = vector.extract_strided_slice %get3A_65 {offsets = [5], sizes = [1], strides = [1]} : vector<16xf32> to vector<1xf32>
        %squeeze3A_109 = vector.extract %slice3A_108[0] : f32 from vector<1xf32>
        %get3A_110 = arith.index_cast %scan3A_61 : i32 to index
        %get3A_111 = arith.constant 80 : index
        %get3A_112 = tpu.vector_load %arg12[%get3A_110, %get3A_111] {strides = array<i32>} : memref<128x128xf32, #tpu.memory_space<vmem>>, vector<1x16xf32>,
        %get3A_113 = vector.shape_cast %get3A_112 : vector<1x16xf32> to vector<16xf32>
        %mul3A_114 = vector.broadcast %squeeze3A_109 : f32 to vector<16xf32>
        %mul3A_115 = arith.mulf %mul3A_114, %get3A_113 : vector<16xf32>
        %add3A_116 = arith.addf %add3A_107, %mul3A_115 : vector<16xf32>
        %slice3A_117 = vector.extract_strided_slice %get3A_65 {offsets = [6], sizes = [1], strides = [1]} : vector<16xf32> to vector<1xf32>
        %squeeze3A_118 = vector.extract %slice3A_117[0] : f32 from vector<1xf32>
        %get3A_119 = arith.index_cast %scan3A_61 : i32 to index
        %get3A_120 = arith.constant 96 : index
        %get3A_121 = tpu.vector_load %arg12[%get3A_119, %get3A_120] {strides = array<i32>} : memref<128x128xf32, #tpu.memory_space<vmem>>, vector<1x16xf32>,
        %get3A_122 = vector.shape_cast %get3A_121 : vector<1x16xf32> to vector<16xf32>
        %mul3A_123 = vector.broadcast %squeeze3A_118 : f32 to vector<16xf32>
        %mul3A_124 = arith.mulf %mul3A_123, %get3A_122 : vector<16xf32>
        %add3A_125 = arith.addf %add3A_116, %mul3A_124 : vector<16xf32>
        %slice3A_126 = vector.extract_strided_slice %get3A_65 {offsets = [7], sizes = [1], strides = [1]} : vector<16xf32> to vector<1xf32>
        %squeeze3A_127 = vector.extract %slice3A_126[0] : f32 from vector<1xf32>
        %get3A_128 = arith.index_cast %scan3A_61 : i32 to index
        %get3A_129 = arith.constant 112 : index
        %get3A_130 = tpu.vector_load %arg12[%get3A_128, %get3A_129] {strides = array<i32>} : memref<128x128xf32, #tpu.memory_space<vmem>>, vector<1x16xf32>,
        %get3A_131 = vector.shape_cast %get3A_130 : vector<1x16xf32> to vector<16xf32>
        %mul3A_132 = vector.broadcast %squeeze3A_127 : f32 to vector<16xf32>
        %mul3A_133 = arith.mulf %mul3A_132, %get3A_131 : vector<16xf32>
        %add3A_134 = arith.addf %add3A_125, %mul3A_133 : vector<16xf32>
        %swap3A = arith.index_cast %scan3A_61 : i32 to index
        %swap3A_135 = arith.constant 0 : index
        %swap3A_136 = tpu.vector_load %arg13[%swap3A, %swap3A_135] {strides = array<i32>} : memref<128x16xf32, #tpu.memory_space<vmem>>, vector<1x16xf32>,
        %swap3A_137 = vector.shape_cast %swap3A_136 : vector<1x16xf32> to vector<16xf32>
        %swap3A_138 = vector.shape_cast %add3A_134 : vector<16xf32> to vector<1x16xf32>
        tpu.vector_store %arg13[%swap3A, %swap3A_135], %swap3A_138 {strides = array<i32>} : memref<128x16xf32, #tpu.memory_space<vmem>>, vector<1x16xf32>,
        %scan3A_139 = arith.constant 0 : i32
        scf.yield %scan3A_139 : i32
      }
      %scan3A_59 = arith.constant 128 : i32
      "tpu.region"() ({
        %run_scoped3A = tpu.sem_alloc : memref<!tpu.dma_semaphore, #tpu.memory_space<semaphore_mem>>
        %dma_start3A_61 = arith.constant 0 : i32
        %dma_start3A_62 = arith.constant 0 : i32
        %dma_start3A_63 = tpu.memref_slice %arg8[%dma_start3A_61, %dma_start3A_62] : memref<10240x16xf32, #tpu.memory_space<vmem_shared>> -> memref<10240x16xf32, #tpu.memory_space<vmem_shared>>
        tpu.enqueue_indirect_dma source(%arg13 : memref<128x16xf32, #tpu.memory_space<vmem>>) target(%dma_start3A_63 : memref<10240x16xf32, #tpu.memory_space<vmem_shared>>) offsets(%arg10 : memref<128xi32, #tpu.memory_space<vmem>>) semaphore(%run_scoped3A : memref<!tpu.dma_semaphore, #tpu.memory_space<semaphore_mem>>) {add = true}
        %dma_wait3A_64 = arith.constant 0 : i32
        %dma_wait3A_65 = arith.constant 0 : i32
        %dma_wait3A_66 = tpu.memref_slice %arg8[%dma_wait3A_64, %dma_wait3A_65] : memref<10240x16xf32, #tpu.memory_space<vmem_shared>> -> memref<10240x16xf32, #tpu.memory_space<vmem_shared>>
        tpu.wait_indirect_dma semaphore(%run_scoped3A : memref<!tpu.dma_semaphore, #tpu.memory_space<semaphore_mem>>) src(%arg13 : memref<128x16xf32, #tpu.memory_space<vmem>>) dst(%dma_wait3A_66 : memref<10240x16xf32, #tpu.memory_space<vmem_shared>>)
        tpu.yield
      }) : () -> ()
      %while3A_60 = arith.constant 0 : i32
      scf.yield %while3A_60 : i32
    }
    %while3A_36 = arith.constant 1 : i32
    %while3A_37 = scf.for %while3A_43 = %while3A_33 to %while3A_29 step %while3A_36 iter_args(%while3A_44 = %while3A_35) -> (i32)  : i32 {
      %mul3A_45 = arith.constant 32 : i32
      %mul3A_46 = arith.muli %while3A_43, %mul3A_45 : i32
      %add3A_47 = arith.addi %add3A, %mul3A_46 : i32
      %mul3A_48 = arith.constant 128 : i32
      %mul3A_49 = arith.muli %add3A_47, %mul3A_48 : i32
      "tpu.region"() ({
        %run_scoped3A = tpu.sem_alloc : memref<!tpu.dma_semaphore, #tpu.memory_space<semaphore_mem>>
        %dma_start3A_61 = tpu.memref_slice %arg4[%mul3A_49] : memref<163840xi32, #tpu.memory_space<hbm>> -> memref<128xi32, #tpu.memory_space<hbm>>
        %dma_start3A_62 = tpu.memref_slice %arg4[%mul3A_49] : memref<163840xi32, #tpu.memory_space<hbm>> -> memref<128xi32, #tpu.memory_space<hbm>>
        tpu.enqueue_dma source(%dma_start3A_62 : memref<128xi32, #tpu.memory_space<hbm>>) target(%arg9 : memref<128xi32, #tpu.memory_space<vmem>>) target_semaphore(%run_scoped3A : memref<!tpu.dma_semaphore, #tpu.memory_space<semaphore_mem>>)
        %dma_wait3A_63 = tpu.memref_slice %arg4[%mul3A_49] : memref<163840xi32, #tpu.memory_space<hbm>> -> memref<128xi32, #tpu.memory_space<hbm>>
        %dma_wait3A_64 = tpu.memref_slice %arg4[%mul3A_49] : memref<163840xi32, #tpu.memory_space<hbm>> -> memref<128xi32, #tpu.memory_space<hbm>>
        tpu.wait_dma2 semaphore(%run_scoped3A : memref<!tpu.dma_semaphore, #tpu.memory_space<semaphore_mem>>) src(%dma_wait3A_64 : memref<128xi32, #tpu.memory_space<hbm>>) dst(%arg9 : memref<128xi32, #tpu.memory_space<vmem>>)
        tpu.yield
      }) : () -> ()
      "tpu.region"() ({
        %run_scoped3A = tpu.sem_alloc : memref<!tpu.dma_semaphore, #tpu.memory_space<semaphore_mem>>
        %dma_start3A_61 = tpu.memref_slice %arg5[%mul3A_49] : memref<163840xi32, #tpu.memory_space<hbm>> -> memref<128xi32, #tpu.memory_space<hbm>>
        %dma_start3A_62 = tpu.memref_slice %arg5[%mul3A_49] : memref<163840xi32, #tpu.memory_space<hbm>> -> memref<128xi32, #tpu.memory_space<hbm>>
        tpu.enqueue_dma source(%dma_start3A_62 : memref<128xi32, #tpu.memory_space<hbm>>) target(%arg10 : memref<128xi32, #tpu.memory_space<vmem>>) target_semaphore(%run_scoped3A : memref<!tpu.dma_semaphore, #tpu.memory_space<semaphore_mem>>)
        %dma_wait3A_63 = tpu.memref_slice %arg5[%mul3A_49] : memref<163840xi32, #tpu.memory_space<hbm>> -> memref<128xi32, #tpu.memory_space<hbm>>
        %dma_wait3A_64 = tpu.memref_slice %arg5[%mul3A_49] : memref<163840xi32, #tpu.memory_space<hbm>> -> memref<128xi32, #tpu.memory_space<hbm>>
        tpu.wait_dma2 semaphore(%run_scoped3A : memref<!tpu.dma_semaphore, #tpu.memory_space<semaphore_mem>>) src(%dma_wait3A_64 : memref<128xi32, #tpu.memory_space<hbm>>) dst(%arg10 : memref<128xi32, #tpu.memory_space<vmem>>)
        tpu.yield
      }) : () -> ()
      "tpu.region"() ({
        %run_scoped3A = tpu.sem_alloc : memref<!tpu.dma_semaphore, #tpu.memory_space<semaphore_mem>>
        %dma_start3A_61 = arith.constant 0 : i32
        %dma_start3A_62 = tpu.memref_slice %arg3[%mul3A_49, %dma_start3A_61] : memref<163840x32xf32, #tpu.memory_space<hbm>> -> memref<128x32xf32, #tpu.memory_space<hbm>>
        %dma_start3A_63 = arith.constant 0 : i32
        %dma_start3A_64 = tpu.memref_slice %arg3[%mul3A_49, %dma_start3A_63] : memref<163840x32xf32, #tpu.memory_space<hbm>> -> memref<128x32xf32, #tpu.memory_space<hbm>>
        tpu.enqueue_dma source(%dma_start3A_64 : memref<128x32xf32, #tpu.memory_space<hbm>>) target(%arg11 : memref<128x32xf32, #tpu.memory_space<vmem>>) target_semaphore(%run_scoped3A : memref<!tpu.dma_semaphore, #tpu.memory_space<semaphore_mem>>)
        %dma_wait3A_65 = arith.constant 0 : i32
        %dma_wait3A_66 = tpu.memref_slice %arg3[%mul3A_49, %dma_wait3A_65] : memref<163840x32xf32, #tpu.memory_space<hbm>> -> memref<128x32xf32, #tpu.memory_space<hbm>>
        %dma_wait3A_67 = arith.constant 0 : i32
        %dma_wait3A_68 = tpu.memref_slice %arg3[%mul3A_49, %dma_wait3A_67] : memref<163840x32xf32, #tpu.memory_space<hbm>> -> memref<128x32xf32, #tpu.memory_space<hbm>>
        tpu.wait_dma2 semaphore(%run_scoped3A : memref<!tpu.dma_semaphore, #tpu.memory_space<semaphore_mem>>) src(%dma_wait3A_68 : memref<128x32xf32, #tpu.memory_space<hbm>>) dst(%arg11 : memref<128x32xf32, #tpu.memory_space<vmem>>)
        tpu.yield
      }) : () -> ()
      %dma_start3A = arith.constant 0 : i32
      %dma_start3A_50 = arith.constant 0 : i32
      %dma_start3A_51 = tpu.memref_slice %arg2[%dma_start3A, %dma_start3A_50] : memref<10240x128xf32, #tpu.memory_space<hbm>> -> memref<10240x128xf32, #tpu.memory_space<hbm>>
      tpu.enqueue_indirect_dma source(%dma_start3A_51 : memref<10240x128xf32, #tpu.memory_space<hbm>>) target(%arg12 : memref<128x128xf32, #tpu.memory_space<vmem>>) offsets(%arg9 : memref<128xi32, #tpu.memory_space<vmem>>) semaphore(%arg14 : memref<!tpu.dma_semaphore, #tpu.memory_space<semaphore_mem>>)
      %dma_wait3A = arith.constant 0 : i32
      %dma_wait3A_52 = arith.constant 0 : i32
      %dma_wait3A_53 = tpu.memref_slice %arg2[%dma_wait3A, %dma_wait3A_52] : memref<10240x128xf32, #tpu.memory_space<hbm>> -> memref<10240x128xf32, #tpu.memory_space<hbm>>
      tpu.wait_indirect_dma semaphore(%arg14 : memref<!tpu.dma_semaphore, #tpu.memory_space<semaphore_mem>>) src(%dma_wait3A_53 : memref<10240x128xf32, #tpu.memory_space<hbm>>) dst(%arg12 : memref<128x128xf32, #tpu.memory_space<vmem>>)
      %scan3A = arith.constant 0 : i32
      %scan3A_54 = arith.constant 0 : i32
      %scan3A_55 = arith.constant 128 : i32
      %scan3A_56 = arith.addi %scan3A_54, %scan3A_55 : i32
      %scan3A_57 = arith.constant 1 : i32
      %scan3A_58 = scf.for %scan3A_61 = %scan3A_54 to %scan3A_56 step %scan3A_57 iter_args(%scan3A_62 = %scan3A) -> (i32)  : i32 {
        %get3A = arith.index_cast %scan3A_61 : i32 to index
        %get3A_63 = arith.constant 16 : index
        %get3A_64 = tpu.vector_load %arg11[%get3A, %get3A_63] {strides = array<i32>} : memref<128x32xf32, #tpu.memory_space<vmem>>, vector<1x16xf32>,
        %get3A_65 = vector.shape_cast %get3A_64 : vector<1x16xf32> to vector<16xf32>
        %slice3A = vector.extract_strided_slice %get3A_65 {offsets = [0], sizes = [1], strides = [1]} : vector<16xf32> to vector<1xf32>
        %squeeze3A = vector.extract %slice3A[0] : f32 from vector<1xf32>
        %get3A_66 = arith.index_cast %scan3A_61 : i32 to index
        %get3A_67 = arith.constant 0 : index
        %get3A_68 = tpu.vector_load %arg12[%get3A_66, %get3A_67] {strides = array<i32>} : memref<128x128xf32, #tpu.memory_space<vmem>>, vector<1x16xf32>,
        %get3A_69 = vector.shape_cast %get3A_68 : vector<1x16xf32> to vector<16xf32>
        %mul3A_70 = vector.broadcast %squeeze3A : f32 to vector<16xf32>
        %mul3A_71 = arith.mulf %mul3A_70, %get3A_69 : vector<16xf32>
        %slice3A_72 = vector.extract_strided_slice %get3A_65 {offsets = [1], sizes = [1], strides = [1]} : vector<16xf32> to vector<1xf32>
        %squeeze3A_73 = vector.extract %slice3A_72[0] : f32 from vector<1xf32>
        %get3A_74 = arith.index_cast %scan3A_61 : i32 to index
        %get3A_75 = arith.constant 16 : index
        %get3A_76 = tpu.vector_load %arg12[%get3A_74, %get3A_75] {strides = array<i32>} : memref<128x128xf32, #tpu.memory_space<vmem>>, vector<1x16xf32>,
        %get3A_77 = vector.shape_cast %get3A_76 : vector<1x16xf32> to vector<16xf32>
        %mul3A_78 = vector.broadcast %squeeze3A_73 : f32 to vector<16xf32>
        %mul3A_79 = arith.mulf %mul3A_78, %get3A_77 : vector<16xf32>
        %add3A_80 = arith.addf %mul3A_71, %mul3A_79 : vector<16xf32>
        %slice3A_81 = vector.extract_strided_slice %get3A_65 {offsets = [2], sizes = [1], strides = [1]} : vector<16xf32> to vector<1xf32>
        %squeeze3A_82 = vector.extract %slice3A_81[0] : f32 from vector<1xf32>
        %get3A_83 = arith.index_cast %scan3A_61 : i32 to index
        %get3A_84 = arith.constant 32 : index
        %get3A_85 = tpu.vector_load %arg12[%get3A_83, %get3A_84] {strides = array<i32>} : memref<128x128xf32, #tpu.memory_space<vmem>>, vector<1x16xf32>,
        %get3A_86 = vector.shape_cast %get3A_85 : vector<1x16xf32> to vector<16xf32>
        %mul3A_87 = vector.broadcast %squeeze3A_82 : f32 to vector<16xf32>
        %mul3A_88 = arith.mulf %mul3A_87, %get3A_86 : vector<16xf32>
        %add3A_89 = arith.addf %add3A_80, %mul3A_88 : vector<16xf32>
        %slice3A_90 = vector.extract_strided_slice %get3A_65 {offsets = [3], sizes = [1], strides = [1]} : vector<16xf32> to vector<1xf32>
        %squeeze3A_91 = vector.extract %slice3A_90[0] : f32 from vector<1xf32>
        %get3A_92 = arith.index_cast %scan3A_61 : i32 to index
        %get3A_93 = arith.constant 48 : index
        %get3A_94 = tpu.vector_load %arg12[%get3A_92, %get3A_93] {strides = array<i32>} : memref<128x128xf32, #tpu.memory_space<vmem>>, vector<1x16xf32>,
        %get3A_95 = vector.shape_cast %get3A_94 : vector<1x16xf32> to vector<16xf32>
        %mul3A_96 = vector.broadcast %squeeze3A_91 : f32 to vector<16xf32>
        %mul3A_97 = arith.mulf %mul3A_96, %get3A_95 : vector<16xf32>
        %add3A_98 = arith.addf %add3A_89, %mul3A_97 : vector<16xf32>
        %slice3A_99 = vector.extract_strided_slice %get3A_65 {offsets = [4], sizes = [1], strides = [1]} : vector<16xf32> to vector<1xf32>
        %squeeze3A_100 = vector.extract %slice3A_99[0] : f32 from vector<1xf32>
        %get3A_101 = arith.index_cast %scan3A_61 : i32 to index
        %get3A_102 = arith.constant 64 : index
        %get3A_103 = tpu.vector_load %arg12[%get3A_101, %get3A_102] {strides = array<i32>} : memref<128x128xf32, #tpu.memory_space<vmem>>, vector<1x16xf32>,
        %get3A_104 = vector.shape_cast %get3A_103 : vector<1x16xf32> to vector<16xf32>
        %mul3A_105 = vector.broadcast %squeeze3A_100 : f32 to vector<16xf32>
        %mul3A_106 = arith.mulf %mul3A_105, %get3A_104 : vector<16xf32>
        %add3A_107 = arith.addf %add3A_98, %mul3A_106 : vector<16xf32>
        %slice3A_108 = vector.extract_strided_slice %get3A_65 {offsets = [5], sizes = [1], strides = [1]} : vector<16xf32> to vector<1xf32>
        %squeeze3A_109 = vector.extract %slice3A_108[0] : f32 from vector<1xf32>
        %get3A_110 = arith.index_cast %scan3A_61 : i32 to index
        %get3A_111 = arith.constant 80 : index
        %get3A_112 = tpu.vector_load %arg12[%get3A_110, %get3A_111] {strides = array<i32>} : memref<128x128xf32, #tpu.memory_space<vmem>>, vector<1x16xf32>,
        %get3A_113 = vector.shape_cast %get3A_112 : vector<1x16xf32> to vector<16xf32>
        %mul3A_114 = vector.broadcast %squeeze3A_109 : f32 to vector<16xf32>
        %mul3A_115 = arith.mulf %mul3A_114, %get3A_113 : vector<16xf32>
        %add3A_116 = arith.addf %add3A_107, %mul3A_115 : vector<16xf32>
        %slice3A_117 = vector.extract_strided_slice %get3A_65 {offsets = [6], sizes = [1], strides = [1]} : vector<16xf32> to vector<1xf32>
        %squeeze3A_118 = vector.extract %slice3A_117[0] : f32 from vector<1xf32>
        %get3A_119 = arith.index_cast %scan3A_61 : i32 to index
        %get3A_120 = arith.constant 96 : index
        %get3A_121 = tpu.vector_load %arg12[%get3A_119, %get3A_120] {strides = array<i32>} : memref<128x128xf32, #tpu.memory_space<vmem>>, vector<1x16xf32>,
        %get3A_122 = vector.shape_cast %get3A_121 : vector<1x16xf32> to vector<16xf32>
        %mul3A_123 = vector.broadcast %squeeze3A_118 : f32 to vector<16xf32>
        %mul3A_124 = arith.mulf %mul3A_123, %get3A_122 : vector<16xf32>
        %add3A_125 = arith.addf %add3A_116, %mul3A_124 : vector<16xf32>
        %slice3A_126 = vector.extract_strided_slice %get3A_65 {offsets = [7], sizes = [1], strides = [1]} : vector<16xf32> to vector<1xf32>
        %squeeze3A_127 = vector.extract %slice3A_126[0] : f32 from vector<1xf32>
        %get3A_128 = arith.index_cast %scan3A_61 : i32 to index
        %get3A_129 = arith.constant 112 : index
        %get3A_130 = tpu.vector_load %arg12[%get3A_128, %get3A_129] {strides = array<i32>} : memref<128x128xf32, #tpu.memory_space<vmem>>, vector<1x16xf32>,
        %get3A_131 = vector.shape_cast %get3A_130 : vector<1x16xf32> to vector<16xf32>
        %mul3A_132 = vector.broadcast %squeeze3A_127 : f32 to vector<16xf32>
        %mul3A_133 = arith.mulf %mul3A_132, %get3A_131 : vector<16xf32>
        %add3A_134 = arith.addf %add3A_125, %mul3A_133 : vector<16xf32>
        %swap3A = arith.index_cast %scan3A_61 : i32 to index
        %swap3A_135 = arith.constant 0 : index
        %swap3A_136 = tpu.vector_load %arg13[%swap3A, %swap3A_135] {strides = array<i32>} : memref<128x16xf32, #tpu.memory_space<vmem>>, vector<1x16xf32>,
        %swap3A_137 = vector.shape_cast %swap3A_136 : vector<1x16xf32> to vector<16xf32>
        %swap3A_138 = vector.shape_cast %add3A_134 : vector<16xf32> to vector<1x16xf32>
        tpu.vector_store %arg13[%swap3A, %swap3A_135], %swap3A_138 {strides = array<i32>} : memref<128x16xf32, #tpu.memory_space<vmem>>, vector<1x16xf32>,
        %scan3A_139 = arith.constant 0 : i32
        scf.yield %scan3A_139 : i32
      }
      %scan3A_59 = arith.constant 128 : i32
      "tpu.region"() ({
        %run_scoped3A = tpu.sem_alloc : memref<!tpu.dma_semaphore, #tpu.memory_space<semaphore_mem>>
        %dma_start3A_61 = arith.constant 0 : i32
        %dma_start3A_62 = arith.constant 0 : i32
        %dma_start3A_63 = tpu.memref_slice %arg8[%dma_start3A_61, %dma_start3A_62] : memref<10240x16xf32, #tpu.memory_space<vmem_shared>> -> memref<10240x16xf32, #tpu.memory_space<vmem_shared>>
        tpu.enqueue_indirect_dma source(%arg13 : memref<128x16xf32, #tpu.memory_space<vmem>>) target(%dma_start3A_63 : memref<10240x16xf32, #tpu.memory_space<vmem_shared>>) offsets(%arg10 : memref<128xi32, #tpu.memory_space<vmem>>) semaphore(%run_scoped3A : memref<!tpu.dma_semaphore, #tpu.memory_space<semaphore_mem>>) {add = true}
        %dma_wait3A_64 = arith.constant 0 : i32
        %dma_wait3A_65 = arith.constant 0 : i32
        %dma_wait3A_66 = tpu.memref_slice %arg8[%dma_wait3A_64, %dma_wait3A_65] : memref<10240x16xf32, #tpu.memory_space<vmem_shared>> -> memref<10240x16xf32, #tpu.memory_space<vmem_shared>>
        tpu.wait_indirect_dma semaphore(%run_scoped3A : memref<!tpu.dma_semaphore, #tpu.memory_space<semaphore_mem>>) src(%arg13 : memref<128x16xf32, #tpu.memory_space<vmem>>) dst(%dma_wait3A_66 : memref<10240x16xf32, #tpu.memory_space<vmem_shared>>)
        tpu.yield
      }) : () -> ()
      %while3A_60 = arith.constant 0 : i32
      scf.yield %while3A_60 : i32
    }
    %barrier3A_38 = arith.constant 0 : index
    tpu.barrier barrier_id(%barrier3A_38)
    %mul3A_39 = arith.constant 640 : i32
    %mul3A_40 = arith.muli %arg1, %mul3A_39 : i32
    %mul3A_41 = arith.constant 640 : i32
    %mul3A_42 = arith.muli %arg1, %mul3A_41 : i32
    "tpu.region"() ({
      %run_scoped3A = tpu.sem_alloc : memref<!tpu.dma_semaphore, #tpu.memory_space<semaphore_mem>>
      %dma_start3A = arith.constant 0 : i32
      %dma_start3A_43 = tpu.memref_slice %arg7[%arg0, %mul3A_42, %dma_start3A] : memref<2x10240x16xf32, #tpu.memory_space<hbm>> -> memref<1x640x16xf32, #tpu.memory_space<hbm>>
      %dma_start3A_44 = tpu.memref_squeeze %dma_start3A_43 : memref<1x640x16xf32, #tpu.memory_space<hbm>> -> memref<640x16xf32, #tpu.memory_space<hbm>>
      %dma_start3A_45 = arith.constant 0 : i32
      %dma_start3A_46 = tpu.memref_slice %arg8[%mul3A_40, %dma_start3A_45] : memref<10240x16xf32, #tpu.memory_space<vmem_shared>> -> memref<640x16xf32, #tpu.memory_space<vmem_shared>>
      tpu.enqueue_dma source(%dma_start3A_46 : memref<640x16xf32, #tpu.memory_space<vmem_shared>>) target(%dma_start3A_44 : memref<640x16xf32, #tpu.memory_space<hbm>>) target_semaphore(%run_scoped3A : memref<!tpu.dma_semaphore, #tpu.memory_space<semaphore_mem>>)
      %dma_wait3A = arith.constant 0 : i32
      %dma_wait3A_47 = tpu.memref_slice %arg7[%arg0, %mul3A_42, %dma_wait3A] : memref<2x10240x16xf32, #tpu.memory_space<hbm>> -> memref<1x640x16xf32, #tpu.memory_space<hbm>>
      %dma_wait3A_48 = tpu.memref_squeeze %dma_wait3A_47 : memref<1x640x16xf32, #tpu.memory_space<hbm>> -> memref<640x16xf32, #tpu.memory_space<hbm>>
      %dma_wait3A_49 = arith.constant 0 : i32
      %dma_wait3A_50 = tpu.memref_slice %arg8[%mul3A_40, %dma_wait3A_49] : memref<10240x16xf32, #tpu.memory_space<vmem_shared>> -> memref<640x16xf32, #tpu.memory_space<vmem_shared>>
      tpu.wait_dma2 semaphore(%run_scoped3A : memref<!tpu.dma_semaphore, #tpu.memory_space<semaphore_mem>>) src(%dma_wait3A_50 : memref<640x16xf32, #tpu.memory_space<vmem_shared>>) dst(%dma_wait3A_48 : memref<640x16xf32, #tpu.memory_space<hbm>>)
      tpu.yield
    }) : () -> ()
    return
  }
}

#map = affine_map<(d0, d1) -> (0, 0)>
#map1 = affine_map<(d0, d1) -> (0)>
#map2 = affine_map<(d0, d1) -> (0, 0, 0)>
module attributes {stable_mosaic.version = 14 : i64} {
  func.func @_sedge_body(%arg0: i32, %arg1: i32, %arg2: memref<10000x128xf32, #tpu.memory_space<hbm>>, %arg3: memref<163840x32xf32, #tpu.memory_space<hbm>>, %arg4: memref<163840xi32, #tpu.memory_space<hbm>>, %arg5: memref<163840xi32, #tpu.memory_space<hbm>>, %arg6: memref<10240x16xf32, #tpu.memory_space<hbm>>, %arg7: memref<2x10240x16xf32, #tpu.memory_space<hbm>>, %arg8: memref<10240x16xf32, #tpu.memory_space<vmem_shared>>, %arg9: memref<128xi32, #tpu.memory_space<vmem>>, %arg10: memref<128xi32, #tpu.memory_space<vmem>>, %arg11: memref<128x32xf32, #tpu.memory_space<vmem>>, %arg12: memref<128x128xf32, #tpu.memory_space<vmem>>, %arg13: memref<128x16xf32, #tpu.memory_space<vmem>>, %arg14: memref<!tpu.dma_semaphore, #tpu.memory_space<semaphore_mem>>) attributes {dimension_semantics = [#tpu.dimension_semantics<core_parallel>, #tpu.dimension_semantics<subcore_parallel>], iteration_bounds = array<i64: 2, 16>, scalar_prefetch = 0 : i64, scratch_operands = 7 : i64, tpu.core_type = #tpu.core_type<sc_vector_subcore>, window_params = [{transform_indices = #map}, {transform_indices = #map}, {transform_indices = #map1}, {transform_indices = #map1}, {transform_indices = #map}, {transform_indices = #map2}]} {
    %mul3A = arith.constant 2 : i32
    %mul3A_0 = arith.muli %arg1, %mul3A : i32
    %add3A = arith.addi %mul3A_0, %arg0 : i32
    %mul3A_1 = arith.constant 640 : i32
    %mul3A_2 = arith.muli %arg1, %mul3A_1 : i32
    %mul3A_3 = arith.constant 640 : i32
    %mul3A_4 = arith.muli %arg1, %mul3A_3 : i32
    "tpu.region"() ({
      %run_scoped3A = tpu.sem_alloc : memref<!tpu.dma_semaphore, #tpu.memory_space<semaphore_mem>>
      %dma_start3A = arith.constant 0 : i32
      %dma_start3A_43 = tpu.memref_slice %arg8[%mul3A_4, %dma_start3A] : memref<10240x16xf32, #tpu.memory_space<vmem_shared>> -> memref<640x16xf32, #tpu.memory_space<vmem_shared>>
      %dma_start3A_44 = arith.constant 0 : i32
      %dma_start3A_45 = tpu.memref_slice %arg6[%mul3A_2, %dma_start3A_44] : memref<10240x16xf32, #tpu.memory_space<hbm>> -> memref<640x16xf32, #tpu.memory_space<hbm>>
      tpu.enqueue_dma source(%dma_start3A_45 : memref<640x16xf32, #tpu.memory_space<hbm>>) target(%dma_start3A_43 : memref<640x16xf32, #tpu.memory_space<vmem_shared>>) target_semaphore(%run_scoped3A : memref<!tpu.dma_semaphore, #tpu.memory_space<semaphore_mem>>)
      %dma_wait3A = arith.constant 0 : i32
      %dma_wait3A_46 = tpu.memref_slice %arg8[%mul3A_4, %dma_wait3A] : memref<10240x16xf32, #tpu.memory_space<vmem_shared>> -> memref<640x16xf32, #tpu.memory_space<vmem_shared>>
      %dma_wait3A_47 = arith.constant 0 : i32
      %dma_wait3A_48 = tpu.memref_slice %arg6[%mul3A_2, %dma_wait3A_47] : memref<10240x16xf32, #tpu.memory_space<hbm>> -> memref<640x16xf32, #tpu.memory_space<hbm>>
      tpu.wait_dma2 semaphore(%run_scoped3A : memref<!tpu.dma_semaphore, #tpu.memory_space<semaphore_mem>>) src(%dma_wait3A_48 : memref<640x16xf32, #tpu.memory_space<hbm>>) dst(%dma_wait3A_46 : memref<640x16xf32, #tpu.memory_space<vmem_shared>>)
      tpu.yield
    }) : () -> ()
    %barrier3A = arith.constant 0 : index
    tpu.barrier barrier_id(%barrier3A)
    %sub3A = arith.constant 1250 : i32
    %sub3A_5 = arith.subi %sub3A, %add3A : i32
    %add3A_6 = arith.constant 32 : i32
    %add3A_7 = arith.addi %sub3A_5, %add3A_6 : i32
    %sub3A_8 = arith.constant 1 : i32
    %sub3A_9 = arith.subi %add3A_7, %sub3A_8 : i32
    %jit3A = arith.constant 32 : i32
    %div3A = arith.divsi %sub3A_9, %jit3A : i32
    %sign3A = arith.constant 0 : i32
    %sign3A_10 = arith.cmpi sgt, %sub3A_9, %sign3A : i32
    %sign3A_11 = arith.extui %sign3A_10 : i1 to i32
    %sign3A_12 = arith.constant 0 : i32
    %sign3A_13 = arith.cmpi slt, %sub3A_9, %sign3A_12 : i32
    %sign3A_14 = arith.extui %sign3A_13 : i1 to i32
    %sign3A_15 = arith.subi %sign3A_11, %sign3A_14 : i32
    %sign3A_16 = arith.constant 0 : i32
    %sign3A_17 = arith.cmpi sgt, %jit3A, %sign3A_16 : i32
    %sign3A_18 = arith.extui %sign3A_17 : i1 to i32
    %sign3A_19 = arith.constant 0 : i32
    %sign3A_20 = arith.cmpi slt, %jit3A, %sign3A_19 : i32
    %sign3A_21 = arith.extui %sign3A_20 : i1 to i32
    %sign3A_22 = arith.subi %sign3A_18, %sign3A_21 : i32
    %ne3A = arith.cmpi ne, %sign3A_15, %sign3A_22 : i32
    %rem3A = arith.remsi %sub3A_9, %jit3A : i32
    %ne3A_23 = arith.constant 0 : i32
    %ne3A_24 = arith.cmpi ne, %rem3A, %ne3A_23 : i32
    %and3A = arith.andi %ne3A, %ne3A_24 : i1
    %sub3A_25 = arith.constant 1 : i32
    %sub3A_26 = arith.subi %div3A, %sub3A_25 : i32
    %select_n3A = arith.select %and3A, %sub3A_26, %div3A : i32
    %while3A = arith.constant 0 : i32
    %while3A_27 = arith.constant 0 : i32
    %while3A_28 = arith.subi %select_n3A, %while3A : i32
    %while3A_29 = arith.addi %while3A, %while3A_28 : i32
    %while3A_30 = arith.constant 1 : i32
    %while3A_31 = arith.divsi %while3A_28, %while3A_30 : i32
    %while3A_32 = arith.muli %while3A_31, %while3A_30 : i32
    %while3A_33 = arith.addi %while3A, %while3A_32 : i32
    %while3A_34 = arith.constant 1 : i32
    %while3A_35 = scf.for %while3A_43 = %while3A to %while3A_33 step %while3A_34 iter_args(%while3A_44 = %while3A_27) -> (i32)  : i32 {
      %mul3A_45 = arith.constant 32 : i32
      %mul3A_46 = arith.muli %while3A_43, %mul3A_45 : i32
      %add3A_47 = arith.addi %add3A, %mul3A_46 : i32
      %mul3A_48 = arith.constant 128 : i32
      %mul3A_49 = arith.muli %add3A_47, %mul3A_48 : i32
      "tpu.region"() ({
        %run_scoped3A = tpu.sem_alloc : memref<!tpu.dma_semaphore, #tpu.memory_space<semaphore_mem>>
        %dma_start3A_61 = tpu.memref_slice %arg4[%mul3A_49] : memref<163840xi32, #tpu.memory_space<hbm>> -> memref<128xi32, #tpu.memory_space<hbm>>
        %dma_start3A_62 = tpu.memref_slice %arg4[%mul3A_49] : memref<163840xi32, #tpu.memory_space<hbm>> -> memref<128xi32, #tpu.memory_space<hbm>>
        tpu.enqueue_dma source(%dma_start3A_62 : memref<128xi32, #tpu.memory_space<hbm>>) target(%arg9 : memref<128xi32, #tpu.memory_space<vmem>>) target_semaphore(%run_scoped3A : memref<!tpu.dma_semaphore, #tpu.memory_space<semaphore_mem>>)
        %dma_wait3A_63 = tpu.memref_slice %arg4[%mul3A_49] : memref<163840xi32, #tpu.memory_space<hbm>> -> memref<128xi32, #tpu.memory_space<hbm>>
        %dma_wait3A_64 = tpu.memref_slice %arg4[%mul3A_49] : memref<163840xi32, #tpu.memory_space<hbm>> -> memref<128xi32, #tpu.memory_space<hbm>>
        tpu.wait_dma2 semaphore(%run_scoped3A : memref<!tpu.dma_semaphore, #tpu.memory_space<semaphore_mem>>) src(%dma_wait3A_64 : memref<128xi32, #tpu.memory_space<hbm>>) dst(%arg9 : memref<128xi32, #tpu.memory_space<vmem>>)
        tpu.yield
      }) : () -> ()
      "tpu.region"() ({
        %run_scoped3A = tpu.sem_alloc : memref<!tpu.dma_semaphore, #tpu.memory_space<semaphore_mem>>
        %dma_start3A_61 = tpu.memref_slice %arg5[%mul3A_49] : memref<163840xi32, #tpu.memory_space<hbm>> -> memref<128xi32, #tpu.memory_space<hbm>>
        %dma_start3A_62 = tpu.memref_slice %arg5[%mul3A_49] : memref<163840xi32, #tpu.memory_space<hbm>> -> memref<128xi32, #tpu.memory_space<hbm>>
        tpu.enqueue_dma source(%dma_start3A_62 : memref<128xi32, #tpu.memory_space<hbm>>) target(%arg10 : memref<128xi32, #tpu.memory_space<vmem>>) target_semaphore(%run_scoped3A : memref<!tpu.dma_semaphore, #tpu.memory_space<semaphore_mem>>)
        %dma_wait3A_63 = tpu.memref_slice %arg5[%mul3A_49] : memref<163840xi32, #tpu.memory_space<hbm>> -> memref<128xi32, #tpu.memory_space<hbm>>
        %dma_wait3A_64 = tpu.memref_slice %arg5[%mul3A_49] : memref<163840xi32, #tpu.memory_space<hbm>> -> memref<128xi32, #tpu.memory_space<hbm>>
        tpu.wait_dma2 semaphore(%run_scoped3A : memref<!tpu.dma_semaphore, #tpu.memory_space<semaphore_mem>>) src(%dma_wait3A_64 : memref<128xi32, #tpu.memory_space<hbm>>) dst(%arg10 : memref<128xi32, #tpu.memory_space<vmem>>)
        tpu.yield
      }) : () -> ()
      "tpu.region"() ({
        %run_scoped3A = tpu.sem_alloc : memref<!tpu.dma_semaphore, #tpu.memory_space<semaphore_mem>>
        %dma_start3A_61 = arith.constant 0 : i32
        %dma_start3A_62 = tpu.memref_slice %arg3[%mul3A_49, %dma_start3A_61] : memref<163840x32xf32, #tpu.memory_space<hbm>> -> memref<128x32xf32, #tpu.memory_space<hbm>>
        %dma_start3A_63 = arith.constant 0 : i32
        %dma_start3A_64 = tpu.memref_slice %arg3[%mul3A_49, %dma_start3A_63] : memref<163840x32xf32, #tpu.memory_space<hbm>> -> memref<128x32xf32, #tpu.memory_space<hbm>>
        tpu.enqueue_dma source(%dma_start3A_64 : memref<128x32xf32, #tpu.memory_space<hbm>>) target(%arg11 : memref<128x32xf32, #tpu.memory_space<vmem>>) target_semaphore(%run_scoped3A : memref<!tpu.dma_semaphore, #tpu.memory_space<semaphore_mem>>)
        %dma_wait3A_65 = arith.constant 0 : i32
        %dma_wait3A_66 = tpu.memref_slice %arg3[%mul3A_49, %dma_wait3A_65] : memref<163840x32xf32, #tpu.memory_space<hbm>> -> memref<128x32xf32, #tpu.memory_space<hbm>>
        %dma_wait3A_67 = arith.constant 0 : i32
        %dma_wait3A_68 = tpu.memref_slice %arg3[%mul3A_49, %dma_wait3A_67] : memref<163840x32xf32, #tpu.memory_space<hbm>> -> memref<128x32xf32, #tpu.memory_space<hbm>>
        tpu.wait_dma2 semaphore(%run_scoped3A : memref<!tpu.dma_semaphore, #tpu.memory_space<semaphore_mem>>) src(%dma_wait3A_68 : memref<128x32xf32, #tpu.memory_space<hbm>>) dst(%arg11 : memref<128x32xf32, #tpu.memory_space<vmem>>)
        tpu.yield
      }) : () -> ()
      %dma_start3A = arith.constant 0 : i32
      %dma_start3A_50 = arith.constant 0 : i32
      %dma_start3A_51 = tpu.memref_slice %arg2[%dma_start3A, %dma_start3A_50] : memref<10000x128xf32, #tpu.memory_space<hbm>> -> memref<10000x128xf32, #tpu.memory_space<hbm>>
      tpu.enqueue_indirect_dma source(%dma_start3A_51 : memref<10000x128xf32, #tpu.memory_space<hbm>>) target(%arg12 : memref<128x128xf32, #tpu.memory_space<vmem>>) offsets(%arg9 : memref<128xi32, #tpu.memory_space<vmem>>) semaphore(%arg14 : memref<!tpu.dma_semaphore, #tpu.memory_space<semaphore_mem>>)
      %dma_wait3A = arith.constant 0 : i32
      %dma_wait3A_52 = arith.constant 0 : i32
      %dma_wait3A_53 = tpu.memref_slice %arg2[%dma_wait3A, %dma_wait3A_52] : memref<10000x128xf32, #tpu.memory_space<hbm>> -> memref<10000x128xf32, #tpu.memory_space<hbm>>
      tpu.wait_indirect_dma semaphore(%arg14 : memref<!tpu.dma_semaphore, #tpu.memory_space<semaphore_mem>>) src(%dma_wait3A_53 : memref<10000x128xf32, #tpu.memory_space<hbm>>) dst(%arg12 : memref<128x128xf32, #tpu.memory_space<vmem>>)
      %scan3A = arith.constant 0 : i32
      %scan3A_54 = arith.constant 0 : i32
      %scan3A_55 = arith.constant 128 : i32
      %scan3A_56 = arith.addi %scan3A_54, %scan3A_55 : i32
      %scan3A_57 = arith.constant 1 : i32
      %scan3A_58 = scf.for %scan3A_61 = %scan3A_54 to %scan3A_56 step %scan3A_57 iter_args(%scan3A_62 = %scan3A) -> (i32)  : i32 {
        %get3A = arith.index_cast %scan3A_61 : i32 to index
        %get3A_63 = arith.constant 0 : index
        %get3A_64 = tpu.vector_load %arg11[%get3A, %get3A_63] {strides = array<i32>} : memref<128x32xf32, #tpu.memory_space<vmem>>, vector<1x16xf32>,
        %get3A_65 = vector.shape_cast %get3A_64 : vector<1x16xf32> to vector<16xf32>
        %slice3A = vector.extract_strided_slice %get3A_65 {offsets = [0], sizes = [1], strides = [1]} : vector<16xf32> to vector<1xf32>
        %squeeze3A = vector.extract %slice3A[0] : f32 from vector<1xf32>
        %get3A_66 = arith.index_cast %scan3A_61 : i32 to index
        %get3A_67 = arith.constant 0 : index
        %get3A_68 = tpu.vector_load %arg12[%get3A_66, %get3A_67] {strides = array<i32>} : memref<128x128xf32, #tpu.memory_space<vmem>>, vector<1x16xf32>,
        %get3A_69 = vector.shape_cast %get3A_68 : vector<1x16xf32> to vector<16xf32>
        %mul3A_70 = vector.broadcast %squeeze3A : f32 to vector<16xf32>
        %mul3A_71 = arith.mulf %mul3A_70, %get3A_69 : vector<16xf32>
        %slice3A_72 = vector.extract_strided_slice %get3A_65 {offsets = [1], sizes = [1], strides = [1]} : vector<16xf32> to vector<1xf32>
        %squeeze3A_73 = vector.extract %slice3A_72[0] : f32 from vector<1xf32>
        %get3A_74 = arith.index_cast %scan3A_61 : i32 to index
        %get3A_75 = arith.constant 16 : index
        %get3A_76 = tpu.vector_load %arg12[%get3A_74, %get3A_75] {strides = array<i32>} : memref<128x128xf32, #tpu.memory_space<vmem>>, vector<1x16xf32>,
        %get3A_77 = vector.shape_cast %get3A_76 : vector<1x16xf32> to vector<16xf32>
        %mul3A_78 = vector.broadcast %squeeze3A_73 : f32 to vector<16xf32>
        %mul3A_79 = arith.mulf %mul3A_78, %get3A_77 : vector<16xf32>
        %add3A_80 = arith.addf %mul3A_71, %mul3A_79 : vector<16xf32>
        %slice3A_81 = vector.extract_strided_slice %get3A_65 {offsets = [2], sizes = [1], strides = [1]} : vector<16xf32> to vector<1xf32>
        %squeeze3A_82 = vector.extract %slice3A_81[0] : f32 from vector<1xf32>
        %get3A_83 = arith.index_cast %scan3A_61 : i32 to index
        %get3A_84 = arith.constant 32 : index
        %get3A_85 = tpu.vector_load %arg12[%get3A_83, %get3A_84] {strides = array<i32>} : memref<128x128xf32, #tpu.memory_space<vmem>>, vector<1x16xf32>,
        %get3A_86 = vector.shape_cast %get3A_85 : vector<1x16xf32> to vector<16xf32>
        %mul3A_87 = vector.broadcast %squeeze3A_82 : f32 to vector<16xf32>
        %mul3A_88 = arith.mulf %mul3A_87, %get3A_86 : vector<16xf32>
        %add3A_89 = arith.addf %add3A_80, %mul3A_88 : vector<16xf32>
        %slice3A_90 = vector.extract_strided_slice %get3A_65 {offsets = [3], sizes = [1], strides = [1]} : vector<16xf32> to vector<1xf32>
        %squeeze3A_91 = vector.extract %slice3A_90[0] : f32 from vector<1xf32>
        %get3A_92 = arith.index_cast %scan3A_61 : i32 to index
        %get3A_93 = arith.constant 48 : index
        %get3A_94 = tpu.vector_load %arg12[%get3A_92, %get3A_93] {strides = array<i32>} : memref<128x128xf32, #tpu.memory_space<vmem>>, vector<1x16xf32>,
        %get3A_95 = vector.shape_cast %get3A_94 : vector<1x16xf32> to vector<16xf32>
        %mul3A_96 = vector.broadcast %squeeze3A_91 : f32 to vector<16xf32>
        %mul3A_97 = arith.mulf %mul3A_96, %get3A_95 : vector<16xf32>
        %add3A_98 = arith.addf %add3A_89, %mul3A_97 : vector<16xf32>
        %slice3A_99 = vector.extract_strided_slice %get3A_65 {offsets = [4], sizes = [1], strides = [1]} : vector<16xf32> to vector<1xf32>
        %squeeze3A_100 = vector.extract %slice3A_99[0] : f32 from vector<1xf32>
        %get3A_101 = arith.index_cast %scan3A_61 : i32 to index
        %get3A_102 = arith.constant 64 : index
        %get3A_103 = tpu.vector_load %arg12[%get3A_101, %get3A_102] {strides = array<i32>} : memref<128x128xf32, #tpu.memory_space<vmem>>, vector<1x16xf32>,
        %get3A_104 = vector.shape_cast %get3A_103 : vector<1x16xf32> to vector<16xf32>
        %mul3A_105 = vector.broadcast %squeeze3A_100 : f32 to vector<16xf32>
        %mul3A_106 = arith.mulf %mul3A_105, %get3A_104 : vector<16xf32>
        %add3A_107 = arith.addf %add3A_98, %mul3A_106 : vector<16xf32>
        %slice3A_108 = vector.extract_strided_slice %get3A_65 {offsets = [5], sizes = [1], strides = [1]} : vector<16xf32> to vector<1xf32>
        %squeeze3A_109 = vector.extract %slice3A_108[0] : f32 from vector<1xf32>
        %get3A_110 = arith.index_cast %scan3A_61 : i32 to index
        %get3A_111 = arith.constant 80 : index
        %get3A_112 = tpu.vector_load %arg12[%get3A_110, %get3A_111] {strides = array<i32>} : memref<128x128xf32, #tpu.memory_space<vmem>>, vector<1x16xf32>,
        %get3A_113 = vector.shape_cast %get3A_112 : vector<1x16xf32> to vector<16xf32>
        %mul3A_114 = vector.broadcast %squeeze3A_109 : f32 to vector<16xf32>
        %mul3A_115 = arith.mulf %mul3A_114, %get3A_113 : vector<16xf32>
        %add3A_116 = arith.addf %add3A_107, %mul3A_115 : vector<16xf32>
        %slice3A_117 = vector.extract_strided_slice %get3A_65 {offsets = [6], sizes = [1], strides = [1]} : vector<16xf32> to vector<1xf32>
        %squeeze3A_118 = vector.extract %slice3A_117[0] : f32 from vector<1xf32>
        %get3A_119 = arith.index_cast %scan3A_61 : i32 to index
        %get3A_120 = arith.constant 96 : index
        %get3A_121 = tpu.vector_load %arg12[%get3A_119, %get3A_120] {strides = array<i32>} : memref<128x128xf32, #tpu.memory_space<vmem>>, vector<1x16xf32>,
        %get3A_122 = vector.shape_cast %get3A_121 : vector<1x16xf32> to vector<16xf32>
        %mul3A_123 = vector.broadcast %squeeze3A_118 : f32 to vector<16xf32>
        %mul3A_124 = arith.mulf %mul3A_123, %get3A_122 : vector<16xf32>
        %add3A_125 = arith.addf %add3A_116, %mul3A_124 : vector<16xf32>
        %slice3A_126 = vector.extract_strided_slice %get3A_65 {offsets = [7], sizes = [1], strides = [1]} : vector<16xf32> to vector<1xf32>
        %squeeze3A_127 = vector.extract %slice3A_126[0] : f32 from vector<1xf32>
        %get3A_128 = arith.index_cast %scan3A_61 : i32 to index
        %get3A_129 = arith.constant 112 : index
        %get3A_130 = tpu.vector_load %arg12[%get3A_128, %get3A_129] {strides = array<i32>} : memref<128x128xf32, #tpu.memory_space<vmem>>, vector<1x16xf32>,
        %get3A_131 = vector.shape_cast %get3A_130 : vector<1x16xf32> to vector<16xf32>
        %mul3A_132 = vector.broadcast %squeeze3A_127 : f32 to vector<16xf32>
        %mul3A_133 = arith.mulf %mul3A_132, %get3A_131 : vector<16xf32>
        %add3A_134 = arith.addf %add3A_125, %mul3A_133 : vector<16xf32>
        %swap3A = arith.index_cast %scan3A_61 : i32 to index
        %swap3A_135 = arith.constant 0 : index
        %swap3A_136 = tpu.vector_load %arg13[%swap3A, %swap3A_135] {strides = array<i32>} : memref<128x16xf32, #tpu.memory_space<vmem>>, vector<1x16xf32>,
        %swap3A_137 = vector.shape_cast %swap3A_136 : vector<1x16xf32> to vector<16xf32>
        %swap3A_138 = vector.shape_cast %add3A_134 : vector<16xf32> to vector<1x16xf32>
        tpu.vector_store %arg13[%swap3A, %swap3A_135], %swap3A_138 {strides = array<i32>} : memref<128x16xf32, #tpu.memory_space<vmem>>, vector<1x16xf32>,
        %scan3A_139 = arith.constant 0 : i32
        scf.yield %scan3A_139 : i32
      }
      %scan3A_59 = arith.constant 128 : i32
      "tpu.region"() ({
        %run_scoped3A = tpu.sem_alloc : memref<!tpu.dma_semaphore, #tpu.memory_space<semaphore_mem>>
        %dma_start3A_61 = arith.constant 0 : i32
        %dma_start3A_62 = arith.constant 0 : i32
        %dma_start3A_63 = tpu.memref_slice %arg8[%dma_start3A_61, %dma_start3A_62] : memref<10240x16xf32, #tpu.memory_space<vmem_shared>> -> memref<10240x16xf32, #tpu.memory_space<vmem_shared>>
        tpu.enqueue_indirect_dma source(%arg13 : memref<128x16xf32, #tpu.memory_space<vmem>>) target(%dma_start3A_63 : memref<10240x16xf32, #tpu.memory_space<vmem_shared>>) offsets(%arg10 : memref<128xi32, #tpu.memory_space<vmem>>) semaphore(%run_scoped3A : memref<!tpu.dma_semaphore, #tpu.memory_space<semaphore_mem>>) {add = true}
        %dma_wait3A_64 = arith.constant 0 : i32
        %dma_wait3A_65 = arith.constant 0 : i32
        %dma_wait3A_66 = tpu.memref_slice %arg8[%dma_wait3A_64, %dma_wait3A_65] : memref<10240x16xf32, #tpu.memory_space<vmem_shared>> -> memref<10240x16xf32, #tpu.memory_space<vmem_shared>>
        tpu.wait_indirect_dma semaphore(%run_scoped3A : memref<!tpu.dma_semaphore, #tpu.memory_space<semaphore_mem>>) src(%arg13 : memref<128x16xf32, #tpu.memory_space<vmem>>) dst(%dma_wait3A_66 : memref<10240x16xf32, #tpu.memory_space<vmem_shared>>)
        tpu.yield
      }) : () -> ()
      %while3A_60 = arith.constant 0 : i32
      scf.yield %while3A_60 : i32
    }
    %while3A_36 = arith.constant 1 : i32
    %while3A_37 = scf.for %while3A_43 = %while3A_33 to %while3A_29 step %while3A_36 iter_args(%while3A_44 = %while3A_35) -> (i32)  : i32 {
      %mul3A_45 = arith.constant 32 : i32
      %mul3A_46 = arith.muli %while3A_43, %mul3A_45 : i32
      %add3A_47 = arith.addi %add3A, %mul3A_46 : i32
      %mul3A_48 = arith.constant 128 : i32
      %mul3A_49 = arith.muli %add3A_47, %mul3A_48 : i32
      "tpu.region"() ({
        %run_scoped3A = tpu.sem_alloc : memref<!tpu.dma_semaphore, #tpu.memory_space<semaphore_mem>>
        %dma_start3A_61 = tpu.memref_slice %arg4[%mul3A_49] : memref<163840xi32, #tpu.memory_space<hbm>> -> memref<128xi32, #tpu.memory_space<hbm>>
        %dma_start3A_62 = tpu.memref_slice %arg4[%mul3A_49] : memref<163840xi32, #tpu.memory_space<hbm>> -> memref<128xi32, #tpu.memory_space<hbm>>
        tpu.enqueue_dma source(%dma_start3A_62 : memref<128xi32, #tpu.memory_space<hbm>>) target(%arg9 : memref<128xi32, #tpu.memory_space<vmem>>) target_semaphore(%run_scoped3A : memref<!tpu.dma_semaphore, #tpu.memory_space<semaphore_mem>>)
        %dma_wait3A_63 = tpu.memref_slice %arg4[%mul3A_49] : memref<163840xi32, #tpu.memory_space<hbm>> -> memref<128xi32, #tpu.memory_space<hbm>>
        %dma_wait3A_64 = tpu.memref_slice %arg4[%mul3A_49] : memref<163840xi32, #tpu.memory_space<hbm>> -> memref<128xi32, #tpu.memory_space<hbm>>
        tpu.wait_dma2 semaphore(%run_scoped3A : memref<!tpu.dma_semaphore, #tpu.memory_space<semaphore_mem>>) src(%dma_wait3A_64 : memref<128xi32, #tpu.memory_space<hbm>>) dst(%arg9 : memref<128xi32, #tpu.memory_space<vmem>>)
        tpu.yield
      }) : () -> ()
      "tpu.region"() ({
        %run_scoped3A = tpu.sem_alloc : memref<!tpu.dma_semaphore, #tpu.memory_space<semaphore_mem>>
        %dma_start3A_61 = tpu.memref_slice %arg5[%mul3A_49] : memref<163840xi32, #tpu.memory_space<hbm>> -> memref<128xi32, #tpu.memory_space<hbm>>
        %dma_start3A_62 = tpu.memref_slice %arg5[%mul3A_49] : memref<163840xi32, #tpu.memory_space<hbm>> -> memref<128xi32, #tpu.memory_space<hbm>>
        tpu.enqueue_dma source(%dma_start3A_62 : memref<128xi32, #tpu.memory_space<hbm>>) target(%arg10 : memref<128xi32, #tpu.memory_space<vmem>>) target_semaphore(%run_scoped3A : memref<!tpu.dma_semaphore, #tpu.memory_space<semaphore_mem>>)
        %dma_wait3A_63 = tpu.memref_slice %arg5[%mul3A_49] : memref<163840xi32, #tpu.memory_space<hbm>> -> memref<128xi32, #tpu.memory_space<hbm>>
        %dma_wait3A_64 = tpu.memref_slice %arg5[%mul3A_49] : memref<163840xi32, #tpu.memory_space<hbm>> -> memref<128xi32, #tpu.memory_space<hbm>>
        tpu.wait_dma2 semaphore(%run_scoped3A : memref<!tpu.dma_semaphore, #tpu.memory_space<semaphore_mem>>) src(%dma_wait3A_64 : memref<128xi32, #tpu.memory_space<hbm>>) dst(%arg10 : memref<128xi32, #tpu.memory_space<vmem>>)
        tpu.yield
      }) : () -> ()
      "tpu.region"() ({
        %run_scoped3A = tpu.sem_alloc : memref<!tpu.dma_semaphore, #tpu.memory_space<semaphore_mem>>
        %dma_start3A_61 = arith.constant 0 : i32
        %dma_start3A_62 = tpu.memref_slice %arg3[%mul3A_49, %dma_start3A_61] : memref<163840x32xf32, #tpu.memory_space<hbm>> -> memref<128x32xf32, #tpu.memory_space<hbm>>
        %dma_start3A_63 = arith.constant 0 : i32
        %dma_start3A_64 = tpu.memref_slice %arg3[%mul3A_49, %dma_start3A_63] : memref<163840x32xf32, #tpu.memory_space<hbm>> -> memref<128x32xf32, #tpu.memory_space<hbm>>
        tpu.enqueue_dma source(%dma_start3A_64 : memref<128x32xf32, #tpu.memory_space<hbm>>) target(%arg11 : memref<128x32xf32, #tpu.memory_space<vmem>>) target_semaphore(%run_scoped3A : memref<!tpu.dma_semaphore, #tpu.memory_space<semaphore_mem>>)
        %dma_wait3A_65 = arith.constant 0 : i32
        %dma_wait3A_66 = tpu.memref_slice %arg3[%mul3A_49, %dma_wait3A_65] : memref<163840x32xf32, #tpu.memory_space<hbm>> -> memref<128x32xf32, #tpu.memory_space<hbm>>
        %dma_wait3A_67 = arith.constant 0 : i32
        %dma_wait3A_68 = tpu.memref_slice %arg3[%mul3A_49, %dma_wait3A_67] : memref<163840x32xf32, #tpu.memory_space<hbm>> -> memref<128x32xf32, #tpu.memory_space<hbm>>
        tpu.wait_dma2 semaphore(%run_scoped3A : memref<!tpu.dma_semaphore, #tpu.memory_space<semaphore_mem>>) src(%dma_wait3A_68 : memref<128x32xf32, #tpu.memory_space<hbm>>) dst(%arg11 : memref<128x32xf32, #tpu.memory_space<vmem>>)
        tpu.yield
      }) : () -> ()
      %dma_start3A = arith.constant 0 : i32
      %dma_start3A_50 = arith.constant 0 : i32
      %dma_start3A_51 = tpu.memref_slice %arg2[%dma_start3A, %dma_start3A_50] : memref<10000x128xf32, #tpu.memory_space<hbm>> -> memref<10000x128xf32, #tpu.memory_space<hbm>>
      tpu.enqueue_indirect_dma source(%dma_start3A_51 : memref<10000x128xf32, #tpu.memory_space<hbm>>) target(%arg12 : memref<128x128xf32, #tpu.memory_space<vmem>>) offsets(%arg9 : memref<128xi32, #tpu.memory_space<vmem>>) semaphore(%arg14 : memref<!tpu.dma_semaphore, #tpu.memory_space<semaphore_mem>>)
      %dma_wait3A = arith.constant 0 : i32
      %dma_wait3A_52 = arith.constant 0 : i32
      %dma_wait3A_53 = tpu.memref_slice %arg2[%dma_wait3A, %dma_wait3A_52] : memref<10000x128xf32, #tpu.memory_space<hbm>> -> memref<10000x128xf32, #tpu.memory_space<hbm>>
      tpu.wait_indirect_dma semaphore(%arg14 : memref<!tpu.dma_semaphore, #tpu.memory_space<semaphore_mem>>) src(%dma_wait3A_53 : memref<10000x128xf32, #tpu.memory_space<hbm>>) dst(%arg12 : memref<128x128xf32, #tpu.memory_space<vmem>>)
      %scan3A = arith.constant 0 : i32
      %scan3A_54 = arith.constant 0 : i32
      %scan3A_55 = arith.constant 128 : i32
      %scan3A_56 = arith.addi %scan3A_54, %scan3A_55 : i32
      %scan3A_57 = arith.constant 1 : i32
      %scan3A_58 = scf.for %scan3A_61 = %scan3A_54 to %scan3A_56 step %scan3A_57 iter_args(%scan3A_62 = %scan3A) -> (i32)  : i32 {
        %get3A = arith.index_cast %scan3A_61 : i32 to index
        %get3A_63 = arith.constant 0 : index
        %get3A_64 = tpu.vector_load %arg11[%get3A, %get3A_63] {strides = array<i32>} : memref<128x32xf32, #tpu.memory_space<vmem>>, vector<1x16xf32>,
        %get3A_65 = vector.shape_cast %get3A_64 : vector<1x16xf32> to vector<16xf32>
        %slice3A = vector.extract_strided_slice %get3A_65 {offsets = [0], sizes = [1], strides = [1]} : vector<16xf32> to vector<1xf32>
        %squeeze3A = vector.extract %slice3A[0] : f32 from vector<1xf32>
        %get3A_66 = arith.index_cast %scan3A_61 : i32 to index
        %get3A_67 = arith.constant 0 : index
        %get3A_68 = tpu.vector_load %arg12[%get3A_66, %get3A_67] {strides = array<i32>} : memref<128x128xf32, #tpu.memory_space<vmem>>, vector<1x16xf32>,
        %get3A_69 = vector.shape_cast %get3A_68 : vector<1x16xf32> to vector<16xf32>
        %mul3A_70 = vector.broadcast %squeeze3A : f32 to vector<16xf32>
        %mul3A_71 = arith.mulf %mul3A_70, %get3A_69 : vector<16xf32>
        %slice3A_72 = vector.extract_strided_slice %get3A_65 {offsets = [1], sizes = [1], strides = [1]} : vector<16xf32> to vector<1xf32>
        %squeeze3A_73 = vector.extract %slice3A_72[0] : f32 from vector<1xf32>
        %get3A_74 = arith.index_cast %scan3A_61 : i32 to index
        %get3A_75 = arith.constant 16 : index
        %get3A_76 = tpu.vector_load %arg12[%get3A_74, %get3A_75] {strides = array<i32>} : memref<128x128xf32, #tpu.memory_space<vmem>>, vector<1x16xf32>,
        %get3A_77 = vector.shape_cast %get3A_76 : vector<1x16xf32> to vector<16xf32>
        %mul3A_78 = vector.broadcast %squeeze3A_73 : f32 to vector<16xf32>
        %mul3A_79 = arith.mulf %mul3A_78, %get3A_77 : vector<16xf32>
        %add3A_80 = arith.addf %mul3A_71, %mul3A_79 : vector<16xf32>
        %slice3A_81 = vector.extract_strided_slice %get3A_65 {offsets = [2], sizes = [1], strides = [1]} : vector<16xf32> to vector<1xf32>
        %squeeze3A_82 = vector.extract %slice3A_81[0] : f32 from vector<1xf32>
        %get3A_83 = arith.index_cast %scan3A_61 : i32 to index
        %get3A_84 = arith.constant 32 : index
        %get3A_85 = tpu.vector_load %arg12[%get3A_83, %get3A_84] {strides = array<i32>} : memref<128x128xf32, #tpu.memory_space<vmem>>, vector<1x16xf32>,
        %get3A_86 = vector.shape_cast %get3A_85 : vector<1x16xf32> to vector<16xf32>
        %mul3A_87 = vector.broadcast %squeeze3A_82 : f32 to vector<16xf32>
        %mul3A_88 = arith.mulf %mul3A_87, %get3A_86 : vector<16xf32>
        %add3A_89 = arith.addf %add3A_80, %mul3A_88 : vector<16xf32>
        %slice3A_90 = vector.extract_strided_slice %get3A_65 {offsets = [3], sizes = [1], strides = [1]} : vector<16xf32> to vector<1xf32>
        %squeeze3A_91 = vector.extract %slice3A_90[0] : f32 from vector<1xf32>
        %get3A_92 = arith.index_cast %scan3A_61 : i32 to index
        %get3A_93 = arith.constant 48 : index
        %get3A_94 = tpu.vector_load %arg12[%get3A_92, %get3A_93] {strides = array<i32>} : memref<128x128xf32, #tpu.memory_space<vmem>>, vector<1x16xf32>,
        %get3A_95 = vector.shape_cast %get3A_94 : vector<1x16xf32> to vector<16xf32>
        %mul3A_96 = vector.broadcast %squeeze3A_91 : f32 to vector<16xf32>
        %mul3A_97 = arith.mulf %mul3A_96, %get3A_95 : vector<16xf32>
        %add3A_98 = arith.addf %add3A_89, %mul3A_97 : vector<16xf32>
        %slice3A_99 = vector.extract_strided_slice %get3A_65 {offsets = [4], sizes = [1], strides = [1]} : vector<16xf32> to vector<1xf32>
        %squeeze3A_100 = vector.extract %slice3A_99[0] : f32 from vector<1xf32>
        %get3A_101 = arith.index_cast %scan3A_61 : i32 to index
        %get3A_102 = arith.constant 64 : index
        %get3A_103 = tpu.vector_load %arg12[%get3A_101, %get3A_102] {strides = array<i32>} : memref<128x128xf32, #tpu.memory_space<vmem>>, vector<1x16xf32>,
        %get3A_104 = vector.shape_cast %get3A_103 : vector<1x16xf32> to vector<16xf32>
        %mul3A_105 = vector.broadcast %squeeze3A_100 : f32 to vector<16xf32>
        %mul3A_106 = arith.mulf %mul3A_105, %get3A_104 : vector<16xf32>
        %add3A_107 = arith.addf %add3A_98, %mul3A_106 : vector<16xf32>
        %slice3A_108 = vector.extract_strided_slice %get3A_65 {offsets = [5], sizes = [1], strides = [1]} : vector<16xf32> to vector<1xf32>
        %squeeze3A_109 = vector.extract %slice3A_108[0] : f32 from vector<1xf32>
        %get3A_110 = arith.index_cast %scan3A_61 : i32 to index
        %get3A_111 = arith.constant 80 : index
        %get3A_112 = tpu.vector_load %arg12[%get3A_110, %get3A_111] {strides = array<i32>} : memref<128x128xf32, #tpu.memory_space<vmem>>, vector<1x16xf32>,
        %get3A_113 = vector.shape_cast %get3A_112 : vector<1x16xf32> to vector<16xf32>
        %mul3A_114 = vector.broadcast %squeeze3A_109 : f32 to vector<16xf32>
        %mul3A_115 = arith.mulf %mul3A_114, %get3A_113 : vector<16xf32>
        %add3A_116 = arith.addf %add3A_107, %mul3A_115 : vector<16xf32>
        %slice3A_117 = vector.extract_strided_slice %get3A_65 {offsets = [6], sizes = [1], strides = [1]} : vector<16xf32> to vector<1xf32>
        %squeeze3A_118 = vector.extract %slice3A_117[0] : f32 from vector<1xf32>
        %get3A_119 = arith.index_cast %scan3A_61 : i32 to index
        %get3A_120 = arith.constant 96 : index
        %get3A_121 = tpu.vector_load %arg12[%get3A_119, %get3A_120] {strides = array<i32>} : memref<128x128xf32, #tpu.memory_space<vmem>>, vector<1x16xf32>,
        %get3A_122 = vector.shape_cast %get3A_121 : vector<1x16xf32> to vector<16xf32>
        %mul3A_123 = vector.broadcast %squeeze3A_118 : f32 to vector<16xf32>
        %mul3A_124 = arith.mulf %mul3A_123, %get3A_122 : vector<16xf32>
        %add3A_125 = arith.addf %add3A_116, %mul3A_124 : vector<16xf32>
        %slice3A_126 = vector.extract_strided_slice %get3A_65 {offsets = [7], sizes = [1], strides = [1]} : vector<16xf32> to vector<1xf32>
        %squeeze3A_127 = vector.extract %slice3A_126[0] : f32 from vector<1xf32>
        %get3A_128 = arith.index_cast %scan3A_61 : i32 to index
        %get3A_129 = arith.constant 112 : index
        %get3A_130 = tpu.vector_load %arg12[%get3A_128, %get3A_129] {strides = array<i32>} : memref<128x128xf32, #tpu.memory_space<vmem>>, vector<1x16xf32>,
        %get3A_131 = vector.shape_cast %get3A_130 : vector<1x16xf32> to vector<16xf32>
        %mul3A_132 = vector.broadcast %squeeze3A_127 : f32 to vector<16xf32>
        %mul3A_133 = arith.mulf %mul3A_132, %get3A_131 : vector<16xf32>
        %add3A_134 = arith.addf %add3A_125, %mul3A_133 : vector<16xf32>
        %swap3A = arith.index_cast %scan3A_61 : i32 to index
        %swap3A_135 = arith.constant 0 : index
        %swap3A_136 = tpu.vector_load %arg13[%swap3A, %swap3A_135] {strides = array<i32>} : memref<128x16xf32, #tpu.memory_space<vmem>>, vector<1x16xf32>,
        %swap3A_137 = vector.shape_cast %swap3A_136 : vector<1x16xf32> to vector<16xf32>
        %swap3A_138 = vector.shape_cast %add3A_134 : vector<16xf32> to vector<1x16xf32>
        tpu.vector_store %arg13[%swap3A, %swap3A_135], %swap3A_138 {strides = array<i32>} : memref<128x16xf32, #tpu.memory_space<vmem>>, vector<1x16xf32>,
        %scan3A_139 = arith.constant 0 : i32
        scf.yield %scan3A_139 : i32
      }
      %scan3A_59 = arith.constant 128 : i32
      "tpu.region"() ({
        %run_scoped3A = tpu.sem_alloc : memref<!tpu.dma_semaphore, #tpu.memory_space<semaphore_mem>>
        %dma_start3A_61 = arith.constant 0 : i32
        %dma_start3A_62 = arith.constant 0 : i32
        %dma_start3A_63 = tpu.memref_slice %arg8[%dma_start3A_61, %dma_start3A_62] : memref<10240x16xf32, #tpu.memory_space<vmem_shared>> -> memref<10240x16xf32, #tpu.memory_space<vmem_shared>>
        tpu.enqueue_indirect_dma source(%arg13 : memref<128x16xf32, #tpu.memory_space<vmem>>) target(%dma_start3A_63 : memref<10240x16xf32, #tpu.memory_space<vmem_shared>>) offsets(%arg10 : memref<128xi32, #tpu.memory_space<vmem>>) semaphore(%run_scoped3A : memref<!tpu.dma_semaphore, #tpu.memory_space<semaphore_mem>>) {add = true}
        %dma_wait3A_64 = arith.constant 0 : i32
        %dma_wait3A_65 = arith.constant 0 : i32
        %dma_wait3A_66 = tpu.memref_slice %arg8[%dma_wait3A_64, %dma_wait3A_65] : memref<10240x16xf32, #tpu.memory_space<vmem_shared>> -> memref<10240x16xf32, #tpu.memory_space<vmem_shared>>
        tpu.wait_indirect_dma semaphore(%run_scoped3A : memref<!tpu.dma_semaphore, #tpu.memory_space<semaphore_mem>>) src(%arg13 : memref<128x16xf32, #tpu.memory_space<vmem>>) dst(%dma_wait3A_66 : memref<10240x16xf32, #tpu.memory_space<vmem_shared>>)
        tpu.yield
      }) : () -> ()
      %while3A_60 = arith.constant 0 : i32
      scf.yield %while3A_60 : i32
    }
    %barrier3A_38 = arith.constant 0 : index
    tpu.barrier barrier_id(%barrier3A_38)
    %mul3A_39 = arith.constant 640 : i32
    %mul3A_40 = arith.muli %arg1, %mul3A_39 : i32
    %mul3A_41 = arith.constant 640 : i32
    %mul3A_42 = arith.muli %arg1, %mul3A_41 : i32
    "tpu.region"() ({
      %run_scoped3A = tpu.sem_alloc : memref<!tpu.dma_semaphore, #tpu.memory_space<semaphore_mem>>
      %dma_start3A = arith.constant 0 : i32
      %dma_start3A_43 = tpu.memref_slice %arg7[%arg0, %mul3A_42, %dma_start3A] : memref<2x10240x16xf32, #tpu.memory_space<hbm>> -> memref<1x640x16xf32, #tpu.memory_space<hbm>>
      %dma_start3A_44 = tpu.memref_squeeze %dma_start3A_43 : memref<1x640x16xf32, #tpu.memory_space<hbm>> -> memref<640x16xf32, #tpu.memory_space<hbm>>
      %dma_start3A_45 = arith.constant 0 : i32
      %dma_start3A_46 = tpu.memref_slice %arg8[%mul3A_40, %dma_start3A_45] : memref<10240x16xf32, #tpu.memory_space<vmem_shared>> -> memref<640x16xf32, #tpu.memory_space<vmem_shared>>
      tpu.enqueue_dma source(%dma_start3A_46 : memref<640x16xf32, #tpu.memory_space<vmem_shared>>) target(%dma_start3A_44 : memref<640x16xf32, #tpu.memory_space<hbm>>) target_semaphore(%run_scoped3A : memref<!tpu.dma_semaphore, #tpu.memory_space<semaphore_mem>>)
      %dma_wait3A = arith.constant 0 : i32
      %dma_wait3A_47 = tpu.memref_slice %arg7[%arg0, %mul3A_42, %dma_wait3A] : memref<2x10240x16xf32, #tpu.memory_space<hbm>> -> memref<1x640x16xf32, #tpu.memory_space<hbm>>
      %dma_wait3A_48 = tpu.memref_squeeze %dma_wait3A_47 : memref<1x640x16xf32, #tpu.memory_space<hbm>> -> memref<640x16xf32, #tpu.memory_space<hbm>>
      %dma_wait3A_49 = arith.constant 0 : i32
      %dma_wait3A_50 = tpu.memref_slice %arg8[%mul3A_40, %dma_wait3A_49] : memref<10240x16xf32, #tpu.memory_space<vmem_shared>> -> memref<640x16xf32, #tpu.memory_space<vmem_shared>>
      tpu.wait_dma2 semaphore(%run_scoped3A : memref<!tpu.dma_semaphore, #tpu.memory_space<semaphore_mem>>) src(%dma_wait3A_50 : memref<640x16xf32, #tpu.memory_space<vmem_shared>>) dst(%dma_wait3A_48 : memref<640x16xf32, #tpu.memory_space<hbm>>)
      tpu.yield
    }) : () -> ()
    return
  }
}

#map = affine_map<(d0, d1) -> (0, 0)>
#map1 = affine_map<(d0, d1) -> (0)>
#map2 = affine_map<(d0, d1) -> (0, 0, 0)>
module attributes {stable_mosaic.version = 14 : i64} {
  func.func @_sedge_body(%arg0: i32, %arg1: i32, %arg2: memref<10240x128xf32, #tpu.memory_space<hbm>>, %arg3: memref<163840x32xf32, #tpu.memory_space<hbm>>, %arg4: memref<163840xi32, #tpu.memory_space<hbm>>, %arg5: memref<163840xi32, #tpu.memory_space<hbm>>, %arg6: memref<10240x16xf32, #tpu.memory_space<hbm>>, %arg7: memref<2x10240x16xf32, #tpu.memory_space<hbm>>, %arg8: memref<10240x16xf32, #tpu.memory_space<vmem_shared>>, %arg9: memref<128xi32, #tpu.memory_space<vmem>>, %arg10: memref<128xi32, #tpu.memory_space<vmem>>, %arg11: memref<128x32xf32, #tpu.memory_space<vmem>>, %arg12: memref<128x128xf32, #tpu.memory_space<vmem>>, %arg13: memref<128x16xf32, #tpu.memory_space<vmem>>, %arg14: memref<!tpu.dma_semaphore, #tpu.memory_space<semaphore_mem>>) attributes {dimension_semantics = [#tpu.dimension_semantics<core_parallel>, #tpu.dimension_semantics<subcore_parallel>], iteration_bounds = array<i64: 2, 16>, scalar_prefetch = 0 : i64, scratch_operands = 7 : i64, tpu.core_type = #tpu.core_type<sc_vector_subcore>, window_params = [{transform_indices = #map}, {transform_indices = #map}, {transform_indices = #map1}, {transform_indices = #map1}, {transform_indices = #map}, {transform_indices = #map2}]} {
    %mul3A = arith.constant 2 : i32
    %mul3A_0 = arith.muli %arg1, %mul3A : i32
    %add3A = arith.addi %mul3A_0, %arg0 : i32
    %mul3A_1 = arith.constant 640 : i32
    %mul3A_2 = arith.muli %arg1, %mul3A_1 : i32
    %mul3A_3 = arith.constant 640 : i32
    %mul3A_4 = arith.muli %arg1, %mul3A_3 : i32
    "tpu.region"() ({
      %run_scoped3A = tpu.sem_alloc : memref<!tpu.dma_semaphore, #tpu.memory_space<semaphore_mem>>
      %dma_start3A = arith.constant 0 : i32
      %dma_start3A_43 = tpu.memref_slice %arg8[%mul3A_4, %dma_start3A] : memref<10240x16xf32, #tpu.memory_space<vmem_shared>> -> memref<640x16xf32, #tpu.memory_space<vmem_shared>>
      %dma_start3A_44 = arith.constant 0 : i32
      %dma_start3A_45 = tpu.memref_slice %arg6[%mul3A_2, %dma_start3A_44] : memref<10240x16xf32, #tpu.memory_space<hbm>> -> memref<640x16xf32, #tpu.memory_space<hbm>>
      tpu.enqueue_dma source(%dma_start3A_45 : memref<640x16xf32, #tpu.memory_space<hbm>>) target(%dma_start3A_43 : memref<640x16xf32, #tpu.memory_space<vmem_shared>>) target_semaphore(%run_scoped3A : memref<!tpu.dma_semaphore, #tpu.memory_space<semaphore_mem>>)
      %dma_wait3A = arith.constant 0 : i32
      %dma_wait3A_46 = tpu.memref_slice %arg8[%mul3A_4, %dma_wait3A] : memref<10240x16xf32, #tpu.memory_space<vmem_shared>> -> memref<640x16xf32, #tpu.memory_space<vmem_shared>>
      %dma_wait3A_47 = arith.constant 0 : i32
      %dma_wait3A_48 = tpu.memref_slice %arg6[%mul3A_2, %dma_wait3A_47] : memref<10240x16xf32, #tpu.memory_space<hbm>> -> memref<640x16xf32, #tpu.memory_space<hbm>>
      tpu.wait_dma2 semaphore(%run_scoped3A : memref<!tpu.dma_semaphore, #tpu.memory_space<semaphore_mem>>) src(%dma_wait3A_48 : memref<640x16xf32, #tpu.memory_space<hbm>>) dst(%dma_wait3A_46 : memref<640x16xf32, #tpu.memory_space<vmem_shared>>)
      tpu.yield
    }) : () -> ()
    %barrier3A = arith.constant 0 : index
    tpu.barrier barrier_id(%barrier3A)
    %sub3A = arith.constant 1250 : i32
    %sub3A_5 = arith.subi %sub3A, %add3A : i32
    %add3A_6 = arith.constant 32 : i32
    %add3A_7 = arith.addi %sub3A_5, %add3A_6 : i32
    %sub3A_8 = arith.constant 1 : i32
    %sub3A_9 = arith.subi %add3A_7, %sub3A_8 : i32
    %jit3A = arith.constant 32 : i32
    %div3A = arith.divsi %sub3A_9, %jit3A : i32
    %sign3A = arith.constant 0 : i32
    %sign3A_10 = arith.cmpi sgt, %sub3A_9, %sign3A : i32
    %sign3A_11 = arith.extui %sign3A_10 : i1 to i32
    %sign3A_12 = arith.constant 0 : i32
    %sign3A_13 = arith.cmpi slt, %sub3A_9, %sign3A_12 : i32
    %sign3A_14 = arith.extui %sign3A_13 : i1 to i32
    %sign3A_15 = arith.subi %sign3A_11, %sign3A_14 : i32
    %sign3A_16 = arith.constant 0 : i32
    %sign3A_17 = arith.cmpi sgt, %jit3A, %sign3A_16 : i32
    %sign3A_18 = arith.extui %sign3A_17 : i1 to i32
    %sign3A_19 = arith.constant 0 : i32
    %sign3A_20 = arith.cmpi slt, %jit3A, %sign3A_19 : i32
    %sign3A_21 = arith.extui %sign3A_20 : i1 to i32
    %sign3A_22 = arith.subi %sign3A_18, %sign3A_21 : i32
    %ne3A = arith.cmpi ne, %sign3A_15, %sign3A_22 : i32
    %rem3A = arith.remsi %sub3A_9, %jit3A : i32
    %ne3A_23 = arith.constant 0 : i32
    %ne3A_24 = arith.cmpi ne, %rem3A, %ne3A_23 : i32
    %and3A = arith.andi %ne3A, %ne3A_24 : i1
    %sub3A_25 = arith.constant 1 : i32
    %sub3A_26 = arith.subi %div3A, %sub3A_25 : i32
    %select_n3A = arith.select %and3A, %sub3A_26, %div3A : i32
    %while3A = arith.constant 0 : i32
    %while3A_27 = arith.constant 0 : i32
    %while3A_28 = arith.subi %select_n3A, %while3A : i32
    %while3A_29 = arith.addi %while3A, %while3A_28 : i32
    %while3A_30 = arith.constant 1 : i32
    %while3A_31 = arith.divsi %while3A_28, %while3A_30 : i32
    %while3A_32 = arith.muli %while3A_31, %while3A_30 : i32
    %while3A_33 = arith.addi %while3A, %while3A_32 : i32
    %while3A_34 = arith.constant 1 : i32
    %while3A_35 = scf.for %while3A_43 = %while3A to %while3A_33 step %while3A_34 iter_args(%while3A_44 = %while3A_27) -> (i32)  : i32 {
      %mul3A_45 = arith.constant 32 : i32
      %mul3A_46 = arith.muli %while3A_43, %mul3A_45 : i32
      %add3A_47 = arith.addi %add3A, %mul3A_46 : i32
      %mul3A_48 = arith.constant 128 : i32
      %mul3A_49 = arith.muli %add3A_47, %mul3A_48 : i32
      "tpu.region"() ({
        %run_scoped3A = tpu.sem_alloc : memref<!tpu.dma_semaphore, #tpu.memory_space<semaphore_mem>>
        %dma_start3A_61 = tpu.memref_slice %arg4[%mul3A_49] : memref<163840xi32, #tpu.memory_space<hbm>> -> memref<128xi32, #tpu.memory_space<hbm>>
        %dma_start3A_62 = tpu.memref_slice %arg4[%mul3A_49] : memref<163840xi32, #tpu.memory_space<hbm>> -> memref<128xi32, #tpu.memory_space<hbm>>
        tpu.enqueue_dma source(%dma_start3A_62 : memref<128xi32, #tpu.memory_space<hbm>>) target(%arg9 : memref<128xi32, #tpu.memory_space<vmem>>) target_semaphore(%run_scoped3A : memref<!tpu.dma_semaphore, #tpu.memory_space<semaphore_mem>>)
        %dma_wait3A_63 = tpu.memref_slice %arg4[%mul3A_49] : memref<163840xi32, #tpu.memory_space<hbm>> -> memref<128xi32, #tpu.memory_space<hbm>>
        %dma_wait3A_64 = tpu.memref_slice %arg4[%mul3A_49] : memref<163840xi32, #tpu.memory_space<hbm>> -> memref<128xi32, #tpu.memory_space<hbm>>
        tpu.wait_dma2 semaphore(%run_scoped3A : memref<!tpu.dma_semaphore, #tpu.memory_space<semaphore_mem>>) src(%dma_wait3A_64 : memref<128xi32, #tpu.memory_space<hbm>>) dst(%arg9 : memref<128xi32, #tpu.memory_space<vmem>>)
        tpu.yield
      }) : () -> ()
      "tpu.region"() ({
        %run_scoped3A = tpu.sem_alloc : memref<!tpu.dma_semaphore, #tpu.memory_space<semaphore_mem>>
        %dma_start3A_61 = tpu.memref_slice %arg5[%mul3A_49] : memref<163840xi32, #tpu.memory_space<hbm>> -> memref<128xi32, #tpu.memory_space<hbm>>
        %dma_start3A_62 = tpu.memref_slice %arg5[%mul3A_49] : memref<163840xi32, #tpu.memory_space<hbm>> -> memref<128xi32, #tpu.memory_space<hbm>>
        tpu.enqueue_dma source(%dma_start3A_62 : memref<128xi32, #tpu.memory_space<hbm>>) target(%arg10 : memref<128xi32, #tpu.memory_space<vmem>>) target_semaphore(%run_scoped3A : memref<!tpu.dma_semaphore, #tpu.memory_space<semaphore_mem>>)
        %dma_wait3A_63 = tpu.memref_slice %arg5[%mul3A_49] : memref<163840xi32, #tpu.memory_space<hbm>> -> memref<128xi32, #tpu.memory_space<hbm>>
        %dma_wait3A_64 = tpu.memref_slice %arg5[%mul3A_49] : memref<163840xi32, #tpu.memory_space<hbm>> -> memref<128xi32, #tpu.memory_space<hbm>>
        tpu.wait_dma2 semaphore(%run_scoped3A : memref<!tpu.dma_semaphore, #tpu.memory_space<semaphore_mem>>) src(%dma_wait3A_64 : memref<128xi32, #tpu.memory_space<hbm>>) dst(%arg10 : memref<128xi32, #tpu.memory_space<vmem>>)
        tpu.yield
      }) : () -> ()
      "tpu.region"() ({
        %run_scoped3A = tpu.sem_alloc : memref<!tpu.dma_semaphore, #tpu.memory_space<semaphore_mem>>
        %dma_start3A_61 = arith.constant 0 : i32
        %dma_start3A_62 = tpu.memref_slice %arg3[%mul3A_49, %dma_start3A_61] : memref<163840x32xf32, #tpu.memory_space<hbm>> -> memref<128x32xf32, #tpu.memory_space<hbm>>
        %dma_start3A_63 = arith.constant 0 : i32
        %dma_start3A_64 = tpu.memref_slice %arg3[%mul3A_49, %dma_start3A_63] : memref<163840x32xf32, #tpu.memory_space<hbm>> -> memref<128x32xf32, #tpu.memory_space<hbm>>
        tpu.enqueue_dma source(%dma_start3A_64 : memref<128x32xf32, #tpu.memory_space<hbm>>) target(%arg11 : memref<128x32xf32, #tpu.memory_space<vmem>>) target_semaphore(%run_scoped3A : memref<!tpu.dma_semaphore, #tpu.memory_space<semaphore_mem>>)
        %dma_wait3A_65 = arith.constant 0 : i32
        %dma_wait3A_66 = tpu.memref_slice %arg3[%mul3A_49, %dma_wait3A_65] : memref<163840x32xf32, #tpu.memory_space<hbm>> -> memref<128x32xf32, #tpu.memory_space<hbm>>
        %dma_wait3A_67 = arith.constant 0 : i32
        %dma_wait3A_68 = tpu.memref_slice %arg3[%mul3A_49, %dma_wait3A_67] : memref<163840x32xf32, #tpu.memory_space<hbm>> -> memref<128x32xf32, #tpu.memory_space<hbm>>
        tpu.wait_dma2 semaphore(%run_scoped3A : memref<!tpu.dma_semaphore, #tpu.memory_space<semaphore_mem>>) src(%dma_wait3A_68 : memref<128x32xf32, #tpu.memory_space<hbm>>) dst(%arg11 : memref<128x32xf32, #tpu.memory_space<vmem>>)
        tpu.yield
      }) : () -> ()
      %dma_start3A = arith.constant 0 : i32
      %dma_start3A_50 = arith.constant 0 : i32
      %dma_start3A_51 = tpu.memref_slice %arg2[%dma_start3A, %dma_start3A_50] : memref<10240x128xf32, #tpu.memory_space<hbm>> -> memref<10240x128xf32, #tpu.memory_space<hbm>>
      tpu.enqueue_indirect_dma source(%dma_start3A_51 : memref<10240x128xf32, #tpu.memory_space<hbm>>) target(%arg12 : memref<128x128xf32, #tpu.memory_space<vmem>>) offsets(%arg9 : memref<128xi32, #tpu.memory_space<vmem>>) semaphore(%arg14 : memref<!tpu.dma_semaphore, #tpu.memory_space<semaphore_mem>>)
      %dma_wait3A = arith.constant 0 : i32
      %dma_wait3A_52 = arith.constant 0 : i32
      %dma_wait3A_53 = tpu.memref_slice %arg2[%dma_wait3A, %dma_wait3A_52] : memref<10240x128xf32, #tpu.memory_space<hbm>> -> memref<10240x128xf32, #tpu.memory_space<hbm>>
      tpu.wait_indirect_dma semaphore(%arg14 : memref<!tpu.dma_semaphore, #tpu.memory_space<semaphore_mem>>) src(%dma_wait3A_53 : memref<10240x128xf32, #tpu.memory_space<hbm>>) dst(%arg12 : memref<128x128xf32, #tpu.memory_space<vmem>>)
      %scan3A = arith.constant 0 : i32
      %scan3A_54 = arith.constant 0 : i32
      %scan3A_55 = arith.constant 128 : i32
      %scan3A_56 = arith.addi %scan3A_54, %scan3A_55 : i32
      %scan3A_57 = arith.constant 1 : i32
      %scan3A_58 = scf.for %scan3A_61 = %scan3A_54 to %scan3A_56 step %scan3A_57 iter_args(%scan3A_62 = %scan3A) -> (i32)  : i32 {
        %get3A = arith.index_cast %scan3A_61 : i32 to index
        %get3A_63 = arith.constant 0 : index
        %get3A_64 = tpu.vector_load %arg11[%get3A, %get3A_63] {strides = array<i32>} : memref<128x32xf32, #tpu.memory_space<vmem>>, vector<1x16xf32>,
        %get3A_65 = vector.shape_cast %get3A_64 : vector<1x16xf32> to vector<16xf32>
        %slice3A = vector.extract_strided_slice %get3A_65 {offsets = [8], sizes = [1], strides = [1]} : vector<16xf32> to vector<1xf32>
        %squeeze3A = vector.extract %slice3A[0] : f32 from vector<1xf32>
        %get3A_66 = arith.index_cast %scan3A_61 : i32 to index
        %get3A_67 = arith.constant 0 : index
        %get3A_68 = tpu.vector_load %arg12[%get3A_66, %get3A_67] {strides = array<i32>} : memref<128x128xf32, #tpu.memory_space<vmem>>, vector<1x16xf32>,
        %get3A_69 = vector.shape_cast %get3A_68 : vector<1x16xf32> to vector<16xf32>
        %mul3A_70 = vector.broadcast %squeeze3A : f32 to vector<16xf32>
        %mul3A_71 = arith.mulf %mul3A_70, %get3A_69 : vector<16xf32>
        %slice3A_72 = vector.extract_strided_slice %get3A_65 {offsets = [9], sizes = [1], strides = [1]} : vector<16xf32> to vector<1xf32>
        %squeeze3A_73 = vector.extract %slice3A_72[0] : f32 from vector<1xf32>
        %get3A_74 = arith.index_cast %scan3A_61 : i32 to index
        %get3A_75 = arith.constant 16 : index
        %get3A_76 = tpu.vector_load %arg12[%get3A_74, %get3A_75] {strides = array<i32>} : memref<128x128xf32, #tpu.memory_space<vmem>>, vector<1x16xf32>,
        %get3A_77 = vector.shape_cast %get3A_76 : vector<1x16xf32> to vector<16xf32>
        %mul3A_78 = vector.broadcast %squeeze3A_73 : f32 to vector<16xf32>
        %mul3A_79 = arith.mulf %mul3A_78, %get3A_77 : vector<16xf32>
        %add3A_80 = arith.addf %mul3A_71, %mul3A_79 : vector<16xf32>
        %slice3A_81 = vector.extract_strided_slice %get3A_65 {offsets = [10], sizes = [1], strides = [1]} : vector<16xf32> to vector<1xf32>
        %squeeze3A_82 = vector.extract %slice3A_81[0] : f32 from vector<1xf32>
        %get3A_83 = arith.index_cast %scan3A_61 : i32 to index
        %get3A_84 = arith.constant 32 : index
        %get3A_85 = tpu.vector_load %arg12[%get3A_83, %get3A_84] {strides = array<i32>} : memref<128x128xf32, #tpu.memory_space<vmem>>, vector<1x16xf32>,
        %get3A_86 = vector.shape_cast %get3A_85 : vector<1x16xf32> to vector<16xf32>
        %mul3A_87 = vector.broadcast %squeeze3A_82 : f32 to vector<16xf32>
        %mul3A_88 = arith.mulf %mul3A_87, %get3A_86 : vector<16xf32>
        %add3A_89 = arith.addf %add3A_80, %mul3A_88 : vector<16xf32>
        %slice3A_90 = vector.extract_strided_slice %get3A_65 {offsets = [11], sizes = [1], strides = [1]} : vector<16xf32> to vector<1xf32>
        %squeeze3A_91 = vector.extract %slice3A_90[0] : f32 from vector<1xf32>
        %get3A_92 = arith.index_cast %scan3A_61 : i32 to index
        %get3A_93 = arith.constant 48 : index
        %get3A_94 = tpu.vector_load %arg12[%get3A_92, %get3A_93] {strides = array<i32>} : memref<128x128xf32, #tpu.memory_space<vmem>>, vector<1x16xf32>,
        %get3A_95 = vector.shape_cast %get3A_94 : vector<1x16xf32> to vector<16xf32>
        %mul3A_96 = vector.broadcast %squeeze3A_91 : f32 to vector<16xf32>
        %mul3A_97 = arith.mulf %mul3A_96, %get3A_95 : vector<16xf32>
        %add3A_98 = arith.addf %add3A_89, %mul3A_97 : vector<16xf32>
        %slice3A_99 = vector.extract_strided_slice %get3A_65 {offsets = [12], sizes = [1], strides = [1]} : vector<16xf32> to vector<1xf32>
        %squeeze3A_100 = vector.extract %slice3A_99[0] : f32 from vector<1xf32>
        %get3A_101 = arith.index_cast %scan3A_61 : i32 to index
        %get3A_102 = arith.constant 64 : index
        %get3A_103 = tpu.vector_load %arg12[%get3A_101, %get3A_102] {strides = array<i32>} : memref<128x128xf32, #tpu.memory_space<vmem>>, vector<1x16xf32>,
        %get3A_104 = vector.shape_cast %get3A_103 : vector<1x16xf32> to vector<16xf32>
        %mul3A_105 = vector.broadcast %squeeze3A_100 : f32 to vector<16xf32>
        %mul3A_106 = arith.mulf %mul3A_105, %get3A_104 : vector<16xf32>
        %add3A_107 = arith.addf %add3A_98, %mul3A_106 : vector<16xf32>
        %slice3A_108 = vector.extract_strided_slice %get3A_65 {offsets = [13], sizes = [1], strides = [1]} : vector<16xf32> to vector<1xf32>
        %squeeze3A_109 = vector.extract %slice3A_108[0] : f32 from vector<1xf32>
        %get3A_110 = arith.index_cast %scan3A_61 : i32 to index
        %get3A_111 = arith.constant 80 : index
        %get3A_112 = tpu.vector_load %arg12[%get3A_110, %get3A_111] {strides = array<i32>} : memref<128x128xf32, #tpu.memory_space<vmem>>, vector<1x16xf32>,
        %get3A_113 = vector.shape_cast %get3A_112 : vector<1x16xf32> to vector<16xf32>
        %mul3A_114 = vector.broadcast %squeeze3A_109 : f32 to vector<16xf32>
        %mul3A_115 = arith.mulf %mul3A_114, %get3A_113 : vector<16xf32>
        %add3A_116 = arith.addf %add3A_107, %mul3A_115 : vector<16xf32>
        %slice3A_117 = vector.extract_strided_slice %get3A_65 {offsets = [14], sizes = [1], strides = [1]} : vector<16xf32> to vector<1xf32>
        %squeeze3A_118 = vector.extract %slice3A_117[0] : f32 from vector<1xf32>
        %get3A_119 = arith.index_cast %scan3A_61 : i32 to index
        %get3A_120 = arith.constant 96 : index
        %get3A_121 = tpu.vector_load %arg12[%get3A_119, %get3A_120] {strides = array<i32>} : memref<128x128xf32, #tpu.memory_space<vmem>>, vector<1x16xf32>,
        %get3A_122 = vector.shape_cast %get3A_121 : vector<1x16xf32> to vector<16xf32>
        %mul3A_123 = vector.broadcast %squeeze3A_118 : f32 to vector<16xf32>
        %mul3A_124 = arith.mulf %mul3A_123, %get3A_122 : vector<16xf32>
        %add3A_125 = arith.addf %add3A_116, %mul3A_124 : vector<16xf32>
        %slice3A_126 = vector.extract_strided_slice %get3A_65 {offsets = [15], sizes = [1], strides = [1]} : vector<16xf32> to vector<1xf32>
        %squeeze3A_127 = vector.extract %slice3A_126[0] : f32 from vector<1xf32>
        %get3A_128 = arith.index_cast %scan3A_61 : i32 to index
        %get3A_129 = arith.constant 112 : index
        %get3A_130 = tpu.vector_load %arg12[%get3A_128, %get3A_129] {strides = array<i32>} : memref<128x128xf32, #tpu.memory_space<vmem>>, vector<1x16xf32>,
        %get3A_131 = vector.shape_cast %get3A_130 : vector<1x16xf32> to vector<16xf32>
        %mul3A_132 = vector.broadcast %squeeze3A_127 : f32 to vector<16xf32>
        %mul3A_133 = arith.mulf %mul3A_132, %get3A_131 : vector<16xf32>
        %add3A_134 = arith.addf %add3A_125, %mul3A_133 : vector<16xf32>
        %swap3A = arith.index_cast %scan3A_61 : i32 to index
        %swap3A_135 = arith.constant 0 : index
        %swap3A_136 = tpu.vector_load %arg13[%swap3A, %swap3A_135] {strides = array<i32>} : memref<128x16xf32, #tpu.memory_space<vmem>>, vector<1x16xf32>,
        %swap3A_137 = vector.shape_cast %swap3A_136 : vector<1x16xf32> to vector<16xf32>
        %swap3A_138 = vector.shape_cast %add3A_134 : vector<16xf32> to vector<1x16xf32>
        tpu.vector_store %arg13[%swap3A, %swap3A_135], %swap3A_138 {strides = array<i32>} : memref<128x16xf32, #tpu.memory_space<vmem>>, vector<1x16xf32>,
        %scan3A_139 = arith.constant 0 : i32
        scf.yield %scan3A_139 : i32
      }
      %scan3A_59 = arith.constant 128 : i32
      "tpu.region"() ({
        %run_scoped3A = tpu.sem_alloc : memref<!tpu.dma_semaphore, #tpu.memory_space<semaphore_mem>>
        %dma_start3A_61 = arith.constant 0 : i32
        %dma_start3A_62 = arith.constant 0 : i32
        %dma_start3A_63 = tpu.memref_slice %arg8[%dma_start3A_61, %dma_start3A_62] : memref<10240x16xf32, #tpu.memory_space<vmem_shared>> -> memref<10240x16xf32, #tpu.memory_space<vmem_shared>>
        tpu.enqueue_indirect_dma source(%arg13 : memref<128x16xf32, #tpu.memory_space<vmem>>) target(%dma_start3A_63 : memref<10240x16xf32, #tpu.memory_space<vmem_shared>>) offsets(%arg10 : memref<128xi32, #tpu.memory_space<vmem>>) semaphore(%run_scoped3A : memref<!tpu.dma_semaphore, #tpu.memory_space<semaphore_mem>>) {add = true}
        %dma_wait3A_64 = arith.constant 0 : i32
        %dma_wait3A_65 = arith.constant 0 : i32
        %dma_wait3A_66 = tpu.memref_slice %arg8[%dma_wait3A_64, %dma_wait3A_65] : memref<10240x16xf32, #tpu.memory_space<vmem_shared>> -> memref<10240x16xf32, #tpu.memory_space<vmem_shared>>
        tpu.wait_indirect_dma semaphore(%run_scoped3A : memref<!tpu.dma_semaphore, #tpu.memory_space<semaphore_mem>>) src(%arg13 : memref<128x16xf32, #tpu.memory_space<vmem>>) dst(%dma_wait3A_66 : memref<10240x16xf32, #tpu.memory_space<vmem_shared>>)
        tpu.yield
      }) : () -> ()
      %while3A_60 = arith.constant 0 : i32
      scf.yield %while3A_60 : i32
    }
    %while3A_36 = arith.constant 1 : i32
    %while3A_37 = scf.for %while3A_43 = %while3A_33 to %while3A_29 step %while3A_36 iter_args(%while3A_44 = %while3A_35) -> (i32)  : i32 {
      %mul3A_45 = arith.constant 32 : i32
      %mul3A_46 = arith.muli %while3A_43, %mul3A_45 : i32
      %add3A_47 = arith.addi %add3A, %mul3A_46 : i32
      %mul3A_48 = arith.constant 128 : i32
      %mul3A_49 = arith.muli %add3A_47, %mul3A_48 : i32
      "tpu.region"() ({
        %run_scoped3A = tpu.sem_alloc : memref<!tpu.dma_semaphore, #tpu.memory_space<semaphore_mem>>
        %dma_start3A_61 = tpu.memref_slice %arg4[%mul3A_49] : memref<163840xi32, #tpu.memory_space<hbm>> -> memref<128xi32, #tpu.memory_space<hbm>>
        %dma_start3A_62 = tpu.memref_slice %arg4[%mul3A_49] : memref<163840xi32, #tpu.memory_space<hbm>> -> memref<128xi32, #tpu.memory_space<hbm>>
        tpu.enqueue_dma source(%dma_start3A_62 : memref<128xi32, #tpu.memory_space<hbm>>) target(%arg9 : memref<128xi32, #tpu.memory_space<vmem>>) target_semaphore(%run_scoped3A : memref<!tpu.dma_semaphore, #tpu.memory_space<semaphore_mem>>)
        %dma_wait3A_63 = tpu.memref_slice %arg4[%mul3A_49] : memref<163840xi32, #tpu.memory_space<hbm>> -> memref<128xi32, #tpu.memory_space<hbm>>
        %dma_wait3A_64 = tpu.memref_slice %arg4[%mul3A_49] : memref<163840xi32, #tpu.memory_space<hbm>> -> memref<128xi32, #tpu.memory_space<hbm>>
        tpu.wait_dma2 semaphore(%run_scoped3A : memref<!tpu.dma_semaphore, #tpu.memory_space<semaphore_mem>>) src(%dma_wait3A_64 : memref<128xi32, #tpu.memory_space<hbm>>) dst(%arg9 : memref<128xi32, #tpu.memory_space<vmem>>)
        tpu.yield
      }) : () -> ()
      "tpu.region"() ({
        %run_scoped3A = tpu.sem_alloc : memref<!tpu.dma_semaphore, #tpu.memory_space<semaphore_mem>>
        %dma_start3A_61 = tpu.memref_slice %arg5[%mul3A_49] : memref<163840xi32, #tpu.memory_space<hbm>> -> memref<128xi32, #tpu.memory_space<hbm>>
        %dma_start3A_62 = tpu.memref_slice %arg5[%mul3A_49] : memref<163840xi32, #tpu.memory_space<hbm>> -> memref<128xi32, #tpu.memory_space<hbm>>
        tpu.enqueue_dma source(%dma_start3A_62 : memref<128xi32, #tpu.memory_space<hbm>>) target(%arg10 : memref<128xi32, #tpu.memory_space<vmem>>) target_semaphore(%run_scoped3A : memref<!tpu.dma_semaphore, #tpu.memory_space<semaphore_mem>>)
        %dma_wait3A_63 = tpu.memref_slice %arg5[%mul3A_49] : memref<163840xi32, #tpu.memory_space<hbm>> -> memref<128xi32, #tpu.memory_space<hbm>>
        %dma_wait3A_64 = tpu.memref_slice %arg5[%mul3A_49] : memref<163840xi32, #tpu.memory_space<hbm>> -> memref<128xi32, #tpu.memory_space<hbm>>
        tpu.wait_dma2 semaphore(%run_scoped3A : memref<!tpu.dma_semaphore, #tpu.memory_space<semaphore_mem>>) src(%dma_wait3A_64 : memref<128xi32, #tpu.memory_space<hbm>>) dst(%arg10 : memref<128xi32, #tpu.memory_space<vmem>>)
        tpu.yield
      }) : () -> ()
      "tpu.region"() ({
        %run_scoped3A = tpu.sem_alloc : memref<!tpu.dma_semaphore, #tpu.memory_space<semaphore_mem>>
        %dma_start3A_61 = arith.constant 0 : i32
        %dma_start3A_62 = tpu.memref_slice %arg3[%mul3A_49, %dma_start3A_61] : memref<163840x32xf32, #tpu.memory_space<hbm>> -> memref<128x32xf32, #tpu.memory_space<hbm>>
        %dma_start3A_63 = arith.constant 0 : i32
        %dma_start3A_64 = tpu.memref_slice %arg3[%mul3A_49, %dma_start3A_63] : memref<163840x32xf32, #tpu.memory_space<hbm>> -> memref<128x32xf32, #tpu.memory_space<hbm>>
        tpu.enqueue_dma source(%dma_start3A_64 : memref<128x32xf32, #tpu.memory_space<hbm>>) target(%arg11 : memref<128x32xf32, #tpu.memory_space<vmem>>) target_semaphore(%run_scoped3A : memref<!tpu.dma_semaphore, #tpu.memory_space<semaphore_mem>>)
        %dma_wait3A_65 = arith.constant 0 : i32
        %dma_wait3A_66 = tpu.memref_slice %arg3[%mul3A_49, %dma_wait3A_65] : memref<163840x32xf32, #tpu.memory_space<hbm>> -> memref<128x32xf32, #tpu.memory_space<hbm>>
        %dma_wait3A_67 = arith.constant 0 : i32
        %dma_wait3A_68 = tpu.memref_slice %arg3[%mul3A_49, %dma_wait3A_67] : memref<163840x32xf32, #tpu.memory_space<hbm>> -> memref<128x32xf32, #tpu.memory_space<hbm>>
        tpu.wait_dma2 semaphore(%run_scoped3A : memref<!tpu.dma_semaphore, #tpu.memory_space<semaphore_mem>>) src(%dma_wait3A_68 : memref<128x32xf32, #tpu.memory_space<hbm>>) dst(%arg11 : memref<128x32xf32, #tpu.memory_space<vmem>>)
        tpu.yield
      }) : () -> ()
      %dma_start3A = arith.constant 0 : i32
      %dma_start3A_50 = arith.constant 0 : i32
      %dma_start3A_51 = tpu.memref_slice %arg2[%dma_start3A, %dma_start3A_50] : memref<10240x128xf32, #tpu.memory_space<hbm>> -> memref<10240x128xf32, #tpu.memory_space<hbm>>
      tpu.enqueue_indirect_dma source(%dma_start3A_51 : memref<10240x128xf32, #tpu.memory_space<hbm>>) target(%arg12 : memref<128x128xf32, #tpu.memory_space<vmem>>) offsets(%arg9 : memref<128xi32, #tpu.memory_space<vmem>>) semaphore(%arg14 : memref<!tpu.dma_semaphore, #tpu.memory_space<semaphore_mem>>)
      %dma_wait3A = arith.constant 0 : i32
      %dma_wait3A_52 = arith.constant 0 : i32
      %dma_wait3A_53 = tpu.memref_slice %arg2[%dma_wait3A, %dma_wait3A_52] : memref<10240x128xf32, #tpu.memory_space<hbm>> -> memref<10240x128xf32, #tpu.memory_space<hbm>>
      tpu.wait_indirect_dma semaphore(%arg14 : memref<!tpu.dma_semaphore, #tpu.memory_space<semaphore_mem>>) src(%dma_wait3A_53 : memref<10240x128xf32, #tpu.memory_space<hbm>>) dst(%arg12 : memref<128x128xf32, #tpu.memory_space<vmem>>)
      %scan3A = arith.constant 0 : i32
      %scan3A_54 = arith.constant 0 : i32
      %scan3A_55 = arith.constant 128 : i32
      %scan3A_56 = arith.addi %scan3A_54, %scan3A_55 : i32
      %scan3A_57 = arith.constant 1 : i32
      %scan3A_58 = scf.for %scan3A_61 = %scan3A_54 to %scan3A_56 step %scan3A_57 iter_args(%scan3A_62 = %scan3A) -> (i32)  : i32 {
        %get3A = arith.index_cast %scan3A_61 : i32 to index
        %get3A_63 = arith.constant 0 : index
        %get3A_64 = tpu.vector_load %arg11[%get3A, %get3A_63] {strides = array<i32>} : memref<128x32xf32, #tpu.memory_space<vmem>>, vector<1x16xf32>,
        %get3A_65 = vector.shape_cast %get3A_64 : vector<1x16xf32> to vector<16xf32>
        %slice3A = vector.extract_strided_slice %get3A_65 {offsets = [8], sizes = [1], strides = [1]} : vector<16xf32> to vector<1xf32>
        %squeeze3A = vector.extract %slice3A[0] : f32 from vector<1xf32>
        %get3A_66 = arith.index_cast %scan3A_61 : i32 to index
        %get3A_67 = arith.constant 0 : index
        %get3A_68 = tpu.vector_load %arg12[%get3A_66, %get3A_67] {strides = array<i32>} : memref<128x128xf32, #tpu.memory_space<vmem>>, vector<1x16xf32>,
        %get3A_69 = vector.shape_cast %get3A_68 : vector<1x16xf32> to vector<16xf32>
        %mul3A_70 = vector.broadcast %squeeze3A : f32 to vector<16xf32>
        %mul3A_71 = arith.mulf %mul3A_70, %get3A_69 : vector<16xf32>
        %slice3A_72 = vector.extract_strided_slice %get3A_65 {offsets = [9], sizes = [1], strides = [1]} : vector<16xf32> to vector<1xf32>
        %squeeze3A_73 = vector.extract %slice3A_72[0] : f32 from vector<1xf32>
        %get3A_74 = arith.index_cast %scan3A_61 : i32 to index
        %get3A_75 = arith.constant 16 : index
        %get3A_76 = tpu.vector_load %arg12[%get3A_74, %get3A_75] {strides = array<i32>} : memref<128x128xf32, #tpu.memory_space<vmem>>, vector<1x16xf32>,
        %get3A_77 = vector.shape_cast %get3A_76 : vector<1x16xf32> to vector<16xf32>
        %mul3A_78 = vector.broadcast %squeeze3A_73 : f32 to vector<16xf32>
        %mul3A_79 = arith.mulf %mul3A_78, %get3A_77 : vector<16xf32>
        %add3A_80 = arith.addf %mul3A_71, %mul3A_79 : vector<16xf32>
        %slice3A_81 = vector.extract_strided_slice %get3A_65 {offsets = [10], sizes = [1], strides = [1]} : vector<16xf32> to vector<1xf32>
        %squeeze3A_82 = vector.extract %slice3A_81[0] : f32 from vector<1xf32>
        %get3A_83 = arith.index_cast %scan3A_61 : i32 to index
        %get3A_84 = arith.constant 32 : index
        %get3A_85 = tpu.vector_load %arg12[%get3A_83, %get3A_84] {strides = array<i32>} : memref<128x128xf32, #tpu.memory_space<vmem>>, vector<1x16xf32>,
        %get3A_86 = vector.shape_cast %get3A_85 : vector<1x16xf32> to vector<16xf32>
        %mul3A_87 = vector.broadcast %squeeze3A_82 : f32 to vector<16xf32>
        %mul3A_88 = arith.mulf %mul3A_87, %get3A_86 : vector<16xf32>
        %add3A_89 = arith.addf %add3A_80, %mul3A_88 : vector<16xf32>
        %slice3A_90 = vector.extract_strided_slice %get3A_65 {offsets = [11], sizes = [1], strides = [1]} : vector<16xf32> to vector<1xf32>
        %squeeze3A_91 = vector.extract %slice3A_90[0] : f32 from vector<1xf32>
        %get3A_92 = arith.index_cast %scan3A_61 : i32 to index
        %get3A_93 = arith.constant 48 : index
        %get3A_94 = tpu.vector_load %arg12[%get3A_92, %get3A_93] {strides = array<i32>} : memref<128x128xf32, #tpu.memory_space<vmem>>, vector<1x16xf32>,
        %get3A_95 = vector.shape_cast %get3A_94 : vector<1x16xf32> to vector<16xf32>
        %mul3A_96 = vector.broadcast %squeeze3A_91 : f32 to vector<16xf32>
        %mul3A_97 = arith.mulf %mul3A_96, %get3A_95 : vector<16xf32>
        %add3A_98 = arith.addf %add3A_89, %mul3A_97 : vector<16xf32>
        %slice3A_99 = vector.extract_strided_slice %get3A_65 {offsets = [12], sizes = [1], strides = [1]} : vector<16xf32> to vector<1xf32>
        %squeeze3A_100 = vector.extract %slice3A_99[0] : f32 from vector<1xf32>
        %get3A_101 = arith.index_cast %scan3A_61 : i32 to index
        %get3A_102 = arith.constant 64 : index
        %get3A_103 = tpu.vector_load %arg12[%get3A_101, %get3A_102] {strides = array<i32>} : memref<128x128xf32, #tpu.memory_space<vmem>>, vector<1x16xf32>,
        %get3A_104 = vector.shape_cast %get3A_103 : vector<1x16xf32> to vector<16xf32>
        %mul3A_105 = vector.broadcast %squeeze3A_100 : f32 to vector<16xf32>
        %mul3A_106 = arith.mulf %mul3A_105, %get3A_104 : vector<16xf32>
        %add3A_107 = arith.addf %add3A_98, %mul3A_106 : vector<16xf32>
        %slice3A_108 = vector.extract_strided_slice %get3A_65 {offsets = [13], sizes = [1], strides = [1]} : vector<16xf32> to vector<1xf32>
        %squeeze3A_109 = vector.extract %slice3A_108[0] : f32 from vector<1xf32>
        %get3A_110 = arith.index_cast %scan3A_61 : i32 to index
        %get3A_111 = arith.constant 80 : index
        %get3A_112 = tpu.vector_load %arg12[%get3A_110, %get3A_111] {strides = array<i32>} : memref<128x128xf32, #tpu.memory_space<vmem>>, vector<1x16xf32>,
        %get3A_113 = vector.shape_cast %get3A_112 : vector<1x16xf32> to vector<16xf32>
        %mul3A_114 = vector.broadcast %squeeze3A_109 : f32 to vector<16xf32>
        %mul3A_115 = arith.mulf %mul3A_114, %get3A_113 : vector<16xf32>
        %add3A_116 = arith.addf %add3A_107, %mul3A_115 : vector<16xf32>
        %slice3A_117 = vector.extract_strided_slice %get3A_65 {offsets = [14], sizes = [1], strides = [1]} : vector<16xf32> to vector<1xf32>
        %squeeze3A_118 = vector.extract %slice3A_117[0] : f32 from vector<1xf32>
        %get3A_119 = arith.index_cast %scan3A_61 : i32 to index
        %get3A_120 = arith.constant 96 : index
        %get3A_121 = tpu.vector_load %arg12[%get3A_119, %get3A_120] {strides = array<i32>} : memref<128x128xf32, #tpu.memory_space<vmem>>, vector<1x16xf32>,
        %get3A_122 = vector.shape_cast %get3A_121 : vector<1x16xf32> to vector<16xf32>
        %mul3A_123 = vector.broadcast %squeeze3A_118 : f32 to vector<16xf32>
        %mul3A_124 = arith.mulf %mul3A_123, %get3A_122 : vector<16xf32>
        %add3A_125 = arith.addf %add3A_116, %mul3A_124 : vector<16xf32>
        %slice3A_126 = vector.extract_strided_slice %get3A_65 {offsets = [15], sizes = [1], strides = [1]} : vector<16xf32> to vector<1xf32>
        %squeeze3A_127 = vector.extract %slice3A_126[0] : f32 from vector<1xf32>
        %get3A_128 = arith.index_cast %scan3A_61 : i32 to index
        %get3A_129 = arith.constant 112 : index
        %get3A_130 = tpu.vector_load %arg12[%get3A_128, %get3A_129] {strides = array<i32>} : memref<128x128xf32, #tpu.memory_space<vmem>>, vector<1x16xf32>,
        %get3A_131 = vector.shape_cast %get3A_130 : vector<1x16xf32> to vector<16xf32>
        %mul3A_132 = vector.broadcast %squeeze3A_127 : f32 to vector<16xf32>
        %mul3A_133 = arith.mulf %mul3A_132, %get3A_131 : vector<16xf32>
        %add3A_134 = arith.addf %add3A_125, %mul3A_133 : vector<16xf32>
        %swap3A = arith.index_cast %scan3A_61 : i32 to index
        %swap3A_135 = arith.constant 0 : index
        %swap3A_136 = tpu.vector_load %arg13[%swap3A, %swap3A_135] {strides = array<i32>} : memref<128x16xf32, #tpu.memory_space<vmem>>, vector<1x16xf32>,
        %swap3A_137 = vector.shape_cast %swap3A_136 : vector<1x16xf32> to vector<16xf32>
        %swap3A_138 = vector.shape_cast %add3A_134 : vector<16xf32> to vector<1x16xf32>
        tpu.vector_store %arg13[%swap3A, %swap3A_135], %swap3A_138 {strides = array<i32>} : memref<128x16xf32, #tpu.memory_space<vmem>>, vector<1x16xf32>,
        %scan3A_139 = arith.constant 0 : i32
        scf.yield %scan3A_139 : i32
      }
      %scan3A_59 = arith.constant 128 : i32
      "tpu.region"() ({
        %run_scoped3A = tpu.sem_alloc : memref<!tpu.dma_semaphore, #tpu.memory_space<semaphore_mem>>
        %dma_start3A_61 = arith.constant 0 : i32
        %dma_start3A_62 = arith.constant 0 : i32
        %dma_start3A_63 = tpu.memref_slice %arg8[%dma_start3A_61, %dma_start3A_62] : memref<10240x16xf32, #tpu.memory_space<vmem_shared>> -> memref<10240x16xf32, #tpu.memory_space<vmem_shared>>
        tpu.enqueue_indirect_dma source(%arg13 : memref<128x16xf32, #tpu.memory_space<vmem>>) target(%dma_start3A_63 : memref<10240x16xf32, #tpu.memory_space<vmem_shared>>) offsets(%arg10 : memref<128xi32, #tpu.memory_space<vmem>>) semaphore(%run_scoped3A : memref<!tpu.dma_semaphore, #tpu.memory_space<semaphore_mem>>) {add = true}
        %dma_wait3A_64 = arith.constant 0 : i32
        %dma_wait3A_65 = arith.constant 0 : i32
        %dma_wait3A_66 = tpu.memref_slice %arg8[%dma_wait3A_64, %dma_wait3A_65] : memref<10240x16xf32, #tpu.memory_space<vmem_shared>> -> memref<10240x16xf32, #tpu.memory_space<vmem_shared>>
        tpu.wait_indirect_dma semaphore(%run_scoped3A : memref<!tpu.dma_semaphore, #tpu.memory_space<semaphore_mem>>) src(%arg13 : memref<128x16xf32, #tpu.memory_space<vmem>>) dst(%dma_wait3A_66 : memref<10240x16xf32, #tpu.memory_space<vmem_shared>>)
        tpu.yield
      }) : () -> ()
      %while3A_60 = arith.constant 0 : i32
      scf.yield %while3A_60 : i32
    }
    %barrier3A_38 = arith.constant 0 : index
    tpu.barrier barrier_id(%barrier3A_38)
    %mul3A_39 = arith.constant 640 : i32
    %mul3A_40 = arith.muli %arg1, %mul3A_39 : i32
    %mul3A_41 = arith.constant 640 : i32
    %mul3A_42 = arith.muli %arg1, %mul3A_41 : i32
    "tpu.region"() ({
      %run_scoped3A = tpu.sem_alloc : memref<!tpu.dma_semaphore, #tpu.memory_space<semaphore_mem>>
      %dma_start3A = arith.constant 0 : i32
      %dma_start3A_43 = tpu.memref_slice %arg7[%arg0, %mul3A_42, %dma_start3A] : memref<2x10240x16xf32, #tpu.memory_space<hbm>> -> memref<1x640x16xf32, #tpu.memory_space<hbm>>
      %dma_start3A_44 = tpu.memref_squeeze %dma_start3A_43 : memref<1x640x16xf32, #tpu.memory_space<hbm>> -> memref<640x16xf32, #tpu.memory_space<hbm>>
      %dma_start3A_45 = arith.constant 0 : i32
      %dma_start3A_46 = tpu.memref_slice %arg8[%mul3A_40, %dma_start3A_45] : memref<10240x16xf32, #tpu.memory_space<vmem_shared>> -> memref<640x16xf32, #tpu.memory_space<vmem_shared>>
      tpu.enqueue_dma source(%dma_start3A_46 : memref<640x16xf32, #tpu.memory_space<vmem_shared>>) target(%dma_start3A_44 : memref<640x16xf32, #tpu.memory_space<hbm>>) target_semaphore(%run_scoped3A : memref<!tpu.dma_semaphore, #tpu.memory_space<semaphore_mem>>)
      %dma_wait3A = arith.constant 0 : i32
      %dma_wait3A_47 = tpu.memref_slice %arg7[%arg0, %mul3A_42, %dma_wait3A] : memref<2x10240x16xf32, #tpu.memory_space<hbm>> -> memref<1x640x16xf32, #tpu.memory_space<hbm>>
      %dma_wait3A_48 = tpu.memref_squeeze %dma_wait3A_47 : memref<1x640x16xf32, #tpu.memory_space<hbm>> -> memref<640x16xf32, #tpu.memory_space<hbm>>
      %dma_wait3A_49 = arith.constant 0 : i32
      %dma_wait3A_50 = tpu.memref_slice %arg8[%mul3A_40, %dma_wait3A_49] : memref<10240x16xf32, #tpu.memory_space<vmem_shared>> -> memref<640x16xf32, #tpu.memory_space<vmem_shared>>
      tpu.wait_dma2 semaphore(%run_scoped3A : memref<!tpu.dma_semaphore, #tpu.memory_space<semaphore_mem>>) src(%dma_wait3A_50 : memref<640x16xf32, #tpu.memory_space<vmem_shared>>) dst(%dma_wait3A_48 : memref<640x16xf32, #tpu.memory_space<hbm>>)
      tpu.yield
    }) : () -> ()
    return
  }
}

module attributes {stable_mosaic.version = 14 : i64} {
  func.func @_t0_body(%arg0: i32, %arg1: memref<1000x128xf32, #tpu.memory_space<vmem>>, %arg2: memref<128x128xf32, #tpu.memory_space<vmem>>, %arg3: memref<1000x8xf32, #tpu.memory_space<vmem>>, %arg4: memref<8x32xf32, #tpu.memory_space<vmem>>, %arg5: memref<1000x128xf32, #tpu.memory_space<vmem>>, %arg6: memref<1000x32xf32, #tpu.memory_space<vmem>>) attributes {dimension_semantics = [#tpu.dimension_semantics<arbitrary>], iteration_bounds = array<i64: 10>, scalar_prefetch = 0 : i64, scratch_operands = 0 : i64, tpu.core_type = #tpu.core_type<tc>, window_params = [{transform_indices = @transform_0, window_bounds = array<i64: 1000, 128>}, {pipeline_mode = #tpu.pipeline_mode<synchronous>, transform_indices = @transform_1, window_bounds = array<i64: 128, 128>}, {transform_indices = @transform_2, window_bounds = array<i64: 1000, 8>}, {pipeline_mode = #tpu.pipeline_mode<synchronous>, transform_indices = @transform_3, window_bounds = array<i64: 8, 32>}, {transform_indices = @transform_4, window_bounds = array<i64: 1000, 128>}, {transform_indices = @transform_5, window_bounds = array<i64: 1000, 32>}]} {
    %get3A = arith.constant 0 : index
    %get3A_0 = arith.constant 0 : index
    %get3A_1 = vector.load %arg1[%get3A, %get3A_0] : memref<1000x128xf32, #tpu.memory_space<vmem>>, vector<1000x128xf32>
    %get3A_2 = arith.constant 0 : index
    %get3A_3 = arith.constant 0 : index
    %get3A_4 = vector.load %arg2[%get3A_2, %get3A_3] : memref<128x128xf32, #tpu.memory_space<vmem>>, vector<128x128xf32>
    %dot_general3A = arith.constant dense<0.000000e+00> : vector<1000x128xf32>
    %dot_general3A_5 = tpu.matmul %get3A_1, %get3A_4, %dot_general3A {dimension_numbers = #tpu.dot_dimension_numbers<[1], [0], [0], [1], [0, 0, 1, 1], [], []>, transpose_lhs_hint = false} : vector<1000x128xf32>, vector<128x128xf32>, vector<1000x128xf32> -> vector<1000x128xf32>
    %swap3A = arith.constant 0 : index
    %swap3A_6 = arith.constant 0 : index
    %swap3A_7 = vector.load %arg5[%swap3A, %swap3A_6] : memref<1000x128xf32, #tpu.memory_space<vmem>>, vector<1000x128xf32>
    tpu.vector_store %arg5[%swap3A, %swap3A_6], %dot_general3A_5 {strides = array<i32>} : memref<1000x128xf32, #tpu.memory_space<vmem>>, vector<1000x128xf32>,
    %get3A_8 = arith.constant 0 : index
    %get3A_9 = arith.constant 0 : index
    %get3A_10 = vector.load %arg3[%get3A_8, %get3A_9] : memref<1000x8xf32, #tpu.memory_space<vmem>>, vector<1000x8xf32>
    %get3A_11 = arith.constant 0 : index
    %get3A_12 = arith.constant 0 : index
    %get3A_13 = vector.load %arg4[%get3A_11, %get3A_12] : memref<8x32xf32, #tpu.memory_space<vmem>>, vector<8x32xf32>
    %dot_general3A_14 = arith.constant dense<0.000000e+00> : vector<1000x32xf32>
    %dot_general3A_15 = tpu.matmul %get3A_10, %get3A_13, %dot_general3A_14 {dimension_numbers = #tpu.dot_dimension_numbers<[1], [0], [0], [1], [0, 0, 1, 1], [], []>, transpose_lhs_hint = false} : vector<1000x8xf32>, vector<8x32xf32>, vector<1000x32xf32> -> vector<1000x32xf32>
    %swap3A_16 = arith.constant 0 : index
    %swap3A_17 = arith.constant 0 : index
    %swap3A_18 = vector.load %arg6[%swap3A_16, %swap3A_17] : memref<1000x32xf32, #tpu.memory_space<vmem>>, vector<1000x32xf32>
    tpu.vector_store %arg6[%swap3A_16, %swap3A_17], %dot_general3A_15 {strides = array<i32>} : memref<1000x32xf32, #tpu.memory_space<vmem>>, vector<1000x32xf32>,
    return
  }
  func.func @transform_0(%arg0: i32) -> (i32, i32) {
    %c0_i32 = arith.constant 0 : i32
    %c0_i32_0 = arith.constant 0 : i32
    return %arg0, %c0_i32 : i32, i32
  }
  func.func @transform_1(%arg0: i32) -> (i32, i32) {
    %c0_i32 = arith.constant 0 : i32
    %c0_i32_0 = arith.constant 0 : i32
    %c0_i32_1 = arith.constant 0 : i32
    return %c0_i32, %c0_i32_0 : i32, i32
  }
  func.func @transform_2(%arg0: i32) -> (i32, i32) {
    %c0_i32 = arith.constant 0 : i32
    %c0_i32_0 = arith.constant 0 : i32
    return %arg0, %c0_i32 : i32, i32
  }
  func.func @transform_3(%arg0: i32) -> (i32, i32) {
    %c0_i32 = arith.constant 0 : i32
    %c0_i32_0 = arith.constant 0 : i32
    %c0_i32_1 = arith.constant 0 : i32
    return %c0_i32, %c0_i32_0 : i32, i32
  }
  func.func @transform_4(%arg0: i32) -> (i32, i32) {
    %c0_i32 = arith.constant 0 : i32
    %c0_i32_0 = arith.constant 0 : i32
    return %arg0, %c0_i32 : i32, i32
  }
  func.func @transform_5(%arg0: i32) -> (i32, i32) {
    %c0_i32 = arith.constant 0 : i32
    %c0_i32_0 = arith.constant 0 : i32
    return %arg0, %c0_i32 : i32, i32
  }
}

module attributes {stable_mosaic.version = 14 : i64} {
  func.func @_tmix_body(%arg0: i32, %arg1: memref<2x1024x16xf32, #tpu.memory_space<vmem>>, %arg2: memref<1x16xf32, #tpu.memory_space<vmem>>, %arg3: memref<16x128xf32, #tpu.memory_space<vmem>>, %arg4: memref<1024x128xf32, #tpu.memory_space<vmem>>) attributes {dimension_semantics = [#tpu.dimension_semantics<arbitrary>], iteration_bounds = array<i64: 10>, scalar_prefetch = 0 : i64, scratch_operands = 0 : i64, tpu.core_type = #tpu.core_type<tc>, window_params = [{transform_indices = @transform_0, window_bounds = array<i64: 2, 1024, 16>}, {pipeline_mode = #tpu.pipeline_mode<synchronous>, transform_indices = @transform_1, window_bounds = array<i64: 1, 16>}, {pipeline_mode = #tpu.pipeline_mode<synchronous>, transform_indices = @transform_2, window_bounds = array<i64: 16, 128>}, {transform_indices = @transform_3, window_bounds = array<i64: 1024, 128>}]} {
    %get3A = arith.constant 0 : index
    %get3A_0 = arith.constant 0 : index
    %get3A_1 = arith.constant 0 : index
    %get3A_2 = vector.load %arg1[%get3A, %get3A_0, %get3A_1] : memref<2x1024x16xf32, #tpu.memory_space<vmem>>, vector<1x1024x16xf32>
    %get3A_3 = vector.shape_cast %get3A_2 : vector<1x1024x16xf32> to vector<1024x16xf32>
    %get3A_4 = arith.constant 1 : index
    %get3A_5 = arith.constant 0 : index
    %get3A_6 = arith.constant 0 : index
    %get3A_7 = vector.load %arg1[%get3A_4, %get3A_5, %get3A_6] : memref<2x1024x16xf32, #tpu.memory_space<vmem>>, vector<1x1024x16xf32>
    %get3A_8 = vector.shape_cast %get3A_7 : vector<1x1024x16xf32> to vector<1024x16xf32>
    %add3A = arith.addf %get3A_3, %get3A_8 : vector<1024x16xf32>
    %get3A_9 = arith.constant 0 : index
    %get3A_10 = arith.constant 0 : index
    %get3A_11 = vector.load %arg2[%get3A_9, %get3A_10] : memref<1x16xf32, #tpu.memory_space<vmem>>, vector<1x16xf32>
    %add3A_12 = vector.broadcast %get3A_11 : vector<1x16xf32> to vector<1024x16xf32>
    %add3A_13 = arith.addf %add3A, %add3A_12 : vector<1024x16xf32>
    %max3A = arith.constant 0.000000e+00 : f32
    %max3A_14 = vector.broadcast %max3A : f32 to vector<1024x16xf32>
    %max3A_15 = arith.maximumf %add3A_13, %max3A_14 : vector<1024x16xf32>
    %get3A_16 = arith.constant 0 : index
    %get3A_17 = arith.constant 0 : index
    %get3A_18 = vector.load %arg3[%get3A_16, %get3A_17] : memref<16x128xf32, #tpu.memory_space<vmem>>, vector<16x128xf32>
    %dot_general3A = arith.constant dense<0.000000e+00> : vector<1024x128xf32>
    %dot_general3A_19 = tpu.matmul %max3A_15, %get3A_18, %dot_general3A {dimension_numbers = #tpu.dot_dimension_numbers<[1], [0], [0], [1], [0, 0, 1, 1], [], []>, transpose_lhs_hint = false} : vector<1024x16xf32>, vector<16x128xf32>, vector<1024x128xf32> -> vector<1024x128xf32>
    %swap3A = arith.constant 0 : index
    %swap3A_20 = arith.constant 0 : index
    %swap3A_21 = vector.load %arg4[%swap3A, %swap3A_20] : memref<1024x128xf32, #tpu.memory_space<vmem>>, vector<1024x128xf32>
    tpu.vector_store %arg4[%swap3A, %swap3A_20], %dot_general3A_19 {strides = array<i32>} : memref<1024x128xf32, #tpu.memory_space<vmem>>, vector<1024x128xf32>,
    return
  }
  func.func @transform_0(%arg0: i32) -> (i32, i32, i32) {
    %c0_i32 = arith.constant 0 : i32
    %c0_i32_0 = arith.constant 0 : i32
    %c0_i32_1 = arith.constant 0 : i32
    return %c0_i32, %arg0, %c0_i32_0 : i32, i32, i32
  }
  func.func @transform_1(%arg0: i32) -> (i32, i32) {
    %c0_i32 = arith.constant 0 : i32
    %c0_i32_0 = arith.constant 0 : i32
    %c0_i32_1 = arith.constant 0 : i32
    return %c0_i32, %c0_i32_0 : i32, i32
  }
  func.func @transform_2(%arg0: i32) -> (i32, i32) {
    %c0_i32 = arith.constant 0 : i32
    %c0_i32_0 = arith.constant 0 : i32
    %c0_i32_1 = arith.constant 0 : i32
    return %c0_i32, %c0_i32_0 : i32, i32
  }
  func.func @transform_3(%arg0: i32) -> (i32, i32) {
    %c0_i32 = arith.constant 0 : i32
    %c0_i32_0 = arith.constant 0 : i32
    return %arg0, %c0_i32 : i32, i32
  }
}

module attributes {stable_mosaic.version = 14 : i64} {
  func.func @_t2_body(%arg0: i32, %arg1: memref<2x1024x16xf32, #tpu.memory_space<vmem>>, %arg2: memref<1x16xf32, #tpu.memory_space<vmem>>, %arg3: memref<1x1x1024xi32, #tpu.memory_space<vmem>>, %arg4: memref<1024x16xf32, #tpu.memory_space<vmem>>, %arg5: memref<128x16xf32, #tpu.memory_space<vmem>>) attributes {dimension_semantics = [#tpu.dimension_semantics<arbitrary>], iteration_bounds = array<i64: 10>, scalar_prefetch = 0 : i64, scratch_operands = 0 : i64, tpu.core_type = #tpu.core_type<tc>, window_params = [{transform_indices = @transform_0, window_bounds = array<i64: 2, 1024, 16>}, {pipeline_mode = #tpu.pipeline_mode<synchronous>, transform_indices = @transform_1, window_bounds = array<i64: 1, 16>}, {transform_indices = @transform_2, window_bounds = array<i64: 1, 1, 1024>}, {transform_indices = @transform_3, window_bounds = array<i64: 1024, 16>}, {pipeline_mode = #tpu.pipeline_mode<synchronous>, transform_indices = @transform_4, window_bounds = array<i64: 128, 16>}]} {
    %get3A = arith.constant 0 : index
    %get3A_0 = arith.constant 0 : index
    %get3A_1 = arith.constant 0 : index
    %get3A_2 = vector.load %arg1[%get3A, %get3A_0, %get3A_1] : memref<2x1024x16xf32, #tpu.memory_space<vmem>>, vector<1x1024x16xf32>
    %get3A_3 = vector.shape_cast %get3A_2 : vector<1x1024x16xf32> to vector<1024x16xf32>
    %get3A_4 = arith.constant 1 : index
    %get3A_5 = arith.constant 0 : index
    %get3A_6 = arith.constant 0 : index
    %get3A_7 = vector.load %arg1[%get3A_4, %get3A_5, %get3A_6] : memref<2x1024x16xf32, #tpu.memory_space<vmem>>, vector<1x1024x16xf32>
    %get3A_8 = vector.shape_cast %get3A_7 : vector<1x1024x16xf32> to vector<1024x16xf32>
    %add3A = arith.addf %get3A_3, %get3A_8 : vector<1024x16xf32>
    %get3A_9 = arith.constant 0 : index
    %get3A_10 = arith.constant 0 : index
    %get3A_11 = vector.load %arg2[%get3A_9, %get3A_10] : memref<1x16xf32, #tpu.memory_space<vmem>>, vector<1x16xf32>
    %add3A_12 = vector.broadcast %get3A_11 : vector<1x16xf32> to vector<1024x16xf32>
    %add3A_13 = arith.addf %add3A, %add3A_12 : vector<1024x16xf32>
    %max3A = arith.constant 0.000000e+00 : f32
    %max3A_14 = vector.broadcast %max3A : f32 to vector<1024x16xf32>
    %max3A_15 = arith.maximumf %add3A_13, %max3A_14 : vector<1024x16xf32>
    %swap3A = arith.constant 0 : index
    %swap3A_16 = arith.constant 0 : index
    %swap3A_17 = vector.load %arg4[%swap3A, %swap3A_16] : memref<1024x16xf32, #tpu.memory_space<vmem>>, vector<1024x16xf32>
    tpu.vector_store %arg4[%swap3A, %swap3A_16], %max3A_15 {strides = array<i32>} : memref<1024x16xf32, #tpu.memory_space<vmem>>, vector<1024x16xf32>,
    %get3A_18 = arith.constant 0 : index
    %get3A_19 = arith.constant 0 : index
    %get3A_20 = arith.constant 0 : index
    %get3A_21 = vector.load %arg3[%get3A_18, %get3A_19, %get3A_20] : memref<1x1x1024xi32, #tpu.memory_space<vmem>>, vector<1x1x1024xi32>
    %get3A_22 = vector.shape_cast %get3A_21 : vector<1x1x1024xi32> to vector<1x1024xi32>
    %iota3A = tpu.iota {dimensions = array<i32: 0>} : vector<128x1024xi32>
    %broadcast_in_dim3A = vector.shape_cast %get3A_22 : vector<1x1024xi32> to vector<1x1024xi32>
    %broadcast_in_dim3A_23 = vector.broadcast %broadcast_in_dim3A : vector<1x1024xi32> to vector<128x1024xi32>
    %eq3A = arith.cmpi eq, %broadcast_in_dim3A_23, %iota3A : vector<128x1024xi32>
    %convert_element_type3A = arith.extui %eq3A : vector<128x1024xi1> to vector<128x1024xi32>
    %convert_element_type3A_24 = arith.sitofp %convert_element_type3A : vector<128x1024xi32> to vector<128x1024xf32>
    %dot_general3A = arith.constant dense<0.000000e+00> : vector<128x16xf32>
    %dot_general3A_25 = tpu.matmul %convert_element_type3A_24, %max3A_15, %dot_general3A {dimension_numbers = #tpu.dot_dimension_numbers<[1], [0], [0], [1], [0, 0, 1, 1], [], []>, transpose_lhs_hint = false} : vector<128x1024xf32>, vector<1024x16xf32>, vector<128x16xf32> -> vector<128x16xf32>
    %eq3A_26 = arith.constant 0 : i32
    %eq3A_27 = arith.cmpi eq, %arg0, %eq3A_26 : i32
    %convert_element_type3A_28 = arith.extui %eq3A_27 : i1 to i32
    %cond3A = arith.constant 0 : i32
    %cond3A_29 = arith.cmpi ne, %convert_element_type3A_28, %cond3A : i32
    scf.if %cond3A_29 {
      %broadcast_in_dim3A_37 = arith.constant 0.000000e+00 : f32
      %broadcast_in_dim3A_38 = vector.broadcast %broadcast_in_dim3A_37 : f32 to vector<128x16xf32>
      %swap3A_39 = arith.constant 0 : index
      %swap3A_40 = arith.constant 0 : index
      %swap3A_41 = vector.load %arg5[%swap3A_39, %swap3A_40] : memref<128x16xf32, #tpu.memory_space<vmem>>, vector<128x16xf32>
      tpu.vector_store %arg5[%swap3A_39, %swap3A_40], %broadcast_in_dim3A_38 {strides = array<i32>} : memref<128x16xf32, #tpu.memory_space<vmem>>, vector<128x16xf32>,
    } else {
    }
    %get3A_30 = arith.constant 0 : index
    %get3A_31 = arith.constant 0 : index
    %get3A_32 = vector.load %arg5[%get3A_30, %get3A_31] : memref<128x16xf32, #tpu.memory_space<vmem>>, vector<128x16xf32>
    %add3A_33 = arith.addf %get3A_32, %dot_general3A_25 : vector<128x16xf32>
    %swap3A_34 = arith.constant 0 : index
    %swap3A_35 = arith.constant 0 : index
    %swap3A_36 = vector.load %arg5[%swap3A_34, %swap3A_35] : memref<128x16xf32, #tpu.memory_space<vmem>>, vector<128x16xf32>
    tpu.vector_store %arg5[%swap3A_34, %swap3A_35], %add3A_33 {strides = array<i32>} : memref<128x16xf32, #tpu.memory_space<vmem>>, vector<128x16xf32>,
    return
  }
  func.func @transform_0(%arg0: i32) -> (i32, i32, i32) {
    %c0_i32 = arith.constant 0 : i32
    %c0_i32_0 = arith.constant 0 : i32
    %c0_i32_1 = arith.constant 0 : i32
    return %c0_i32, %arg0, %c0_i32_0 : i32, i32, i32
  }
  func.func @transform_1(%arg0: i32) -> (i32, i32) {
    %c0_i32 = arith.constant 0 : i32
    %c0_i32_0 = arith.constant 0 : i32
    %c0_i32_1 = arith.constant 0 : i32
    return %c0_i32, %c0_i32_0 : i32, i32
  }
  func.func @transform_2(%arg0: i32) -> (i32, i32, i32) {
    %c0_i32 = arith.constant 0 : i32
    %c0_i32_0 = arith.constant 0 : i32
    %c0_i32_1 = arith.constant 0 : i32
    return %arg0, %c0_i32, %c0_i32_0 : i32, i32, i32
  }
  func.func @transform_3(%arg0: i32) -> (i32, i32) {
    %c0_i32 = arith.constant 0 : i32
    %c0_i32_0 = arith.constant 0 : i32
    return %arg0, %c0_i32 : i32, i32
  }
  func.func @transform_4(%arg0: i32) -> (i32, i32) {
    %c0_i32 = arith.constant 0 : i32
    %c0_i32_0 = arith.constant 0 : i32
    %c0_i32_1 = arith.constant 0 : i32
    return %c0_i32, %c0_i32_0 : i32, i32
  }
}

</mosaic_0001>

<sc_bundles>
// kernel: kernel.10.cloned.1.call-start
scs
__scs_entry_jumppad:
0x0: {  	(pc) =	sbr.rel $0x88, $3  }
0x1: {  	(tag) =	ssettag $0x0;
	lr =	simm.s32 $0x1  }
0x2: {  	[smem:$0x3F91] =	sst lr;
	_ =	strace $0xD0000000  }
0x3: {  	_ = 	snop  }
0x4: {  	_ = 	snop  }
0x5: {  	_ = 	snop  }
0x6: {  	_ = 	snop  }
0x7: {  	_ = 	snop  }
__scs_overlays_trampoline_lowered:
0x8: {  	[smem:$0x3FA0] =	sst s0  }
0x9: {  	[smem:$0x3FA1] =	sst s1  }
0xa: {  	[smem:$0x3FA2] =	sst s2  }
0xb: {  	[smem:$0x3FA3] =	sst s3  }
0xc: {  	[smem:$0x3FA4] =	sst s4  }
0xd: {  	[smem:$0x3FA5] =	sst s5  }
0xe: {  	[smem:$0x3FA6] =	sst s6  }
0xf: {  	[smem:$0x3FA7] =	sst s7  }
0x10: {  	[smem:$0x3FA8] =	sst s8  }
0x11: {  	[smem:$0x3FA9] =	sst s9;
	s0 =	simm.s32 @!p0 $0x0  }
0x12: {  	s1 =	sld [smem:$0x3F8F];
	s0 =	simm.s32 @p0 $0x1  }
0x13: {  	[smem:$0x3FAA] =	sst s0;
	s0 =	simm.s32 @!p1 $0x0  }
0x14: {  	s2 =	sld [smem:$0x3F8E];
	s0 =	simm.s32 @p1 $0x1  }
0x15: {  	[smem:$0x3FAB] =	sst s0;
	s0 =	simm.s32 @!p2 $0x0  }
0x16: {  	s3 =	sld [smem:$0x3FDB];
	s0 =	simm.s32 @p2 $0x1  }
0x17: {  	s4 =	simm.s32 $0x1BF5;
	[smem:$0x3FAD] =	sst s0  }
0x18: {  	s0 =	sld [smem:$0x3F90];
	_ =	swait.ge [sflag:s4], $0x0  }
0x19: {  	s7 =	sld [smem:$0x3F91]  }
0x1a: {  	s8 =	sadd.s32 $0xFFFFE003, lr  }
0x1b: {  	s9 =	sadd.s32 $0xFFFFFEF7, lr;
	s5 =	simm.s32 $0xFFFFFFFF;
	p2 =	slt.u32 s8, $0xFFFFF086  }
0x1c: {  	p1 =	slt.u32 s9, $0xF7A;
	s5 =	simm.s32 @!p2 $0x0  }
0x1d: {  	s5 =	simm.s32 @p1 $0x1;
	p0 =	seq.s32 s7, s2  }
0x1e: {  	s7 =	smul.u32 @!p0 $0xF7A, s2;
	p2 =	seq.s32 @!p0 s5, $0x0  }
0x1f: {  	s9 =	smul.u32 $0xF7A, s1;
	s8 =	simm.s32 @!p0 $0x1BF5;
	p2 =	por !p2, p0  }
0x20: {  	[sflag:s8] =	ssyncset.s32 @!p0 $0xFFFFF086;
	s6 =	sadd.s32 @!p0 s3, s7;
	s7 =	simm.s32 @!p0 $0x108  }
0x21: {  	s3 =	sadd.s32 s3, s9;
	s6 =	sadd.s32 @!p0 $0x88, s6;
	s7 =	simm.s32 @p2 $0x1082  }
0x22: {  	[simem:s7], [sflag:s8] =	dma.local @!p0 [hbm:s6], $0xF7A  }
0x23: {  	s9 =	sor.u32 $0xD0000000, s2;
	s6 =	simm.s32 $0x108;
	_ =	swait.ge @!p0 [sflag:s8], $0x0  }
0x24: {  	s3 =	sadd.s32 $0x88, s3;
	s6 =	simm.s32 @!p1 $0x1082;
	[sflag:s4] =	ssyncset.s32 $0xFFFFF086  }
0x25: {  	[simem:s6], [sflag:s4] =	dma.local [hbm:s3], $0xF7A  }
0x26: {  	[smem:$0x3F91] =	sst s1;
	(tag) =	ssettag s2;
	_ =	strace s9  }
0x27: {  	s1 =	sld [smem:$0x3FA1]  }
0x28: {  	s2 =	sld [smem:$0x3FA2]  }
0x29: {  	s4 =	sld [smem:$0x3FA4]  }
0x2a: {  	p0 =	seq.s32 s5, $0x0;
	s5 =	sld [smem:$0x3FA5]  }
0x2b: {  	s6 =	sld [smem:$0x3FA6]  }
0x2c: {  	s7 =	sld [smem:$0x3FA7]  }
0x2d: {  	s3 =	simm.s32 $0x108;
	s8 =	sld [smem:$0x3FA8]  }
0x2e: {  	s3 =	simm.s32 @!p0 $0x1082;
	s9 =	sld [smem:$0x3FA9]  }
0x2f: {  	lr =	sadd.s32 s0, s3;
	s0 =	sld [smem:$0x3FA0]  }
0x30: {  	s3 =	sld [smem:$0x3FA3]  }
0x31: {  	[smem:$0x3FAC] =	sst s10  }
0x32: {  	s10 =	sld [smem:$0x3FAA];
	_ =	sdelay $0x3  }
0x33: {  	p0 =	seq.s32 s10, $0x1;
	s10 =	sld [smem:$0x3FAC];
	_ =	sdelay $0x3  }
0x34: {  	[smem:$0x3FAC] =	sst s10  }
0x35: {  	s10 =	sld [smem:$0x3FAB];
	_ =	sdelay $0x3  }
0x36: {  	p1 =	seq.s32 s10, $0x1;
	s10 =	sld [smem:$0x3FAC];
	_ =	sdelay $0x3  }
0x37: {  	[smem:$0x3FAC] =	sst s10  }
0x38: {  	s10 =	sld [smem:$0x3FAD]  }
0x39: {  	_ = 	snop;
	(pc) =	sbr.ind lr, $3  }
0x3a: {  	_ = 	snop  }
0x3b: {  	_ = 	snop  }
0x3c: {  	p2 =	seq.s32 s10, $0x1;
	s10 =	sld [smem:$0x3FAC]  }
0x3d: {  	_ =	shalt  }
0x3e: {  	_ =	shalt  }
0x3f: {  	_ =	shalt  }
0x40: {  	_ =	shalt  }
0x41: {  	_ =	shalt  }
0x42: {  	_ =	shalt  }
0x43: {  	_ =	shalt  }
0x44: {  	_ =	shalt  }
0x45: {  	_ =	shalt  }
0x46: {  	_ =	shalt  }
0x47: {  	_ =	shalt  }
0x48: {  	_ =	shalt  }
0x49: {  	_ =	shalt  }
0x4a: {  	_ =	shalt  }
0x4b: {  	_ =	shalt  }
0x4c: {  	_ =	shalt  }
0x4d: {  	_ =	shalt  }
0x4e: {  	_ =	shalt  }
0x4f: {  	_ =	shalt  }
0x50: {  	_ =	shalt  }
0x51: {  	_ =	shalt  }
0x52: {  	_ =	shalt  }
0x53: {  	_ =	shalt  }
0x54: {  	_ =	shalt  }
0x55: {  	_ =	shalt  }
0x56: {  	_ =	shalt  }
0x57: {  	_ =	shalt  }
0x58: {  	_ =	shalt  }
0x59: {  	_ =	shalt  }
0x5a: {  	_ =	shalt  }
0x5b: {  	_ =	shalt  }
0x5c: {  	_ =	shalt  }
0x5d: {  	_ =	shalt  }
0x5e: {  	_ =	shalt  }
0x5f: {  	_ =	shalt  }
0x60: {  	_ =	shalt  }
0x61: {  	_ =	shalt  }
0x62: {  	_ =	shalt  }
0x63: {  	_ =	shalt  }
0x64: {  	_ =	shalt  }
0x65: {  	_ =	shalt  }
0x66: {  	_ =	shalt  }
0x67: {  	_ =	shalt  }
0x68: {  	_ =	shalt  }
0x69: {  	_ =	shalt  }
0x6a: {  	_ =	shalt  }
0x6b: {  	_ =	shalt  }
0x6c: {  	_ =	shalt  }
0x6d: {  	_ =	shalt  }
0x6e: {  	_ =	shalt  }
0x6f: {  	_ =	shalt  }
0x70: {  	_ =	shalt  }
0x71: {  	_ =	shalt  }
0x72: {  	_ =	shalt  }
0x73: {  	_ =	shalt  }
0x74: {  	_ =	shalt  }
0x75: {  	_ =	shalt  }
0x76: {  	_ =	shalt  }
0x77: {  	_ =	shalt  }
0x78: {  	_ =	shalt  }
0x79: {  	_ =	shalt  }
0x7a: {  	_ =	shalt  }
0x7b: {  	_ =	shalt  }
0x7c: {  	_ =	shalt  }
0x7d: {  	_ =	shalt  }
0x7e: {  	_ =	shalt  }
0x7f: {  	_ =	shalt  }
0x80: {  	_ =	shalt  }
0x81: {  	_ =	shalt  }
0x82: {  	_ =	shalt  }
0x83: {  	_ =	shalt  }
0x84: {  	_ =	shalt  }
0x85: {  	_ =	shalt  }
0x86: {  	_ =	shalt  }
0x87: {  	_ =	shalt  }
.Lfunc_end0:
.L_simem_size_0:
called_computation_lowered:
.L_overlay_start_0:
0x88: {  	s2 =	sld [smem:$0x3FD9]  }
0x89: {  	s3 =	sld [smem:$0x3FFE];
	_ =	sdelay $0x1  }
0x8a: {  	s1 =	srdreg.scid  }
0x8b: {  	s0 =	sand.u32 $0x1, s1  }
0x8c: {  	s14 =	sshll.u32 s0, $0xA;
	s2 =	sadd.s32 s3, s2  }
0x8d: {  	s2 =	sadd.s32 s2, s14  }
0x8e: {  	[smem:$0x3FB8] =	sst s2  }
0x8f: {  	_ = 	snop  }
0x90: {  	s2 =	sld [smem:$0x3FD0];
	_ =	sdelay $0x2  }
0x91: {  	s15 =	simm.s32 $0xA;
	s4 =	simm.s32 $0x10  }
0x92: {  	[smem:s4], [sflag:s15] =	dma.local [hbm:s2], $0x1  }
0x93: {  	_ =	swait.eq [sflag:s15], $0x1  }
0x94: {  	[sflag:s15] =	ssyncset.done $0x0  }
0x95: {  	[sflag:s15] =	ssyncadd.s32 $0xFFFFFFFF  }
0x96: {  	s16 =	sld [smem:$0x10];
	(tm) =	ssettm $0x1  }
0x97: {  	s17 =	sld [smem:$0x3FFB];
	_ =	sdelay $0x3  }
0x98: {  	_ =	strace s17  }
0x99: {  	s3 =	sld [smem:$0x3FFC];
	_ =	sdelay $0x3  }
0x9a: {  	_ =	strace s3  }
0x9b: {  	s3 =	sld [smem:$0x3FFD];
	_ =	sdelay $0x3  }
0x9c: {  	_ =	strace s3  }
0x9d: {  	_ =	strace $0x8FFFFFFF  }
0x9e: {  	s18 =	sld [smem:$0x3FDB];
	_ =	sdelay $0x1  }
0x9f: {  	s19 =	simm.s32 $_scs_section_size  }
0xa0: {  	s5 =	simm.s32 $_size__tile_overlayer_lowered;
	s6 =	simm.s32 $_tile_overlayer_lowered  }
0xa1: {  	s22 =	simm.s32 $0x1BFF;
	s21 =	sshll.u32 s6, $0x1;
	s3 =	sadd.s32 s19, s18  }
0xa2: {  	s7 =	simm.s32 $0x0;
	s20 =	sshll.u32 s5, $0x1;
	s5 =	sadd.s32 s21, s3  }
0xa3: {  	[timem:s7], [sflag:s22] =	dma.local [hbm:s5], s20  }
0xa4: {  	_ =	swait.ge [sflag:s22], s20  }
0xa5: {  	s4 =	ssub.s32 $0x0, s20;
	[sflag:s22] =	ssyncset.done $0x0  }
0xa6: {  	[sflag:s22] =	ssyncadd.s32 s4;
	_ =	sdelay $0x1  }
0xa7: {  	s23 =	simm.s32 $0x1B8B  }
0xa8: {  	_ =	swait.ge [sflag:s23], $0x1  }
0xa9: {  	[sflag:s23] =	ssyncset.done $0x0  }
0xaa: {  	s25 =	simm.s32 $0x1B8E;
	s24 =	sld [smem:$0x3FFE];
	[sflag:s23] =	ssyncadd.s32 $0xFFFFFFFF  }
0xab: {  	s26 =	simm.s32 $execute0_lowered;
	[smem:$0x3FD2] =	sst s25  }
0xac: {  	s5 =	sshll.u32 s26, $0x1;
	_ =	strace $0x80000046;
	[dreg:$0x1] =	wrdreg $0xFFFFFFFF  }
0xad: {  	s28 =	simm.s32 $_size_execute0_lowered;
	s3 =	sadd.s32 s3, s5;
	[dreg:$0x0] =	wrdreg $0x0  }
0xae: {  	s5 =	sshll.u32 s28, $0x1;
	[dreg:$0x2] =	wrdreg s3  }
0xaf: {  	[dreg:$0x3] =	wrdreg s5  }
0xb0: {  	[dreg:$0x4] =	wrdreg $0xC0  }
0xb1: {  	_ =	task [dreg:s7], $0x5FFFF  }
0xb2: {  	[dreg:$0x1] =	wrdreg $0xFFFFFFFF  }
0xb3: {  	[dreg:$0x0] =	wrdreg $0x60  }
0xb4: {  	[dreg:$0x2] =	wrdreg s24  }
0xb5: {  	[dreg:$0x3] =	wrdreg s16  }
0xb6: {  	[dreg:$0x4] =	wrdreg $0x9  }
0xb7: {  	_ =	task.clear_ibuf [dreg:s7], $0x5FFFF;
	_ =	strace $0x90000046  }
0xb8: {  	s29 =	simm.s32 $0x9;
	_ =	strace $0x80000048  }
0xb9: {  	_ =	swait.ge [sflag:s29], $0x1  }
0xba: {  	[sflag:s29] =	ssyncadd.s32 $0xFFFFFFFF  }
0xbb: {  	_ =	strace $0x90000048  }
0xbc: {  	_ =	sfence  }
0xbd: {  	s30 =	sld [smem:$0x0];
	_ =	sdelay $0x2  }
0xbe: {  	s31 =	sshll.u32 s1, $0xD;
	s1 =	sshrl.u32 s1, $0x2  }
0xbf: {  	s3 =	sand.u32 $0x4000, s31;
	s1 =	sadd.s32 s1, s30  }
0xc0: {  	s0 =	sor.u32 s3, s0;
	s1 =	sshll.u32 s1, $0x11  }
0xc1: {  	s0 =	sor.u32 s1, s0  }
0xc2: {  	s0 =	sadd.s32 $0x8F2B, s0  }
0xc3: {  	[sflag:s0] =	ssyncadd.remote.s32 $0x1  }
0xc4: {  	_ =	sfence.sel $0xFFFF  }
0xc5: {  	[dreg:$0x0] =	wrdreg $0xFFFFFFFF;
	(pc) =	sbr.abs _section_cstart, $3  }
0xc6: {  	[dreg:$0x1] =	wrdreg $0xFFFFFFFF  }
0xc7: {  	_ =	task.clear_ibuf [dreg:s7], $0x2FFFF;
	_ =	strace $0x9FFFFFFF  }
0xc8: {  	(tm) =	ssettm $0x7FFFFFFF  }
0xc9: {  	_ =	shalt  }
tec
execute0_lowered:
.L_overlay_start_1:
0x0: {  	(tag) =	ssettag $0x1  }
0x1: {  	s7 =	rddreg [dreg:$0x0]  }
0x2: {  	s1 =	rddreg [dreg:$0x1]  }
0x3: {  	s0 =	rddreg [dreg:$0x2];
	s2 =	simm.s32 $0x0  }
0x4: {  	s5 =	srdreg.scid;
	s3 =	stileid.u32;
	s12 =	simm.s32 $0x3  }
0x5: {  	s13 =	simm.s32 $0x80;
	s14 =	simm.s32 $0x100;
	s15 =	simm.s32 $0x1100  }
0x6: {  	s16 =	simm.s32 $0x1;
	s17 =	simm.s32 $0x2;
	s18 =	simm.s32 $0x2100  }
0x7: {  	s19 =	simm.s32 $0x0;
	[smem:$0x7FF] =	sst s2;
	s4 =	sadd.s32 $0x29E00, s7  }
0x8: {  	s8 =	sand.u32 $0x1, s5;
	s5 =	sadd.s32 $0x38C00, s7;
	s10 =	sshll.u32 s3, $0x1  }
0x9: {  	s6 =	sadd.s32 $0x33C00, s7;
	s7 =	sadd.s32 $0x3DC00, s7;
	s9 =	ssub.s32 $0x2, s8  }
0xa: {  	_ =	strace $0x80000047;
	s8 =	sor.u32 s8, s10;
	s11 =	sshrl.u32 s9, $0x1  }
0xb: {  	s31 =	ssub.s32 $0x501, s8;
	s8 =	sshll.u32 s8, $0x7;
	s30 =	ssub.s32 s9, s11  }
0xc: {  	s9 =	sshrl.u32 s31, $0x5;
	s11 =	simm.s32 $0x3100;
	s10 =	smax.u32 s30, $0x1  }
.LBB2_1:
0xd: {  	[tilespmem:s11], [sflag:$0x3] =	stream.linear.gather [hbm4b:s1+s2], $0x20, $0x38;
	[tilespmem:$0x3120] =	vst v63  }
0xe: {  	_ =	swait.ge [sflag:s12], $0x20  }
0xf: {  	[sflag:s12] =	ssyncset.done $0x0  }
0x10: {  	[sflag:s12] =	ssyncadd.s32 $0xFFFFFFE0  }
0x11: {  	v1 =	vld [tilespmem:$0x3110]  }
0x12: {  	s20 =	simm.s32 $0x0;
	v0 =	vld [tilespmem:$0x3100]  }
.LBB2_2:
0x13: {  	s21 =	sshll.u32 s20, $0xC  }
0x14: {  	s21 =	sor.u32 s8, s21  }
0x15: {  	s22 =	sshrl.u32 s21, $0x3  }
0x16: {  	s24 =	simm.s32 $0x0;
	s23 =	sadd.s32 s5, s22  }
0x17: {  	[tilespmem:s24], [sflag:$0x3] =	stream.linear.gather [hbm4b:s23+s24], $0x80, $0x38;
	[tilespmem:$0x3120] =	vst v63  }
0x18: {  	_ =	swait.ge [sflag:s12], $0x80  }
0x19: {  	[sflag:s12] =	ssyncset.done $0x0  }
0x1a: {  	s22 =	sadd.s32 s6, s22;
	[sflag:s12] =	ssyncadd.s32 $0xFFFFFF80  }
0x1b: {  	[tilespmem:s13], [sflag:$0x3] =	stream.linear.gather [hbm4b:s22+s24], $0x80, $0x38;
	[tilespmem:$0x3120] =	vst v63  }
0x1c: {  	_ =	swait.ge [sflag:s12], $0x80  }
0x1d: {  	[sflag:s12] =	ssyncset.done $0x0  }
0x1e: {  	[sflag:s12] =	ssyncadd.s32 $0xFFFFFF80  }
0x1f: {  	[tilespmem:s14], [sflag:$0x1] =	stream.indirect.gather [hbm4b:s4+s13], $0x20, s24, s13, $0xb8;
	[tilespmem:$0x3120] =	vst v63  }
0x20: {  	_ = 	snop  }
0x21: {  	[tilespmem:s15], [sflag:$0x2] =	stream.indirect.gather [hbm4b:s4+s13], $0x20, s13, s13, $0xb8;
	[tilespmem:$0x3120] =	vst v63  }
0x22: {  	_ =	swait.ge [sflag:s16], $0x1000  }
0x23: {  	[sflag:s16] =	ssyncset.done $0x0  }
0x24: {  	[sflag:s16] =	ssyncadd.s32 $0xFFFFF000  }
0x25: {  	_ =	swait.ge [sflag:s17], $0x1000  }
0x26: {  	[sflag:s17] =	ssyncset.done $0x0  }
0x27: {  	s23 =	simm.s32 $0x0;
	[sflag:s17] =	ssyncadd.s32 $0xFFFFF000  }
0x28: {  	v2 =	vld [tilespmem:s23+$0x110]  }
0x29: {  	v3 =	vld [tilespmem:s23+$0x1110]  }
0x2a: {  	v5 =	vld [tilespmem:s23+$0x100]  }
0x2b: {  	v6 =	vld [tilespmem:s23+$0x1100];
	_ =	sdelay $0x1  }
0x2c: {  	s22 =	simm.s32 $0x20  }
0x2d: {  	v4 =	vld [tilespmem:s22+$0x1110];
	v3 =	vsub.f32 v2, v3  }
0x2e: {  	v2 =	vld [tilespmem:s22+$0x110]  }
0x2f: {  	v6 =	vsub.f32 v5, v6;
	v5 =	vld [tilespmem:s22+$0x1100];
	v7 =	vadd.f32 v3, v1  }
0x30: {  	v3 =	vld [tilespmem:s22+$0x100]  }
0x31: {  	s24 =	simm.s32 $0x100;
	v6 =	vadd.f32 v6, v0;
	v7 =	vmax.f32 v7, $0.0e+00  }
.LBB2_3:
0x32: {  	s25 =	sshra.s32 s24, $0x2;
	[tilespmem:s23+$0x2110] =	vst v7;
	p0 =	sne.s32 s24, $0x3F80  }
.Ltmp0:
0x33: {  	s24 =	sadd.s32 $0x80, s24;
	v7 =	vsub.f32 v2, v4;
	v2 =	vld [tilespmem:s25+$0x110];
	v6 =	vmax.f32 v6, $0.0e+00;
	(pc) =	sbr.rel @p0 .LBB2_3-.Ltmp0, $4  }
0x34: {  	v4 =	vld [tilespmem:s25+$0x1110];
	[tilespmem:s23+$0x2100] =	vst v6;
	s23 =	smov.u32 s22;
	s22 =	smov.u32 s25  }
0x35: {  	v6 =	vsub.f32 v3, v5;
	v3 =	vld [tilespmem:s22+$0x100];
	v7 =	vadd.f32 v7, v1  }
0x36: {  	v5 =	vld [tilespmem:s22+$0x1100]  }
0x37: {  	v6 =	vadd.f32 v6, v0;
	v7 =	vmax.f32 v7, $0.0e+00  }
0x38: {  	_ =	sdelay $0x1  }
0x39: {  	v2 =	vsub.f32 v2, v4  }
0x3a: {  	v3 =	vsub.f32 v3, v5  }
0x3b: {  	v2 =	vadd.f32 v2, v1  }
0x3c: {  	[tilespmem:s23+$0x2110] =	vst v7;
	v63 =	vmax.f32 v6, $0.0e+00;
	v3 =	vadd.f32 v3, v0  }
0x3d: {  	s21 =	sshll.u32 s21, $0x2;
	s20 =	sadd.s32 $0x1, s20;
	[tilespmem:s23+$0x2100] =	vst v63;
	v2 =	vmax.f32 v2, $0.0e+00  }
0x3e: {  	s21 =	sand.u32 $0x1FFFFE00, s21;
	p0 =	sne.s32 s20, s9;
	[tilespmem:s22+$0x2110] =	vst v2;
	v2 =	vmax.f32 v3, $0.0e+00  }
.Ltmp1:
0x3f: {  	s21 =	sadd.s32 s7, s21;
	[tilespmem:s22+$0x2100] =	vst v2;
	(pc) =	sbr.rel @p0 .LBB2_2-.Ltmp1, $4  }
0x40: {  	[hbm4b:s21+s2] =	stream.linear.scatter [tilespmem:s18], [sflag:$0x3], $0x1000, $0x38;
	[tilespmem:$0x3120] =	vst v63  }
0x41: {  	_ =	swait.ge [sflag:s12], $0x1000  }
0x42: {  	[sflag:s12] =	ssyncset.done $0x0  }
0x43: {  	[sflag:s12] =	ssyncadd.s32 $0xFFFFF000  }
0x44: {  	s19 =	sadd.s32 $0x1, s19  }
0x45: {  	p0 =	sne.s32 s19, s10  }
.Ltmp2:
0x46: {  	_ = 	snop;
	(pc) =	sbr.rel @p0 .LBB2_1-.Ltmp2, $1  }
0x47: {  	_ =	sdelay $0x3  }
0x48: {  	_ =	sfence.sel $0x180000  }
0x49: {  	[bflag:$0x0] =	sbarrier.arrive $0xFFFF  }
0x4a: {  	p0 =	sne.s32 s3, $0x0;
	_ =	strace $0x90000047  }
0x4b: {  	s0 =	sadd.s32 @!p0 $0x100000, s0;
	[bflag:$0x2] =	sbarrier.arrive $0xFFFF  }
0x4c: {  	[sflag:s0] =	ssyncadd.tile.s32 @!p0 $0x1;
	_ =	shalt  }
.Lfunc_end2:
_tile_overlayer_lowered:
.L_overlay_start_2:
0x4d: {  	(tag) =	ssettag $0x2  }
0x4e: {  	s0 =	rddreg [dreg:$0x0];
	s2 =	stileid.u32  }
0x4f: {  	s1 =	rddreg [dreg:$0x1];
	p0 =	sne.s32 s2, $0x0  }
0x50: {  	s3 =	rddreg [dreg:$0x2];
	[bflag:$0x3] =	sbarrier.arrive $0xFFFF;
	s2 =	simm.s32 @!p0 $0x1C03  }
0x51: {  	[timem:s3], [sflag:s2] =	dma.local @!p0 [hbm:s0], s1  }
0x52: {  	s0 =	simm.s32 @!p0 $0x3  }
0x53: {  	_ =	swait.ge @!p0 [sflag:s0], s1  }
0x54: {  	s1 =	ssub.s32 @!p0 $0x0, s1;
	[sflag:s0] =	ssyncset.done @!p0 $0x0  }
0x55: {  	[sflag:s0] =	ssyncadd.s32 @!p0 s1  }
0x56: {  	[bflag:$0x3] =	sbarrier.arrive $0xFFFF  }
0x57: {  	_ =	shalt  }

// kernel: kernel.13.cloned.1.call-start
scs
__scs_entry_jumppad:
0x0: {  	(pc) =	sbr.rel $0x88, $3  }
0x1: {  	(tag) =	ssettag $0x0;
	lr =	simm.s32 $0x1  }
0x2: {  	[smem:$0x3F91] =	sst lr;
	_ =	strace $0xD0000000  }
0x3: {  	_ = 	snop  }
0x4: {  	_ = 	snop  }
0x5: {  	_ = 	snop  }
0x6: {  	_ = 	snop  }
0x7: {  	_ = 	snop  }
__scs_overlays_trampoline_lowered:
0x8: {  	[smem:$0x3FA0] =	sst s0  }
0x9: {  	[smem:$0x3FA1] =	sst s1  }
0xa: {  	[smem:$0x3FA2] =	sst s2  }
0xb: {  	[smem:$0x3FA3] =	sst s3  }
0xc: {  	[smem:$0x3FA4] =	sst s4  }
0xd: {  	[smem:$0x3FA5] =	sst s5  }
0xe: {  	[smem:$0x3FA6] =	sst s6  }
0xf: {  	[smem:$0x3FA7] =	sst s7  }
0x10: {  	[smem:$0x3FA8] =	sst s8  }
0x11: {  	[smem:$0x3FA9] =	sst s9;
	s0 =	simm.s32 @!p0 $0x0  }
0x12: {  	s1 =	sld [smem:$0x3F8F];
	s0 =	simm.s32 @p0 $0x1  }
0x13: {  	[smem:$0x3FAA] =	sst s0;
	s0 =	simm.s32 @!p1 $0x0  }
0x14: {  	s2 =	sld [smem:$0x3F8E];
	s0 =	simm.s32 @p1 $0x1  }
0x15: {  	[smem:$0x3FAB] =	sst s0;
	s0 =	simm.s32 @!p2 $0x0  }
0x16: {  	s3 =	sld [smem:$0x3FDB];
	s0 =	simm.s32 @p2 $0x1  }
0x17: {  	s4 =	simm.s32 $0x1BF5;
	[smem:$0x3FAD] =	sst s0  }
0x18: {  	s0 =	sld [smem:$0x3F90];
	_ =	swait.ge [sflag:s4], $0x0  }
0x19: {  	s7 =	sld [smem:$0x3F91]  }
0x1a: {  	s8 =	sadd.s32 $0xFFFFE003, lr  }
0x1b: {  	s9 =	sadd.s32 $0xFFFFFEF7, lr;
	s5 =	simm.s32 $0xFFFFFFFF;
	p2 =	slt.u32 s8, $0xFFFFF086  }
0x1c: {  	p1 =	slt.u32 s9, $0xF7A;
	s5 =	simm.s32 @!p2 $0x0  }
0x1d: {  	s5 =	simm.s32 @p1 $0x1;
	p0 =	seq.s32 s7, s2  }
0x1e: {  	s7 =	smul.u32 @!p0 $0xF7A, s2;
	p2 =	seq.s32 @!p0 s5, $0x0  }
0x1f: {  	s9 =	smul.u32 $0xF7A, s1;
	s8 =	simm.s32 @!p0 $0x1BF5;
	p2 =	por !p2, p0  }
0x20: {  	[sflag:s8] =	ssyncset.s32 @!p0 $0xFFFFF086;
	s6 =	sadd.s32 @!p0 s3, s7;
	s7 =	simm.s32 @!p0 $0x108  }
0x21: {  	s3 =	sadd.s32 s3, s9;
	s6 =	sadd.s32 @!p0 $0x88, s6;
	s7 =	simm.s32 @p2 $0x1082  }
0x22: {  	[simem:s7], [sflag:s8] =	dma.local @!p0 [hbm:s6], $0xF7A  }
0x23: {  	s9 =	sor.u32 $0xD0000000, s2;
	s6 =	simm.s32 $0x108;
	_ =	swait.ge @!p0 [sflag:s8], $0x0  }
0x24: {  	s3 =	sadd.s32 $0x88, s3;
	s6 =	simm.s32 @!p1 $0x1082;
	[sflag:s4] =	ssyncset.s32 $0xFFFFF086  }
0x25: {  	[simem:s6], [sflag:s4] =	dma.local [hbm:s3], $0xF7A  }
0x26: {  	[smem:$0x3F91] =	sst s1;
	(tag) =	ssettag s2;
	_ =	strace s9  }
0x27: {  	s1 =	sld [smem:$0x3FA1]  }
0x28: {  	s2 =	sld [smem:$0x3FA2]  }
0x29: {  	s4 =	sld [smem:$0x3FA4]  }
0x2a: {  	p0 =	seq.s32 s5, $0x0;
	s5 =	sld [smem:$0x3FA5]  }
0x2b: {  	s6 =	sld [smem:$0x3FA6]  }
0x2c: {  	s7 =	sld [smem:$0x3FA7]  }
0x2d: {  	s3 =	simm.s32 $0x108;
	s8 =	sld [smem:$0x3FA8]  }
0x2e: {  	s3 =	simm.s32 @!p0 $0x1082;
	s9 =	sld [smem:$0x3FA9]  }
0x2f: {  	lr =	sadd.s32 s0, s3;
	s0 =	sld [smem:$0x3FA0]  }
0x30: {  	s3 =	sld [smem:$0x3FA3]  }
0x31: {  	[smem:$0x3FAC] =	sst s10  }
0x32: {  	s10 =	sld [smem:$0x3FAA];
	_ =	sdelay $0x3  }
0x33: {  	p0 =	seq.s32 s10, $0x1;
	s10 =	sld [smem:$0x3FAC];
	_ =	sdelay $0x3  }
0x34: {  	[smem:$0x3FAC] =	sst s10  }
0x35: {  	s10 =	sld [smem:$0x3FAB];
	_ =	sdelay $0x3  }
0x36: {  	p1 =	seq.s32 s10, $0x1;
	s10 =	sld [smem:$0x3FAC];
	_ =	sdelay $0x3  }
0x37: {  	[smem:$0x3FAC] =	sst s10  }
0x38: {  	s10 =	sld [smem:$0x3FAD]  }
0x39: {  	_ = 	snop;
	(pc) =	sbr.ind lr, $3  }
0x3a: {  	_ = 	snop  }
0x3b: {  	_ = 	snop  }
0x3c: {  	p2 =	seq.s32 s10, $0x1;
	s10 =	sld [smem:$0x3FAC]  }
0x3d: {  	_ =	shalt  }
0x3e: {  	_ =	shalt  }
0x3f: {  	_ =	shalt  }
0x40: {  	_ =	shalt  }
0x41: {  	_ =	shalt  }
0x42: {  	_ =	shalt  }
0x43: {  	_ =	shalt  }
0x44: {  	_ =	shalt  }
0x45: {  	_ =	shalt  }
0x46: {  	_ =	shalt  }
0x47: {  	_ =	shalt  }
0x48: {  	_ =	shalt  }
0x49: {  	_ =	shalt  }
0x4a: {  	_ =	shalt  }
0x4b: {  	_ =	shalt  }
0x4c: {  	_ =	shalt  }
0x4d: {  	_ =	shalt  }
0x4e: {  	_ =	shalt  }
0x4f: {  	_ =	shalt  }
0x50: {  	_ =	shalt  }
0x51: {  	_ =	shalt  }
0x52: {  	_ =	shalt  }
0x53: {  	_ =	shalt  }
0x54: {  	_ =	shalt  }
0x55: {  	_ =	shalt  }
0x56: {  	_ =	shalt  }
0x57: {  	_ =	shalt  }
0x58: {  	_ =	shalt  }
0x59: {  	_ =	shalt  }
0x5a: {  	_ =	shalt  }
0x5b: {  	_ =	shalt  }
0x5c: {  	_ =	shalt  }
0x5d: {  	_ =	shalt  }
0x5e: {  	_ =	shalt  }
0x5f: {  	_ =	shalt  }
0x60: {  	_ =	shalt  }
0x61: {  	_ =	shalt  }
0x62: {  	_ =	shalt  }
0x63: {  	_ =	shalt  }
0x64: {  	_ =	shalt  }
0x65: {  	_ =	shalt  }
0x66: {  	_ =	shalt  }
0x67: {  	_ =	shalt  }
0x68: {  	_ =	shalt  }
0x69: {  	_ =	shalt  }
0x6a: {  	_ =	shalt  }
0x6b: {  	_ =	shalt  }
0x6c: {  	_ =	shalt  }
0x6d: {  	_ =	shalt  }
0x6e: {  	_ =	shalt  }
0x6f: {  	_ =	shalt  }
0x70: {  	_ =	shalt  }
0x71: {  	_ =	shalt  }
0x72: {  	_ =	shalt  }
0x73: {  	_ =	shalt  }
0x74: {  	_ =	shalt  }
0x75: {  	_ =	shalt  }
0x76: {  	_ =	shalt  }
0x77: {  	_ =	shalt  }
0x78: {  	_ =	shalt  }
0x79: {  	_ =	shalt  }
0x7a: {  	_ =	shalt  }
0x7b: {  	_ =	shalt  }
0x7c: {  	_ =	shalt  }
0x7d: {  	_ =	shalt  }
0x7e: {  	_ =	shalt  }
0x7f: {  	_ =	shalt  }
0x80: {  	_ =	shalt  }
0x81: {  	_ =	shalt  }
0x82: {  	_ =	shalt  }
0x83: {  	_ =	shalt  }
0x84: {  	_ =	shalt  }
0x85: {  	_ =	shalt  }
0x86: {  	_ =	shalt  }
0x87: {  	_ =	shalt  }
.Lfunc_end0:
.L_simem_size_0:
called_computation.1_lowered:
.L_overlay_start_0:
0x88: {  	s2 =	sld [smem:$0x3FD9]  }
0x89: {  	s3 =	sld [smem:$0x3FFE];
	_ =	sdelay $0x1  }
0x8a: {  	s1 =	srdreg.scid  }
0x8b: {  	s0 =	sand.u32 $0x1, s1  }
0x8c: {  	s16 =	sshll.u32 s0, $0xA;
	s2 =	sadd.s32 s3, s2  }
0x8d: {  	s2 =	sadd.s32 s2, s16  }
0x8e: {  	[smem:$0x3FB8] =	sst s2  }
0x8f: {  	_ = 	snop  }
0x90: {  	(tm) =	ssettm $0x1  }
0x91: {  	s17 =	sld [smem:$0x3FFB];
	_ =	sdelay $0x3  }
0x92: {  	_ =	strace s17  }
0x93: {  	s2 =	sld [smem:$0x3FFC];
	_ =	sdelay $0x3  }
0x94: {  	_ =	strace s2  }
0x95: {  	s2 =	sld [smem:$0x3FFD];
	_ =	sdelay $0x3  }
0x96: {  	_ =	strace s2  }
0x97: {  	_ =	strace $0x8FFFFFFF  }
0x98: {  	s18 =	sld [smem:$0x3FDB];
	_ =	sdelay $0x1  }
0x99: {  	s19 =	simm.s32 $_scs_section_size  }
0x9a: {  	s4 =	simm.s32 $_size__tile_overlayer_lowered;
	s5 =	simm.s32 $_tile_overlayer_lowered  }
0x9b: {  	s22 =	simm.s32 $0x1BFF;
	s21 =	sshll.u32 s5, $0x1;
	s2 =	sadd.s32 s19, s18  }
0x9c: {  	s6 =	simm.s32 $0x0;
	s20 =	sshll.u32 s4, $0x1;
	s4 =	sadd.s32 s21, s2  }
0x9d: {  	[timem:s6], [sflag:s22] =	dma.local [hbm:s4], s20  }
0x9e: {  	_ =	swait.ge [sflag:s22], s20  }
0x9f: {  	s3 =	ssub.s32 $0x0, s20;
	[sflag:s22] =	ssyncset.done $0x0  }
0xa0: {  	[sflag:s22] =	ssyncadd.s32 s3;
	_ =	sdelay $0x1  }
0xa1: {  	s23 =	simm.s32 $0x1B8B  }
0xa2: {  	_ =	swait.ge [sflag:s23], $0x1  }
0xa3: {  	[sflag:s23] =	ssyncset.done $0x0  }
0xa4: {  	s25 =	simm.s32 $0x1B8E;
	s24 =	sld [smem:$0x3FFE];
	[sflag:s23] =	ssyncadd.s32 $0xFFFFFFFF  }
0xa5: {  	s26 =	simm.s32 $execute0_lowered;
	[smem:$0x3FD2] =	sst s25  }
0xa6: {  	s4 =	sshll.u32 s26, $0x1;
	_ =	strace $0x80000049;
	[dreg:$0x1] =	wrdreg $0xFFFFFFFF  }
0xa7: {  	s28 =	simm.s32 $_size_execute0_lowered;
	s2 =	sadd.s32 s2, s4;
	[dreg:$0x0] =	wrdreg $0x0  }
0xa8: {  	s4 =	sshll.u32 s28, $0x1;
	[dreg:$0x2] =	wrdreg s2  }
0xa9: {  	[dreg:$0x3] =	wrdreg s4  }
0xaa: {  	[dreg:$0x4] =	wrdreg $0xC0  }
0xab: {  	_ =	task [dreg:s6], $0x5FFFF  }
0xac: {  	[dreg:$0x1] =	wrdreg $0xFFFFFFFF  }
0xad: {  	[dreg:$0x0] =	wrdreg $0x60  }
0xae: {  	[dreg:$0x2] =	wrdreg s24  }
0xaf: {  	[dreg:$0x3] =	wrdreg $0x0  }
0xb0: {  	[dreg:$0x4] =	wrdreg $0x9  }
0xb1: {  	_ =	task.clear_ibuf [dreg:s6], $0x5FFFF;
	_ =	strace $0x90000049  }
0xb2: {  	s29 =	simm.s32 $0x9;
	_ =	strace $0x8000004B  }
0xb3: {  	_ =	swait.ge [sflag:s29], $0x1  }
0xb4: {  	[sflag:s29] =	ssyncadd.s32 $0xFFFFFFFF  }
0xb5: {  	_ =	strace $0x9000004B  }
0xb6: {  	_ =	sfence  }
0xb7: {  	s30 =	sld [smem:$0x0];
	_ =	sdelay $0x2  }
0xb8: {  	s31 =	sshll.u32 s1, $0xD;
	s1 =	sshrl.u32 s1, $0x2  }
0xb9: {  	s3 =	sand.u32 $0x4000, s31;
	s1 =	sadd.s32 s1, s30  }
0xba: {  	s0 =	sor.u32 s3, s0;
	s1 =	sshll.u32 s1, $0x11  }
0xbb: {  	s0 =	sor.u32 s1, s0  }
0xbc: {  	s0 =	sadd.s32 $0x8F2B, s0  }
0xbd: {  	[sflag:s0] =	ssyncadd.remote.s32 $0x1  }
0xbe: {  	_ =	sfence.sel $0xFFFF  }
0xbf: {  	[dreg:$0x0] =	wrdreg $0xFFFFFFFF;
	(pc) =	sbr.abs _section_cstart, $3  }
0xc0: {  	[dreg:$0x1] =	wrdreg $0xFFFFFFFF  }
0xc1: {  	_ =	task.clear_ibuf [dreg:s6], $0x2FFFF;
	_ =	strace $0x9FFFFFFF  }
0xc2: {  	(tm) =	ssettm $0x7FFFFFFF  }
0xc3: {  	_ =	shalt  }
tec
execute0_lowered:
.L_overlay_start_1:
0x0: {  	(tag) =	ssettag $0x1  }
0x1: {  	s8 =	rddreg [dreg:$0x0]  }
0x2: {  	s2 =	rddreg [dreg:$0x1]  }
0x3: {  	s0 =	rddreg [dreg:$0x2]  }
0x4: {  	s3 =	simm.s32 $0x0;
	s1 =	stileid.u32;
	s4 =	srdreg.scid  }
0x5: {  	s15 =	simm.s32 $0x2;
	s16 =	simm.s32 $0x2800;
	s17 =	simm.s32 $0x2880  }
0x6: {  	s18 =	simm.s32 $0x80;
	s19 =	simm.s32 $0x3900;
	s20 =	simm.s32 $0x1  }
0x7: {  	s21 =	simm.s32 $0x7900;
	[smem:$0x7FF] =	sst s3;
	s9 =	smul.u32 $0x2800, s1  }
0x8: {  	s10 =	sand.u32 $0x1, s4;
	s4 =	sadd.s32 $0x2C00, s8;
	s5 =	sadd.s32 $0x3DC00, s8  }
0x9: {  	s6 =	sadd.s32 $0x38C00, s8;
	s7 =	sadd.s32 $0x33C00, s8;
	s28 =	sshll.u32 s1, $0x1  }
0xa: {  	s30 =	sshll.u32 s1, $0x6;
	_ =	strace $0x8000004A;
	s11 =	smul.u32 $0x28000, s10  }
0xb: {  	s13 =	ssub.s32 $0x2, s10;
	s10 =	sor.u32 s10, s28;
	s12 =	sshrl.u32 s9, $0x3  }
0xc: {  	s14 =	sshrl.u32 s13, $0x1;
	s29 =	sadd.s32 s9, s2;
	s31 =	ssub.s32 $0x501, s10  }
0xd: {  	s10 =	sshll.u32 s10, $0x7;
	s11 =	sadd.s32 s9, s11;
	s12 =	sadd.s32 s12, s8  }
0xe: {  	s13 =	ssub.s32 s13, s14;
	s9 =	sor.u32 $0x1C02, s30;
	s11 =	sshrl.u32 s11, $0x3  }
0xf: {  	s14 =	sshrl.u32 s29, $0x3;
	s13 =	smax.u32 s13, $0x1;
	s11 =	sadd.s32 s11, s8  }
0x10: {  	s8 =	sadd.s32 $0x29E00, s12;
	s12 =	sshrl.u32 s31, $0x5;
	s11 =	sadd.s32 $0xDDC00, s11  }
.LBB2_1:
0x11: {  	[spmem:s14], [sflag:s9] =	dma.local [hbm:s8], $0x500  }
0x12: {  	_ =	swait.ge [sflag:s15], $0x500  }
0x13: {  	[sflag:s15] =	ssyncset.done $0x0  }
0x14: {  	[sflag:s15] =	ssyncadd.s32 $0xFFFFFB00  }
0x15: {  	s22 =	simm.s32 $0x0;
	[bflag:$0x0] =	sbarrier.arrive $0xFFFF  }
.LBB2_2:
0x16: {  	s23 =	sshll.u32 s22, $0xC  }
0x17: {  	s24 =	sor.u32 s10, s23  }
0x18: {  	s25 =	sshrl.u32 s24, $0x3  }
0x19: {  	s23 =	simm.s32 $0x0;
	s26 =	sadd.s32 s6, s25  }
0x1a: {  	[tilespmem:s16], [sflag:$0x2] =	stream.linear.gather [hbm4b:s26+s23], $0x80, $0x38;
	[tilespmem:$0x8100] =	vst v63  }
0x1b: {  	_ =	swait.ge [sflag:s15], $0x80  }
0x1c: {  	[sflag:s15] =	ssyncset.done $0x0  }
0x1d: {  	s25 =	sadd.s32 s7, s25;
	[sflag:s15] =	ssyncadd.s32 $0xFFFFFF80  }
0x1e: {  	[tilespmem:s17], [sflag:$0x2] =	stream.linear.gather [hbm4b:s25+s23], $0x80, $0x38;
	[tilespmem:$0x8100] =	vst v63  }
0x1f: {  	s24 =	sshll.u32 s24, $0x2;
	_ =	swait.ge [sflag:s15], $0x80  }
0x20: {  	s24 =	sand.u32 $0x1FFFFE00, s24;
	[sflag:s15] =	ssyncset.done $0x0  }
0x21: {  	s24 =	sadd.s32 s5, s24;
	s25 =	simm.s32 $0x2900;
	[sflag:s15] =	ssyncadd.s32 $0xFFFFFF80  }
0x22: {  	[tilespmem:s25], [sflag:$0x2] =	stream.linear.gather [hbm4b:s24+s23], $0x1000, $0x38;
	[tilespmem:$0x8100] =	vst v63  }
0x23: {  	_ =	swait.ge [sflag:s15], $0x1000  }
0x24: {  	[sflag:s15] =	ssyncset.done $0x0  }
0x25: {  	[sflag:s15] =	ssyncadd.s32 $0xFFFFF000  }
0x26: {  	[tilespmem:s19], [sflag:$0x1] =	stream.indirect.gather [hbm4b:s4+s18], $0x80, s16, s18, $0xb8;
	[tilespmem:$0x8100] =	vst v63  }
0x27: {  	_ =	swait.ge [sflag:s20], $0x4000  }
0x28: {  	[sflag:s20] =	ssyncset.done $0x0  }
0x29: {  	[sflag:s20] =	ssyncadd.s32 $0xFFFFC000  }
0x2a: {  	s26 =	simm.s32 $0x40;
	s24 =	simm.s32 $0x3940;
	v0 =	vld [tilespmem:s25+$0x0]  }
.LBB2_3:
0x2b: {  	p0 =	sne.s32 s26, $0x1FC0;
	v1 =	vld [tilespmem:s24+$0xFFFFFFC0]  }
0x2c: {  	v2 =	vld [tilespmem:s24+$0xFFFFFFD0];
	_ =	sdelay $0x1  }
0x2d: {  	v3 =	vld [tilespmem:s24+$0xFFFFFFE0]  }
0x2e: {  	v4 =	vbroadcast v0, $0x0;
	v5 =	vbroadcast v0, $0x1  }
0x2f: {  	v6 =	vbroadcast v0, $0x2;
	v7 =	vld [tilespmem:s24+$0xFFFFFFF0]  }
0x30: {  	v1 =	vmul.f32 v1, v4;
	v2 =	vmul.f32 v2, v5  }
0x31: {  	v4 =	vld [tilespmem:s24+$0x0]  }
0x32: {  	v1 =	vadd.f32 v2, v1;
	v2 =	vmul.f32 v3, v6;
	v3 =	vbroadcast v0, $0x3  }
0x33: {  	v5 =	vld [tilespmem:s24+$0x10]  }
0x34: {  	v1 =	vadd.f32 v2, v1;
	v2 =	vmul.f32 v7, v3;
	v3 =	vbroadcast v0, $0x4  }
0x35: {  	v6 =	vld [tilespmem:s24+$0x20]  }
0x36: {  	v1 =	vadd.f32 v2, v1;
	v2 =	vmul.f32 v4, v3;
	v3 =	vbroadcast v0, $0x5  }
0x37: {  	v4 =	vld [tilespmem:s24+$0x30]  }
0x38: {  	v1 =	vadd.f32 v2, v1;
	v2 =	vmul.f32 v5, v3;
	v3 =	vbroadcast v0, $0x6;
	_ =	sdelay $0x1  }
0x39: {  	v0 =	vbroadcast v0, $0x7;
	v1 =	vadd.f32 v2, v1;
	v2 =	vmul.f32 v6, v3;
	_ =	sdelay $0x1  }
0x3a: {  	v1 =	vadd.f32 v2, v1;
	v0 =	vmul.f32 v4, v0  }
.Ltmp0:
0x3b: {  	(pc) =	sbr.rel @p0 .LBB2_3-.Ltmp0, $4  }
0x3c: {  	v0 =	vadd.f32 v0, v1  }
0x3d: {  	s28 =	sshra.s32 s23, $0x2;
	s23 =	smov.u32 s26  }
0x3e: {  	s25 =	sadd.s32 $0x20, s25;
	[tilespmem:s28+$0x7900] =	vst v0  }
0x3f: {  	s26 =	sadd.s32 $0x40, s26;
	s24 =	sadd.s32 $0x80, s24;
	v0 =	vld [tilespmem:s25+$0x0]  }
0x40: {  	v1 =	vld [tilespmem:s24+$0xFFFFFFC0]  }
0x41: {  	v2 =	vld [tilespmem:s24+$0xFFFFFFD0];
	_ =	sdelay $0x1  }
0x42: {  	v3 =	vld [tilespmem:s24+$0xFFFFFFE0]  }
0x43: {  	v4 =	vbroadcast v0, $0x0;
	v5 =	vbroadcast v0, $0x1  }
0x44: {  	v7 =	vld [tilespmem:s24+$0xFFFFFFF0];
	v6 =	vbroadcast v0, $0x2  }
0x45: {  	v1 =	vmul.f32 v1, v4;
	v2 =	vmul.f32 v2, v5  }
0x46: {  	v50 =	vld [tilespmem:s24+$0x0]  }
0x47: {  	v52 =	vbroadcast v0, $0x3;
	v51 =	vmul.f32 v3, v6;
	v1 =	vadd.f32 v2, v1  }
0x48: {  	v53 =	vld [tilespmem:s24+$0x10]  }
0x49: {  	v55 =	vbroadcast v0, $0x4;
	v54 =	vmul.f32 v7, v52;
	v1 =	vadd.f32 v51, v1  }
0x4a: {  	v56 =	vld [tilespmem:s24+$0x20]  }
0x4b: {  	v58 =	vbroadcast v0, $0x5;
	v57 =	vmul.f32 v50, v55;
	v1 =	vadd.f32 v54, v1  }
0x4c: {  	v59 =	vld [tilespmem:s24+$0x30]  }
0x4d: {  	v61 =	vbroadcast v0, $0x6;
	v60 =	vmul.f32 v53, v58;
	v1 =	vadd.f32 v57, v1;
	_ =	sdelay $0x1  }
0x4e: {  	v63 =	vbroadcast v0, $0x7;
	v62 =	vmul.f32 v56, v61;
	v1 =	vadd.f32 v60, v1;
	_ =	sdelay $0x1  }
0x4f: {  	v0 =	vmul.f32 v59, v63;
	v1 =	vadd.f32 v62, v1;
	_ =	sdelay $0x1  }
0x50: {  	s22 =	sadd.s32 $0x1, s22;
	v0 =	vadd.f32 v0, v1  }
0x51: {  	s23 =	sshra.s32 s23, $0x2;
	p0 =	sne.s32 s22, s12  }
.Ltmp1:
0x52: {  	[tilespmem:s23+$0x7900] =	vst v0;
	(pc) =	sbr.rel @p0 .LBB2_2-.Ltmp1, $4  }
0x53: {  	[spmem:s2] =	stream.indirect.scatter.add.f32 [tilespmem:s21], [sflag:$0x2], $0x10, s17, s18, $0xb8;
	[tilespmem:$0x8100] =	vst v63  }
0x54: {  	_ =	swait.ge [sflag:s15], $0x800  }
0x55: {  	[sflag:s15] =	ssyncset.done $0x0  }
0x56: {  	[sflag:s15] =	ssyncadd.s32 $0xFFFFF800  }
0x57: {  	s3 =	sadd.s32 $0x1, s3  }
0x58: {  	p0 =	sne.s32 s3, s13  }
.Ltmp2:
0x59: {  	[bflag:$0x0] =	sbarrier.arrive $0xFFFF;
	(pc) =	sbr.rel @p0 .LBB2_1-.Ltmp2, $4  }
0x5a: {  	[hbm:s11], [sflag:s9] =	dma.local [spmem:s14], $0x500  }
0x5b: {  	_ =	swait.ge [sflag:s15], $0x500  }
0x5c: {  	[sflag:s15] =	ssyncset.done $0x0  }
0x5d: {  	[sflag:s15] =	ssyncadd.s32 $0xFFFFFB00  }
0x5e: {  	_ =	sfence.sel $0x180000  }
0x5f: {  	[bflag:$0x0] =	sbarrier.arrive $0xFFFF  }
0x60: {  	p0 =	sne.s32 s1, $0x0;
	_ =	strace $0x9000004A  }
0x61: {  	s0 =	sadd.s32 @!p0 $0x100000, s0;
	[bflag:$0x2] =	sbarrier.arrive $0xFFFF  }
0x62: {  	[sflag:s0] =	ssyncadd.tile.s32 @!p0 $0x1;
	_ =	shalt  }
.Lfunc_end2:
_tile_overlayer_lowered:
.L_overlay_start_2:
0x63: {  	(tag) =	ssettag $0x2  }
0x64: {  	s0 =	rddreg [dreg:$0x0];
	s2 =	stileid.u32  }
0x65: {  	s1 =	rddreg [dreg:$0x1];
	p0 =	sne.s32 s2, $0x0  }
0x66: {  	s3 =	rddreg [dreg:$0x2];
	[bflag:$0x3] =	sbarrier.arrive $0xFFFF;
	s2 =	simm.s32 @!p0 $0x1C02  }
0x67: {  	[timem:s3], [sflag:s2] =	dma.local @!p0 [hbm:s0], s1  }
0x68: {  	s0 =	simm.s32 @!p0 $0x2  }
0x69: {  	_ =	swait.ge @!p0 [sflag:s0], s1  }
0x6a: {  	s1 =	ssub.s32 @!p0 $0x0, s1;
	[sflag:s0] =	ssyncset.done @!p0 $0x0  }
0x6b: {  	[sflag:s0] =	ssyncadd.s32 @!p0 s1  }
0x6c: {  	[bflag:$0x3] =	sbarrier.arrive $0xFFFF  }
0x6d: {  	_ =	shalt  }

// kernel: kernel.16.cloned.1.call-start
scs
__scs_entry_jumppad:
0x0: {  	(pc) =	sbr.rel $0x88, $3  }
0x1: {  	(tag) =	ssettag $0x0;
	lr =	simm.s32 $0x1  }
0x2: {  	[smem:$0x3F91] =	sst lr;
	_ =	strace $0xD0000000  }
0x3: {  	_ = 	snop  }
0x4: {  	_ = 	snop  }
0x5: {  	_ = 	snop  }
0x6: {  	_ = 	snop  }
0x7: {  	_ = 	snop  }
__scs_overlays_trampoline_lowered:
0x8: {  	[smem:$0x3FA0] =	sst s0  }
0x9: {  	[smem:$0x3FA1] =	sst s1  }
0xa: {  	[smem:$0x3FA2] =	sst s2  }
0xb: {  	[smem:$0x3FA3] =	sst s3  }
0xc: {  	[smem:$0x3FA4] =	sst s4  }
0xd: {  	[smem:$0x3FA5] =	sst s5  }
0xe: {  	[smem:$0x3FA6] =	sst s6  }
0xf: {  	[smem:$0x3FA7] =	sst s7  }
0x10: {  	[smem:$0x3FA8] =	sst s8  }
0x11: {  	[smem:$0x3FA9] =	sst s9;
	s0 =	simm.s32 @!p0 $0x0  }
0x12: {  	s1 =	sld [smem:$0x3F8F];
	s0 =	simm.s32 @p0 $0x1  }
0x13: {  	[smem:$0x3FAA] =	sst s0;
	s0 =	simm.s32 @!p1 $0x0  }
0x14: {  	s2 =	sld [smem:$0x3F8E];
	s0 =	simm.s32 @p1 $0x1  }
0x15: {  	[smem:$0x3FAB] =	sst s0;
	s0 =	simm.s32 @!p2 $0x0  }
0x16: {  	s3 =	sld [smem:$0x3FDB];
	s0 =	simm.s32 @p2 $0x1  }
0x17: {  	s4 =	simm.s32 $0x1BF5;
	[smem:$0x3FAD] =	sst s0  }
0x18: {  	s0 =	sld [smem:$0x3F90];
	_ =	swait.ge [sflag:s4], $0x0  }
0x19: {  	s7 =	sld [smem:$0x3F91]  }
0x1a: {  	s8 =	sadd.s32 $0xFFFFE003, lr  }
0x1b: {  	s9 =	sadd.s32 $0xFFFFFEF7, lr;
	s5 =	simm.s32 $0xFFFFFFFF;
	p2 =	slt.u32 s8, $0xFFFFF086  }
0x1c: {  	p1 =	slt.u32 s9, $0xF7A;
	s5 =	simm.s32 @!p2 $0x0  }
0x1d: {  	s5 =	simm.s32 @p1 $0x1;
	p0 =	seq.s32 s7, s2  }
0x1e: {  	s7 =	smul.u32 @!p0 $0xF7A, s2;
	p2 =	seq.s32 @!p0 s5, $0x0  }
0x1f: {  	s9 =	smul.u32 $0xF7A, s1;
	s8 =	simm.s32 @!p0 $0x1BF5;
	p2 =	por !p2, p0  }
0x20: {  	[sflag:s8] =	ssyncset.s32 @!p0 $0xFFFFF086;
	s6 =	sadd.s32 @!p0 s3, s7;
	s7 =	simm.s32 @!p0 $0x108  }
0x21: {  	s3 =	sadd.s32 s3, s9;
	s6 =	sadd.s32 @!p0 $0x88, s6;
	s7 =	simm.s32 @p2 $0x1082  }
0x22: {  	[simem:s7], [sflag:s8] =	dma.local @!p0 [hbm:s6], $0xF7A  }
0x23: {  	s9 =	sor.u32 $0xD0000000, s2;
	s6 =	simm.s32 $0x108;
	_ =	swait.ge @!p0 [sflag:s8], $0x0  }
0x24: {  	s3 =	sadd.s32 $0x88, s3;
	s6 =	simm.s32 @!p1 $0x1082;
	[sflag:s4] =	ssyncset.s32 $0xFFFFF086  }
0x25: {  	[simem:s6], [sflag:s4] =	dma.local [hbm:s3], $0xF7A  }
0x26: {  	[smem:$0x3F91] =	sst s1;
	(tag) =	ssettag s2;
	_ =	strace s9  }
0x27: {  	s1 =	sld [smem:$0x3FA1]  }
0x28: {  	s2 =	sld [smem:$0x3FA2]  }
0x29: {  	s4 =	sld [smem:$0x3FA4]  }
0x2a: {  	p0 =	seq.s32 s5, $0x0;
	s5 =	sld [smem:$0x3FA5]  }
0x2b: {  	s6 =	sld [smem:$0x3FA6]  }
0x2c: {  	s7 =	sld [smem:$0x3FA7]  }
0x2d: {  	s3 =	simm.s32 $0x108;
	s8 =	sld [smem:$0x3FA8]  }
0x2e: {  	s3 =	simm.s32 @!p0 $0x1082;
	s9 =	sld [smem:$0x3FA9]  }
0x2f: {  	lr =	sadd.s32 s0, s3;
	s0 =	sld [smem:$0x3FA0]  }
0x30: {  	s3 =	sld [smem:$0x3FA3]  }
0x31: {  	[smem:$0x3FAC] =	sst s10  }
0x32: {  	s10 =	sld [smem:$0x3FAA];
	_ =	sdelay $0x3  }
0x33: {  	p0 =	seq.s32 s10, $0x1;
	s10 =	sld [smem:$0x3FAC];
	_ =	sdelay $0x3  }
0x34: {  	[smem:$0x3FAC] =	sst s10  }
0x35: {  	s10 =	sld [smem:$0x3FAB];
	_ =	sdelay $0x3  }
0x36: {  	p1 =	seq.s32 s10, $0x1;
	s10 =	sld [smem:$0x3FAC];
	_ =	sdelay $0x3  }
0x37: {  	[smem:$0x3FAC] =	sst s10  }
0x38: {  	s10 =	sld [smem:$0x3FAD]  }
0x39: {  	_ = 	snop;
	(pc) =	sbr.ind lr, $3  }
0x3a: {  	_ = 	snop  }
0x3b: {  	_ = 	snop  }
0x3c: {  	p2 =	seq.s32 s10, $0x1;
	s10 =	sld [smem:$0x3FAC]  }
0x3d: {  	_ =	shalt  }
0x3e: {  	_ =	shalt  }
0x3f: {  	_ =	shalt  }
0x40: {  	_ =	shalt  }
0x41: {  	_ =	shalt  }
0x42: {  	_ =	shalt  }
0x43: {  	_ =	shalt  }
0x44: {  	_ =	shalt  }
0x45: {  	_ =	shalt  }
0x46: {  	_ =	shalt  }
0x47: {  	_ =	shalt  }
0x48: {  	_ =	shalt  }
0x49: {  	_ =	shalt  }
0x4a: {  	_ =	shalt  }
0x4b: {  	_ =	shalt  }
0x4c: {  	_ =	shalt  }
0x4d: {  	_ =	shalt  }
0x4e: {  	_ =	shalt  }
0x4f: {  	_ =	shalt  }
0x50: {  	_ =	shalt  }
0x51: {  	_ =	shalt  }
0x52: {  	_ =	shalt  }
0x53: {  	_ =	shalt  }
0x54: {  	_ =	shalt  }
0x55: {  	_ =	shalt  }
0x56: {  	_ =	shalt  }
0x57: {  	_ =	shalt  }
0x58: {  	_ =	shalt  }
0x59: {  	_ =	shalt  }
0x5a: {  	_ =	shalt  }
0x5b: {  	_ =	shalt  }
0x5c: {  	_ =	shalt  }
0x5d: {  	_ =	shalt  }
0x5e: {  	_ =	shalt  }
0x5f: {  	_ =	shalt  }
0x60: {  	_ =	shalt  }
0x61: {  	_ =	shalt  }
0x62: {  	_ =	shalt  }
0x63: {  	_ =	shalt  }
0x64: {  	_ =	shalt  }
0x65: {  	_ =	shalt  }
0x66: {  	_ =	shalt  }
0x67: {  	_ =	shalt  }
0x68: {  	_ =	shalt  }
0x69: {  	_ =	shalt  }
0x6a: {  	_ =	shalt  }
0x6b: {  	_ =	shalt  }
0x6c: {  	_ =	shalt  }
0x6d: {  	_ =	shalt  }
0x6e: {  	_ =	shalt  }
0x6f: {  	_ =	shalt  }
0x70: {  	_ =	shalt  }
0x71: {  	_ =	shalt  }
0x72: {  	_ =	shalt  }
0x73: {  	_ =	shalt  }
0x74: {  	_ =	shalt  }
0x75: {  	_ =	shalt  }
0x76: {  	_ =	shalt  }
0x77: {  	_ =	shalt  }
0x78: {  	_ =	shalt  }
0x79: {  	_ =	shalt  }
0x7a: {  	_ =	shalt  }
0x7b: {  	_ =	shalt  }
0x7c: {  	_ =	shalt  }
0x7d: {  	_ =	shalt  }
0x7e: {  	_ =	shalt  }
0x7f: {  	_ =	shalt  }
0x80: {  	_ =	shalt  }
0x81: {  	_ =	shalt  }
0x82: {  	_ =	shalt  }
0x83: {  	_ =	shalt  }
0x84: {  	_ =	shalt  }
0x85: {  	_ =	shalt  }
0x86: {  	_ =	shalt  }
0x87: {  	_ =	shalt  }
.Lfunc_end0:
.L_simem_size_0:
called_computation.2_lowered:
.L_overlay_start_0:
0x88: {  	s2 =	sld [smem:$0x3FD9]  }
0x89: {  	s3 =	sld [smem:$0x3FFE];
	_ =	sdelay $0x1  }
0x8a: {  	s1 =	srdreg.scid  }
0x8b: {  	s0 =	sand.u32 $0x1, s1  }
0x8c: {  	s16 =	sshll.u32 s0, $0xA;
	s2 =	sadd.s32 s3, s2  }
0x8d: {  	s2 =	sadd.s32 s2, s16  }
0x8e: {  	[smem:$0x3FB8] =	sst s2  }
0x8f: {  	_ = 	snop  }
0x90: {  	(tm) =	ssettm $0x1  }
0x91: {  	s17 =	sld [smem:$0x3FFB];
	_ =	sdelay $0x3  }
0x92: {  	_ =	strace s17  }
0x93: {  	s2 =	sld [smem:$0x3FFC];
	_ =	sdelay $0x3  }
0x94: {  	_ =	strace s2  }
0x95: {  	s2 =	sld [smem:$0x3FFD];
	_ =	sdelay $0x3  }
0x96: {  	_ =	strace s2  }
0x97: {  	_ =	strace $0x8FFFFFFF  }
0x98: {  	s18 =	sld [smem:$0x3FDB];
	_ =	sdelay $0x1  }
0x99: {  	s19 =	simm.s32 $_scs_section_size  }
0x9a: {  	s4 =	simm.s32 $_size__tile_overlayer_lowered;
	s5 =	simm.s32 $_tile_overlayer_lowered  }
0x9b: {  	s22 =	simm.s32 $0x1BFF;
	s21 =	sshll.u32 s5, $0x1;
	s2 =	sadd.s32 s19, s18  }
0x9c: {  	s6 =	simm.s32 $0x0;
	s20 =	sshll.u32 s4, $0x1;
	s4 =	sadd.s32 s21, s2  }
0x9d: {  	[timem:s6], [sflag:s22] =	dma.local [hbm:s4], s20  }
0x9e: {  	_ =	swait.ge [sflag:s22], s20  }
0x9f: {  	s3 =	ssub.s32 $0x0, s20;
	[sflag:s22] =	ssyncset.done $0x0  }
0xa0: {  	[sflag:s22] =	ssyncadd.s32 s3;
	_ =	sdelay $0x1  }
0xa1: {  	s23 =	simm.s32 $0x1B8B  }
0xa2: {  	_ =	swait.ge [sflag:s23], $0x1  }
0xa3: {  	[sflag:s23] =	ssyncset.done $0x0  }
0xa4: {  	s25 =	simm.s32 $0x1B8E;
	s24 =	sld [smem:$0x3FFE];
	[sflag:s23] =	ssyncadd.s32 $0xFFFFFFFF  }
0xa5: {  	s26 =	simm.s32 $execute0_lowered;
	[smem:$0x3FD2] =	sst s25  }
0xa6: {  	s4 =	sshll.u32 s26, $0x1;
	_ =	strace $0x8000004C;
	[dreg:$0x1] =	wrdreg $0xFFFFFFFF  }
0xa7: {  	s28 =	simm.s32 $_size_execute0_lowered;
	s2 =	sadd.s32 s2, s4;
	[dreg:$0x0] =	wrdreg $0x0  }
0xa8: {  	s4 =	sshll.u32 s28, $0x1;
	[dreg:$0x2] =	wrdreg s2  }
0xa9: {  	[dreg:$0x3] =	wrdreg s4  }
0xaa: {  	[dreg:$0x4] =	wrdreg $0xC0  }
0xab: {  	_ =	task [dreg:s6], $0x5FFFF  }
0xac: {  	[dreg:$0x1] =	wrdreg $0xFFFFFFFF  }
0xad: {  	[dreg:$0x0] =	wrdreg $0x60  }
0xae: {  	[dreg:$0x2] =	wrdreg s24  }
0xaf: {  	[dreg:$0x3] =	wrdreg $0x0  }
0xb0: {  	[dreg:$0x4] =	wrdreg $0x9  }
0xb1: {  	_ =	task.clear_ibuf [dreg:s6], $0x5FFFF;
	_ =	strace $0x9000004C  }
0xb2: {  	s29 =	simm.s32 $0x9;
	_ =	strace $0x8000004E  }
0xb3: {  	_ =	swait.ge [sflag:s29], $0x1  }
0xb4: {  	[sflag:s29] =	ssyncadd.s32 $0xFFFFFFFF  }
0xb5: {  	_ =	strace $0x9000004E  }
0xb6: {  	_ =	sfence  }
0xb7: {  	s30 =	sld [smem:$0x0];
	_ =	sdelay $0x2  }
0xb8: {  	s31 =	sshll.u32 s1, $0xD;
	s1 =	sshrl.u32 s1, $0x2  }
0xb9: {  	s3 =	sand.u32 $0x4000, s31;
	s1 =	sadd.s32 s1, s30  }
0xba: {  	s0 =	sor.u32 s3, s0;
	s1 =	sshll.u32 s1, $0x11  }
0xbb: {  	s0 =	sor.u32 s1, s0  }
0xbc: {  	s0 =	sadd.s32 $0x8F2B, s0  }
0xbd: {  	[sflag:s0] =	ssyncadd.remote.s32 $0x1  }
0xbe: {  	_ =	sfence.sel $0xFFFF  }
0xbf: {  	[dreg:$0x0] =	wrdreg $0xFFFFFFFF;
	(pc) =	sbr.abs _section_cstart, $3  }
0xc0: {  	[dreg:$0x1] =	wrdreg $0xFFFFFFFF  }
0xc1: {  	_ =	task.clear_ibuf [dreg:s6], $0x2FFFF;
	_ =	strace $0x9FFFFFFF  }
0xc2: {  	(tm) =	ssettm $0x7FFFFFFF  }
0xc3: {  	_ =	shalt  }
tec
execute0_lowered:
.L_overlay_start_1:
0x0: {  	(tag) =	ssettag $0x1  }
0x1: {  	s8 =	rddreg [dreg:$0x0]  }
0x2: {  	s2 =	rddreg [dreg:$0x1]  }
0x3: {  	s0 =	rddreg [dreg:$0x2]  }
0x4: {  	s3 =	simm.s32 $0x0;
	s1 =	stileid.u32;
	s4 =	srdreg.scid  }
0x5: {  	s15 =	simm.s32 $0x2;
	s16 =	simm.s32 $0x2800;
	s17 =	simm.s32 $0x2880  }
0x6: {  	s18 =	simm.s32 $0x80;
	s19 =	simm.s32 $0x3900;
	s20 =	simm.s32 $0x1  }
0x7: {  	s21 =	simm.s32 $0x7900;
	[smem:$0x7FF] =	sst s3;
	s9 =	smul.u32 $0x2800, s1  }
0x8: {  	s10 =	sand.u32 $0x1, s4;
	s4 =	sadd.s32 $0xDDC00, s8;
	s5 =	sadd.s32 $0x3DC00, s8  }
0x9: {  	s6 =	sadd.s32 $0x38C00, s8;
	s7 =	sadd.s32 $0x33C00, s8;
	s28 =	sshll.u32 s1, $0x1  }
0xa: {  	s30 =	sshll.u32 s1, $0x6;
	_ =	strace $0x8000004D;
	s11 =	smul.u32 $0x28000, s10  }
0xb: {  	s13 =	ssub.s32 $0x2, s10;
	s10 =	sor.u32 s10, s28;
	s12 =	sshrl.u32 s9, $0x3  }
0xc: {  	s14 =	sshrl.u32 s13, $0x1;
	s29 =	sadd.s32 s9, s2;
	s31 =	ssub.s32 $0x501, s10  }
0xd: {  	s10 =	sshll.u32 s10, $0x7;
	s11 =	sadd.s32 s9, s11;
	s12 =	sadd.s32 s12, s8  }
0xe: {  	s13 =	ssub.s32 s13, s14;
	s9 =	sor.u32 $0x1C02, s30;
	s11 =	sshrl.u32 s11, $0x3  }
0xf: {  	s14 =	sshrl.u32 s29, $0x3;
	s13 =	smax.u32 s13, $0x1;
	s11 =	sadd.s32 s11, s8  }
0x10: {  	s8 =	sadd.s32 $0x29E00, s12;
	s12 =	sshrl.u32 s31, $0x5;
	s11 =	sadd.s32 $0x2C00, s11  }
.LBB2_1:
0x11: {  	[spmem:s14], [sflag:s9] =	dma.local [hbm:s8], $0x500  }
0x12: {  	_ =	swait.ge [sflag:s15], $0x500  }
0x13: {  	[sflag:s15] =	ssyncset.done $0x0  }
0x14: {  	[sflag:s15] =	ssyncadd.s32 $0xFFFFFB00  }
0x15: {  	s22 =	simm.s32 $0x0;
	[bflag:$0x0] =	sbarrier.arrive $0xFFFF  }
.LBB2_2:
0x16: {  	s23 =	sshll.u32 s22, $0xC  }
0x17: {  	s24 =	sor.u32 s10, s23  }
0x18: {  	s25 =	sshrl.u32 s24, $0x3  }
0x19: {  	s23 =	simm.s32 $0x0;
	s26 =	sadd.s32 s6, s25  }
0x1a: {  	[tilespmem:s16], [sflag:$0x2] =	stream.linear.gather [hbm4b:s26+s23], $0x80, $0x38;
	[tilespmem:$0x8100] =	vst v63  }
0x1b: {  	_ =	swait.ge [sflag:s15], $0x80  }
0x1c: {  	[sflag:s15] =	ssyncset.done $0x0  }
0x1d: {  	s25 =	sadd.s32 s7, s25;
	[sflag:s15] =	ssyncadd.s32 $0xFFFFFF80  }
0x1e: {  	[tilespmem:s17], [sflag:$0x2] =	stream.linear.gather [hbm4b:s25+s23], $0x80, $0x38;
	[tilespmem:$0x8100] =	vst v63  }
0x1f: {  	s24 =	sshll.u32 s24, $0x2;
	_ =	swait.ge [sflag:s15], $0x80  }
0x20: {  	s24 =	sand.u32 $0x1FFFFE00, s24;
	[sflag:s15] =	ssyncset.done $0x0  }
0x21: {  	s24 =	sadd.s32 s5, s24;
	s25 =	simm.s32 $0x2900;
	[sflag:s15] =	ssyncadd.s32 $0xFFFFFF80  }
0x22: {  	[tilespmem:s25], [sflag:$0x2] =	stream.linear.gather [hbm4b:s24+s23], $0x1000, $0x38;
	[tilespmem:$0x8100] =	vst v63  }
0x23: {  	_ =	swait.ge [sflag:s15], $0x1000  }
0x24: {  	[sflag:s15] =	ssyncset.done $0x0  }
0x25: {  	[sflag:s15] =	ssyncadd.s32 $0xFFFFF000  }
0x26: {  	[tilespmem:s19], [sflag:$0x1] =	stream.indirect.gather [hbm4b:s4+s18], $0x80, s16, s18, $0xb8;
	[tilespmem:$0x8100] =	vst v63  }
0x27: {  	_ =	swait.ge [sflag:s20], $0x4000  }
0x28: {  	[sflag:s20] =	ssyncset.done $0x0  }
0x29: {  	[sflag:s20] =	ssyncadd.s32 $0xFFFFC000  }
0x2a: {  	s26 =	simm.s32 $0x40;
	s24 =	simm.s32 $0x3940;
	v0 =	vld [tilespmem:s25+$0x0]  }
.LBB2_3:
0x2b: {  	p0 =	sne.s32 s26, $0x1FC0;
	v1 =	vld [tilespmem:s24+$0xFFFFFFC0]  }
0x2c: {  	v2 =	vld [tilespmem:s24+$0xFFFFFFD0];
	_ =	sdelay $0x1  }
0x2d: {  	v3 =	vld [tilespmem:s24+$0xFFFFFFE0]  }
0x2e: {  	v4 =	vbroadcast v0, $0x8;
	v5 =	vbroadcast v0, $0x9  }
0x2f: {  	v6 =	vbroadcast v0, $0xA;
	v7 =	vld [tilespmem:s24+$0xFFFFFFF0]  }
0x30: {  	v1 =	vmul.f32 v1, v4;
	v2 =	vmul.f32 v2, v5  }
0x31: {  	v4 =	vld [tilespmem:s24+$0x0]  }
0x32: {  	v1 =	vadd.f32 v2, v1;
	v2 =	vmul.f32 v3, v6;
	v3 =	vbroadcast v0, $0xB  }
0x33: {  	v5 =	vld [tilespmem:s24+$0x10]  }
0x34: {  	v1 =	vadd.f32 v2, v1;
	v2 =	vmul.f32 v7, v3;
	v3 =	vbroadcast v0, $0xC  }
0x35: {  	v6 =	vld [tilespmem:s24+$0x20]  }
0x36: {  	v1 =	vadd.f32 v2, v1;
	v2 =	vmul.f32 v4, v3;
	v3 =	vbroadcast v0, $0xD  }
0x37: {  	v4 =	vld [tilespmem:s24+$0x30]  }
0x38: {  	v1 =	vadd.f32 v2, v1;
	v2 =	vmul.f32 v5, v3;
	v3 =	vbroadcast v0, $0xE;
	_ =	sdelay $0x1  }
0x39: {  	v0 =	vbroadcast v0, $0xF;
	v1 =	vadd.f32 v2, v1;
	v2 =	vmul.f32 v6, v3;
	_ =	sdelay $0x1  }
0x3a: {  	v1 =	vadd.f32 v2, v1;
	v0 =	vmul.f32 v4, v0  }
.Ltmp0:
0x3b: {  	(pc) =	sbr.rel @p0 .LBB2_3-.Ltmp0, $4  }
0x3c: {  	v0 =	vadd.f32 v0, v1  }
0x3d: {  	s28 =	sshra.s32 s23, $0x2;
	s23 =	smov.u32 s26  }
0x3e: {  	s25 =	sadd.s32 $0x20, s25;
	[tilespmem:s28+$0x7900] =	vst v0  }
0x3f: {  	s26 =	sadd.s32 $0x40, s26;
	s24 =	sadd.s32 $0x80, s24;
	v0 =	vld [tilespmem:s25+$0x0]  }
0x40: {  	v1 =	vld [tilespmem:s24+$0xFFFFFFC0]  }
0x41: {  	v2 =	vld [tilespmem:s24+$0xFFFFFFD0];
	_ =	sdelay $0x1  }
0x42: {  	v3 =	vld [tilespmem:s24+$0xFFFFFFE0]  }
0x43: {  	v4 =	vbroadcast v0, $0x8;
	v5 =	vbroadcast v0, $0x9  }
0x44: {  	v7 =	vld [tilespmem:s24+$0xFFFFFFF0];
	v6 =	vbroadcast v0, $0xA  }
0x45: {  	v1 =	vmul.f32 v1, v4;
	v2 =	vmul.f32 v2, v5  }
0x46: {  	v50 =	vld [tilespmem:s24+$0x0]  }
0x47: {  	v52 =	vbroadcast v0, $0xB;
	v51 =	vmul.f32 v3, v6;
	v1 =	vadd.f32 v2, v1  }
0x48: {  	v53 =	vld [tilespmem:s24+$0x10]  }
0x49: {  	v55 =	vbroadcast v0, $0xC;
	v54 =	vmul.f32 v7, v52;
	v1 =	vadd.f32 v51, v1  }
0x4a: {  	v56 =	vld [tilespmem:s24+$0x20]  }
0x4b: {  	v58 =	vbroadcast v0, $0xD;
	v57 =	vmul.f32 v50, v55;
	v1 =	vadd.f32 v54, v1  }
0x4c: {  	v59 =	vld [tilespmem:s24+$0x30]  }
0x4d: {  	v61 =	vbroadcast v0, $0xE;
	v60 =	vmul.f32 v53, v58;
	v1 =	vadd.f32 v57, v1;
	_ =	sdelay $0x1  }
0x4e: {  	v63 =	vbroadcast v0, $0xF;
	v62 =	vmul.f32 v56, v61;
	v1 =	vadd.f32 v60, v1;
	_ =	sdelay $0x1  }
0x4f: {  	v0 =	vmul.f32 v59, v63;
	v1 =	vadd.f32 v62, v1;
	_ =	sdelay $0x1  }
0x50: {  	s22 =	sadd.s32 $0x1, s22;
	v0 =	vadd.f32 v0, v1  }
0x51: {  	s23 =	sshra.s32 s23, $0x2;
	p0 =	sne.s32 s22, s12  }
.Ltmp1:
0x52: {  	[tilespmem:s23+$0x7900] =	vst v0;
	(pc) =	sbr.rel @p0 .LBB2_2-.Ltmp1, $4  }
0x53: {  	[spmem:s2] =	stream.indirect.scatter.add.f32 [tilespmem:s21], [sflag:$0x2], $0x10, s17, s18, $0xb8;
	[tilespmem:$0x8100] =	vst v63  }
0x54: {  	_ =	swait.ge [sflag:s15], $0x800  }
0x55: {  	[sflag:s15] =	ssyncset.done $0x0  }
0x56: {  	[sflag:s15] =	ssyncadd.s32 $0xFFFFF800  }
0x57: {  	s3 =	sadd.s32 $0x1, s3  }
0x58: {  	p0 =	sne.s32 s3, s13  }
.Ltmp2:
0x59: {  	[bflag:$0x0] =	sbarrier.arrive $0xFFFF;
	(pc) =	sbr.rel @p0 .LBB2_1-.Ltmp2, $4  }
0x5a: {  	[hbm:s11], [sflag:s9] =	dma.local [spmem:s14], $0x500  }
0x5b: {  	_ =	swait.ge [sflag:s15], $0x500  }
0x5c: {  	[sflag:s15] =	ssyncset.done $0x0  }
0x5d: {  	[sflag:s15] =	ssyncadd.s32 $0xFFFFFB00  }
0x5e: {  	_ =	sfence.sel $0x180000  }
0x5f: {  	[bflag:$0x0] =	sbarrier.arrive $0xFFFF  }
0x60: {  	p0 =	sne.s32 s1, $0x0;
	_ =	strace $0x9000004D  }
0x61: {  	s0 =	sadd.s32 @!p0 $0x100000, s0;
	[bflag:$0x2] =	sbarrier.arrive $0xFFFF  }
0x62: {  	[sflag:s0] =	ssyncadd.tile.s32 @!p0 $0x1;
	_ =	shalt  }
.Lfunc_end2:
_tile_overlayer_lowered:
.L_overlay_start_2:
0x63: {  	(tag) =	ssettag $0x2  }
0x64: {  	s0 =	rddreg [dreg:$0x0];
	s2 =	stileid.u32  }
0x65: {  	s1 =	rddreg [dreg:$0x1];
	p0 =	sne.s32 s2, $0x0  }
0x66: {  	s3 =	rddreg [dreg:$0x2];
	[bflag:$0x3] =	sbarrier.arrive $0xFFFF;
	s2 =	simm.s32 @!p0 $0x1C02  }
0x67: {  	[timem:s3], [sflag:s2] =	dma.local @!p0 [hbm:s0], s1  }
0x68: {  	s0 =	simm.s32 @!p0 $0x2  }
0x69: {  	_ =	swait.ge @!p0 [sflag:s0], s1  }
0x6a: {  	s1 =	ssub.s32 @!p0 $0x0, s1;
	[sflag:s0] =	ssyncset.done @!p0 $0x0  }
0x6b: {  	[sflag:s0] =	ssyncadd.s32 @!p0 s1  }
0x6c: {  	[bflag:$0x3] =	sbarrier.arrive $0xFFFF  }
0x6d: {  	_ =	shalt  }

// kernel: kernel.19.cloned.1.call-start
scs
__scs_entry_jumppad:
0x0: {  	(pc) =	sbr.rel $0x88, $3  }
0x1: {  	(tag) =	ssettag $0x0;
	lr =	simm.s32 $0x1  }
0x2: {  	[smem:$0x3F91] =	sst lr;
	_ =	strace $0xD0000000  }
0x3: {  	_ = 	snop  }
0x4: {  	_ = 	snop  }
0x5: {  	_ = 	snop  }
0x6: {  	_ = 	snop  }
0x7: {  	_ = 	snop  }
__scs_overlays_trampoline_lowered:
0x8: {  	[smem:$0x3FA0] =	sst s0  }
0x9: {  	[smem:$0x3FA1] =	sst s1  }
0xa: {  	[smem:$0x3FA2] =	sst s2  }
0xb: {  	[smem:$0x3FA3] =	sst s3  }
0xc: {  	[smem:$0x3FA4] =	sst s4  }
0xd: {  	[smem:$0x3FA5] =	sst s5  }
0xe: {  	[smem:$0x3FA6] =	sst s6  }
0xf: {  	[smem:$0x3FA7] =	sst s7  }
0x10: {  	[smem:$0x3FA8] =	sst s8  }
0x11: {  	[smem:$0x3FA9] =	sst s9;
	s0 =	simm.s32 @!p0 $0x0  }
0x12: {  	s1 =	sld [smem:$0x3F8F];
	s0 =	simm.s32 @p0 $0x1  }
0x13: {  	[smem:$0x3FAA] =	sst s0;
	s0 =	simm.s32 @!p1 $0x0  }
0x14: {  	s2 =	sld [smem:$0x3F8E];
	s0 =	simm.s32 @p1 $0x1  }
0x15: {  	[smem:$0x3FAB] =	sst s0;
	s0 =	simm.s32 @!p2 $0x0  }
0x16: {  	s3 =	sld [smem:$0x3FDB];
	s0 =	simm.s32 @p2 $0x1  }
0x17: {  	s4 =	simm.s32 $0x1BF5;
	[smem:$0x3FAD] =	sst s0  }
0x18: {  	s0 =	sld [smem:$0x3F90];
	_ =	swait.ge [sflag:s4], $0x0  }
0x19: {  	s7 =	sld [smem:$0x3F91]  }
0x1a: {  	s8 =	sadd.s32 $0xFFFFE003, lr  }
0x1b: {  	s9 =	sadd.s32 $0xFFFFFEF7, lr;
	s5 =	simm.s32 $0xFFFFFFFF;
	p2 =	slt.u32 s8, $0xFFFFF086  }
0x1c: {  	p1 =	slt.u32 s9, $0xF7A;
	s5 =	simm.s32 @!p2 $0x0  }
0x1d: {  	s5 =	simm.s32 @p1 $0x1;
	p0 =	seq.s32 s7, s2  }
0x1e: {  	s7 =	smul.u32 @!p0 $0xF7A, s2;
	p2 =	seq.s32 @!p0 s5, $0x0  }
0x1f: {  	s9 =	smul.u32 $0xF7A, s1;
	s8 =	simm.s32 @!p0 $0x1BF5;
	p2 =	por !p2, p0  }
0x20: {  	[sflag:s8] =	ssyncset.s32 @!p0 $0xFFFFF086;
	s6 =	sadd.s32 @!p0 s3, s7;
	s7 =	simm.s32 @!p0 $0x108  }
0x21: {  	s3 =	sadd.s32 s3, s9;
	s6 =	sadd.s32 @!p0 $0x88, s6;
	s7 =	simm.s32 @p2 $0x1082  }
0x22: {  	[simem:s7], [sflag:s8] =	dma.local @!p0 [hbm:s6], $0xF7A  }
0x23: {  	s9 =	sor.u32 $0xD0000000, s2;
	s6 =	simm.s32 $0x108;
	_ =	swait.ge @!p0 [sflag:s8], $0x0  }
0x24: {  	s3 =	sadd.s32 $0x88, s3;
	s6 =	simm.s32 @!p1 $0x1082;
	[sflag:s4] =	ssyncset.s32 $0xFFFFF086  }
0x25: {  	[simem:s6], [sflag:s4] =	dma.local [hbm:s3], $0xF7A  }
0x26: {  	[smem:$0x3F91] =	sst s1;
	(tag) =	ssettag s2;
	_ =	strace s9  }
0x27: {  	s1 =	sld [smem:$0x3FA1]  }
0x28: {  	s2 =	sld [smem:$0x3FA2]  }
0x29: {  	s4 =	sld [smem:$0x3FA4]  }
0x2a: {  	p0 =	seq.s32 s5, $0x0;
	s5 =	sld [smem:$0x3FA5]  }
0x2b: {  	s6 =	sld [smem:$0x3FA6]  }
0x2c: {  	s7 =	sld [smem:$0x3FA7]  }
0x2d: {  	s3 =	simm.s32 $0x108;
	s8 =	sld [smem:$0x3FA8]  }
0x2e: {  	s3 =	simm.s32 @!p0 $0x1082;
	s9 =	sld [smem:$0x3FA9]  }
0x2f: {  	lr =	sadd.s32 s0, s3;
	s0 =	sld [smem:$0x3FA0]  }
0x30: {  	s3 =	sld [smem:$0x3FA3]  }
0x31: {  	[smem:$0x3FAC] =	sst s10  }
0x32: {  	s10 =	sld [smem:$0x3FAA];
	_ =	sdelay $0x3  }
0x33: {  	p0 =	seq.s32 s10, $0x1;
	s10 =	sld [smem:$0x3FAC];
	_ =	sdelay $0x3  }
0x34: {  	[smem:$0x3FAC] =	sst s10  }
0x35: {  	s10 =	sld [smem:$0x3FAB];
	_ =	sdelay $0x3  }
0x36: {  	p1 =	seq.s32 s10, $0x1;
	s10 =	sld [smem:$0x3FAC];
	_ =	sdelay $0x3  }
0x37: {  	[smem:$0x3FAC] =	sst s10  }
0x38: {  	s10 =	sld [smem:$0x3FAD]  }
0x39: {  	_ = 	snop;
	(pc) =	sbr.ind lr, $3  }
0x3a: {  	_ = 	snop  }
0x3b: {  	_ = 	snop  }
0x3c: {  	p2 =	seq.s32 s10, $0x1;
	s10 =	sld [smem:$0x3FAC]  }
0x3d: {  	_ =	shalt  }
0x3e: {  	_ =	shalt  }
0x3f: {  	_ =	shalt  }
0x40: {  	_ =	shalt  }
0x41: {  	_ =	shalt  }
0x42: {  	_ =	shalt  }
0x43: {  	_ =	shalt  }
0x44: {  	_ =	shalt  }
0x45: {  	_ =	shalt  }
0x46: {  	_ =	shalt  }
0x47: {  	_ =	shalt  }
0x48: {  	_ =	shalt  }
0x49: {  	_ =	shalt  }
0x4a: {  	_ =	shalt  }
0x4b: {  	_ =	shalt  }
0x4c: {  	_ =	shalt  }
0x4d: {  	_ =	shalt  }
0x4e: {  	_ =	shalt  }
0x4f: {  	_ =	shalt  }
0x50: {  	_ =	shalt  }
0x51: {  	_ =	shalt  }
0x52: {  	_ =	shalt  }
0x53: {  	_ =	shalt  }
0x54: {  	_ =	shalt  }
0x55: {  	_ =	shalt  }
0x56: {  	_ =	shalt  }
0x57: {  	_ =	shalt  }
0x58: {  	_ =	shalt  }
0x59: {  	_ =	shalt  }
0x5a: {  	_ =	shalt  }
0x5b: {  	_ =	shalt  }
0x5c: {  	_ =	shalt  }
0x5d: {  	_ =	shalt  }
0x5e: {  	_ =	shalt  }
0x5f: {  	_ =	shalt  }
0x60: {  	_ =	shalt  }
0x61: {  	_ =	shalt  }
0x62: {  	_ =	shalt  }
0x63: {  	_ =	shalt  }
0x64: {  	_ =	shalt  }
0x65: {  	_ =	shalt  }
0x66: {  	_ =	shalt  }
0x67: {  	_ =	shalt  }
0x68: {  	_ =	shalt  }
0x69: {  	_ =	shalt  }
0x6a: {  	_ =	shalt  }
0x6b: {  	_ =	shalt  }
0x6c: {  	_ =	shalt  }
0x6d: {  	_ =	shalt  }
0x6e: {  	_ =	shalt  }
0x6f: {  	_ =	shalt  }
0x70: {  	_ =	shalt  }
0x71: {  	_ =	shalt  }
0x72: {  	_ =	shalt  }
0x73: {  	_ =	shalt  }
0x74: {  	_ =	shalt  }
0x75: {  	_ =	shalt  }
0x76: {  	_ =	shalt  }
0x77: {  	_ =	shalt  }
0x78: {  	_ =	shalt  }
0x79: {  	_ =	shalt  }
0x7a: {  	_ =	shalt  }
0x7b: {  	_ =	shalt  }
0x7c: {  	_ =	shalt  }
0x7d: {  	_ =	shalt  }
0x7e: {  	_ =	shalt  }
0x7f: {  	_ =	shalt  }
0x80: {  	_ =	shalt  }
0x81: {  	_ =	shalt  }
0x82: {  	_ =	shalt  }
0x83: {  	_ =	shalt  }
0x84: {  	_ =	shalt  }
0x85: {  	_ =	shalt  }
0x86: {  	_ =	shalt  }
0x87: {  	_ =	shalt  }
.Lfunc_end0:
.L_simem_size_0:
called_computation.3_lowered:
.L_overlay_start_0:
0x88: {  	s2 =	sld [smem:$0x3FD9]  }
0x89: {  	s3 =	sld [smem:$0x3FFE];
	_ =	sdelay $0x1  }
0x8a: {  	s1 =	srdreg.scid  }
0x8b: {  	s0 =	sand.u32 $0x1, s1  }
0x8c: {  	s16 =	sshll.u32 s0, $0xA;
	s2 =	sadd.s32 s3, s2  }
0x8d: {  	s2 =	sadd.s32 s2, s16  }
0x8e: {  	[smem:$0x3FB8] =	sst s2  }
0x8f: {  	_ = 	snop  }
0x90: {  	(tm) =	ssettm $0x1  }
0x91: {  	s17 =	sld [smem:$0x3FFB];
	_ =	sdelay $0x3  }
0x92: {  	_ =	strace s17  }
0x93: {  	s2 =	sld [smem:$0x3FFC];
	_ =	sdelay $0x3  }
0x94: {  	_ =	strace s2  }
0x95: {  	s2 =	sld [smem:$0x3FFD];
	_ =	sdelay $0x3  }
0x96: {  	_ =	strace s2  }
0x97: {  	_ =	strace $0x8FFFFFFF  }
0x98: {  	s18 =	sld [smem:$0x3FDB];
	_ =	sdelay $0x1  }
0x99: {  	s19 =	simm.s32 $_scs_section_size  }
0x9a: {  	s4 =	simm.s32 $_size__tile_overlayer_lowered;
	s5 =	simm.s32 $_tile_overlayer_lowered  }
0x9b: {  	s22 =	simm.s32 $0x1BFF;
	s21 =	sshll.u32 s5, $0x1;
	s2 =	sadd.s32 s19, s18  }
0x9c: {  	s6 =	simm.s32 $0x0;
	s20 =	sshll.u32 s4, $0x1;
	s4 =	sadd.s32 s21, s2  }
0x9d: {  	[timem:s6], [sflag:s22] =	dma.local [hbm:s4], s20  }
0x9e: {  	_ =	swait.ge [sflag:s22], s20  }
0x9f: {  	s3 =	ssub.s32 $0x0, s20;
	[sflag:s22] =	ssyncset.done $0x0  }
0xa0: {  	[sflag:s22] =	ssyncadd.s32 s3;
	_ =	sdelay $0x1  }
0xa1: {  	s23 =	simm.s32 $0x1B8B  }
0xa2: {  	_ =	swait.ge [sflag:s23], $0x1  }
0xa3: {  	[sflag:s23] =	ssyncset.done $0x0  }
0xa4: {  	s25 =	simm.s32 $0x1B8E;
	s24 =	sld [smem:$0x3FFE];
	[sflag:s23] =	ssyncadd.s32 $0xFFFFFFFF  }
0xa5: {  	s26 =	simm.s32 $execute0_lowered;
	[smem:$0x3FD2] =	sst s25  }
0xa6: {  	s4 =	sshll.u32 s26, $0x1;
	_ =	strace $0x8000004F;
	[dreg:$0x1] =	wrdreg $0xFFFFFFFF  }
0xa7: {  	s28 =	simm.s32 $_size_execute0_lowered;
	s2 =	sadd.s32 s2, s4;
	[dreg:$0x0] =	wrdreg $0x0  }
0xa8: {  	s4 =	sshll.u32 s28, $0x1;
	[dreg:$0x2] =	wrdreg s2  }
0xa9: {  	[dreg:$0x3] =	wrdreg s4  }
0xaa: {  	[dreg:$0x4] =	wrdreg $0xC0  }
0xab: {  	_ =	task [dreg:s6], $0x5FFFF  }
0xac: {  	[dreg:$0x1] =	wrdreg $0xFFFFFFFF  }
0xad: {  	[dreg:$0x0] =	wrdreg $0x60  }
0xae: {  	[dreg:$0x2] =	wrdreg s24  }
0xaf: {  	[dreg:$0x3] =	wrdreg $0x0  }
0xb0: {  	[dreg:$0x4] =	wrdreg $0x9  }
0xb1: {  	_ =	task.clear_ibuf [dreg:s6], $0x5FFFF;
	_ =	strace $0x9000004F  }
0xb2: {  	s29 =	simm.s32 $0x9;
	_ =	strace $0x80000051  }
0xb3: {  	_ =	swait.ge [sflag:s29], $0x1  }
0xb4: {  	[sflag:s29] =	ssyncadd.s32 $0xFFFFFFFF  }
0xb5: {  	_ =	strace $0x90000051  }
0xb6: {  	_ =	sfence  }
0xb7: {  	s30 =	sld [smem:$0x0];
	_ =	sdelay $0x2  }
0xb8: {  	s31 =	sshll.u32 s1, $0xD;
	s1 =	sshrl.u32 s1, $0x2  }
0xb9: {  	s3 =	sand.u32 $0x4000, s31;
	s1 =	sadd.s32 s1, s30  }
0xba: {  	s0 =	sor.u32 s3, s0;
	s1 =	sshll.u32 s1, $0x11  }
0xbb: {  	s0 =	sor.u32 s1, s0  }
0xbc: {  	s0 =	sadd.s32 $0x8F2B, s0  }
0xbd: {  	[sflag:s0] =	ssyncadd.remote.s32 $0x1  }
0xbe: {  	_ =	sfence.sel $0xFFFF  }
0xbf: {  	[dreg:$0x0] =	wrdreg $0xFFFFFFFF;
	(pc) =	sbr.abs _section_cstart, $3  }
0xc0: {  	[dreg:$0x1] =	wrdreg $0xFFFFFFFF  }
0xc1: {  	_ =	task.clear_ibuf [dreg:s6], $0x2FFFF;
	_ =	strace $0x9FFFFFFF  }
0xc2: {  	(tm) =	ssettm $0x7FFFFFFF  }
0xc3: {  	_ =	shalt  }
tec
execute0_lowered:
.L_overlay_start_1:
0x0: {  	(tag) =	ssettag $0x1  }
0x1: {  	s8 =	rddreg [dreg:$0x0]  }
0x2: {  	s2 =	rddreg [dreg:$0x1]  }
0x3: {  	s0 =	rddreg [dreg:$0x2];
	s3 =	simm.s32 $0x0  }
0x4: {  	s1 =	stileid.u32;
	s4 =	srdreg.scid;
	s16 =	simm.s32 $0x2800  }
0x5: {  	s17 =	simm.s32 $0x2880;
	s18 =	simm.s32 $0x2900;
	s19 =	simm.s32 $0x80  }
0x6: {  	s20 =	simm.s32 $0x3900;
	s21 =	simm.s32 $0x1;
	s22 =	simm.s32 $0x7900  }
0x7: {  	[smem:$0x7FF] =	sst s3;
	s9 =	smul.u32 $0x2800, s1;
	s10 =	sand.u32 $0x1, s4  }
0x8: {  	s4 =	sadd.s32 $0xDDC00, s8;
	s5 =	sadd.s32 $0x3DC00, s8;
	s6 =	sadd.s32 $0x38C00, s8  }
0x9: {  	s7 =	sadd.s32 $0x33C00, s8;
	s15 =	sshll.u32 s1, $0x1;
	s30 =	sshll.u32 s1, $0x6  }
0xa: {  	_ =	strace $0x80000050;
	s11 =	smul.u32 $0x28000, s10;
	s13 =	ssub.s32 $0x2, s10  }
0xb: {  	s28 =	sor.u32 s10, s15;
	s15 =	simm.s32 $0x2;
	s12 =	sshrl.u32 s9, $0x3  }
0xc: {  	s14 =	sshrl.u32 s13, $0x1;
	s29 =	sadd.s32 s9, s2;
	s10 =	sshll.u32 s28, $0x7  }
0xd: {  	s31 =	ssub.s32 $0x501, s28;
	s12 =	sadd.s32 s12, s8;
	s11 =	sadd.s32 s9, s11  }
0xe: {  	s13 =	ssub.s32 s13, s14;
	s9 =	sor.u32 $0x1C02, s30;
	s11 =	sshrl.u32 s11, $0x3  }
0xf: {  	s14 =	sshrl.u32 s29, $0x3;
	s13 =	smax.u32 s13, $0x1;
	s11 =	sadd.s32 s11, s8  }
0x10: {  	s8 =	sadd.s32 $0x29E00, s12;
	s12 =	sshrl.u32 s31, $0x5;
	s11 =	sadd.s32 $0x2C00, s11  }
.LBB2_1:
0x11: {  	[spmem:s14], [sflag:s9] =	dma.local [hbm:s8], $0x500  }
0x12: {  	_ =	swait.ge [sflag:s15], $0x500  }
0x13: {  	[sflag:s15] =	ssyncset.done $0x0  }
0x14: {  	[sflag:s15] =	ssyncadd.s32 $0xFFFFFB00  }
0x15: {  	s23 =	simm.s32 $0x0;
	[bflag:$0x0] =	sbarrier.arrive $0xFFFF  }
.LBB2_2:
0x16: {  	s24 =	sshll.u32 s23, $0xC  }
0x17: {  	s25 =	sor.u32 s10, s24  }
0x18: {  	s26 =	sshrl.u32 s25, $0x3  }
0x19: {  	s24 =	simm.s32 $0x0;
	s28 =	sadd.s32 s6, s26  }
0x1a: {  	[tilespmem:s16], [sflag:$0x2] =	stream.linear.gather [hbm4b:s28+s24], $0x80, $0x38;
	[tilespmem:$0x8100] =	vst v63  }
0x1b: {  	_ =	swait.ge [sflag:s15], $0x80  }
0x1c: {  	[sflag:s15] =	ssyncset.done $0x0  }
0x1d: {  	s26 =	sadd.s32 s7, s26;
	[sflag:s15] =	ssyncadd.s32 $0xFFFFFF80  }
0x1e: {  	[tilespmem:s17], [sflag:$0x2] =	stream.linear.gather [hbm4b:s26+s24], $0x80, $0x38;
	[tilespmem:$0x8100] =	vst v63  }
0x1f: {  	s25 =	sshll.u32 s25, $0x2;
	_ =	swait.ge [sflag:s15], $0x80  }
0x20: {  	s25 =	sand.u32 $0x1FFFFE00, s25;
	[sflag:s15] =	ssyncset.done $0x0  }
0x21: {  	s25 =	sadd.s32 s5, s25;
	[sflag:s15] =	ssyncadd.s32 $0xFFFFFF80  }
0x22: {  	[tilespmem:s18], [sflag:$0x2] =	stream.linear.gather [hbm4b:s25+s24], $0x1000, $0x38;
	[tilespmem:$0x8100] =	vst v63  }
0x23: {  	_ =	swait.ge [sflag:s15], $0x1000  }
0x24: {  	[sflag:s15] =	ssyncset.done $0x0  }
0x25: {  	[sflag:s15] =	ssyncadd.s32 $0xFFFFF000  }
0x26: {  	[tilespmem:s20], [sflag:$0x1] =	stream.indirect.gather [hbm4b:s4+s19], $0x80, s16, s19, $0xb8;
	[tilespmem:$0x8100] =	vst v63  }
0x27: {  	_ =	swait.ge [sflag:s21], $0x4000  }
0x28: {  	[sflag:s21] =	ssyncset.done $0x0  }
0x29: {  	s26 =	simm.s32 $0x2910;
	[sflag:s21] =	ssyncadd.s32 $0xFFFFC000  }
0x2a: {  	s28 =	simm.s32 $0x40;
	s25 =	simm.s32 $0x3940;
	v0 =	vld [tilespmem:s26+$0x0]  }
.LBB2_3:
0x2b: {  	p0 =	sne.s32 s28, $0x1FC0;
	v1 =	vld [tilespmem:s25+$0xFFFFFFC0]  }
0x2c: {  	v2 =	vld [tilespmem:s25+$0xFFFFFFD0];
	_ =	sdelay $0x1  }
0x2d: {  	v3 =	vld [tilespmem:s25+$0xFFFFFFE0]  }
0x2e: {  	v4 =	vbroadcast v0, $0x0;
	v5 =	vbroadcast v0, $0x1  }
0x2f: {  	v6 =	vbroadcast v0, $0x2;
	v7 =	vld [tilespmem:s25+$0xFFFFFFF0]  }
0x30: {  	v1 =	vmul.f32 v1, v4;
	v2 =	vmul.f32 v2, v5  }
0x31: {  	v4 =	vld [tilespmem:s25+$0x0]  }
0x32: {  	v1 =	vadd.f32 v2, v1;
	v2 =	vmul.f32 v3, v6;
	v3 =	vbroadcast v0, $0x3  }
0x33: {  	v5 =	vld [tilespmem:s25+$0x10]  }
0x34: {  	v1 =	vadd.f32 v2, v1;
	v2 =	vmul.f32 v7, v3;
	v3 =	vbroadcast v0, $0x4  }
0x35: {  	v6 =	vld [tilespmem:s25+$0x20]  }
0x36: {  	v1 =	vadd.f32 v2, v1;
	v2 =	vmul.f32 v4, v3;
	v3 =	vbroadcast v0, $0x5  }
0x37: {  	v4 =	vld [tilespmem:s25+$0x30]  }
0x38: {  	v1 =	vadd.f32 v2, v1;
	v2 =	vmul.f32 v5, v3;
	v3 =	vbroadcast v0, $0x6;
	_ =	sdelay $0x1  }
0x39: {  	v0 =	vbroadcast v0, $0x7;
	v1 =	vadd.f32 v2, v1;
	v2 =	vmul.f32 v6, v3;
	_ =	sdelay $0x1  }
0x3a: {  	v1 =	vadd.f32 v2, v1;
	v0 =	vmul.f32 v4, v0  }
.Ltmp0:
0x3b: {  	(pc) =	sbr.rel @p0 .LBB2_3-.Ltmp0, $4  }
0x3c: {  	v0 =	vadd.f32 v0, v1  }
0x3d: {  	s29 =	sshra.s32 s24, $0x2;
	s24 =	smov.u32 s28  }
0x3e: {  	s26 =	sadd.s32 $0x20, s26;
	[tilespmem:s29+$0x7900] =	vst v0  }
0x3f: {  	s28 =	sadd.s32 $0x40, s28;
	s25 =	sadd.s32 $0x80, s25;
	v0 =	vld [tilespmem:s26+$0x0]  }
0x40: {  	v1 =	vld [tilespmem:s25+$0xFFFFFFC0]  }
0x41: {  	v2 =	vld [tilespmem:s25+$0xFFFFFFD0];
	_ =	sdelay $0x1  }
0x42: {  	v3 =	vld [tilespmem:s25+$0xFFFFFFE0]  }
0x43: {  	v4 =	vbroadcast v0, $0x0;
	v5 =	vbroadcast v0, $0x1  }
0x44: {  	v7 =	vld [tilespmem:s25+$0xFFFFFFF0];
	v6 =	vbroadcast v0, $0x2  }
0x45: {  	v1 =	vmul.f32 v1, v4;
	v2 =	vmul.f32 v2, v5  }
0x46: {  	v50 =	vld [tilespmem:s25+$0x0]  }
0x47: {  	v52 =	vbroadcast v0, $0x3;
	v51 =	vmul.f32 v3, v6;
	v1 =	vadd.f32 v2, v1  }
0x48: {  	v53 =	vld [tilespmem:s25+$0x10]  }
0x49: {  	v55 =	vbroadcast v0, $0x4;
	v54 =	vmul.f32 v7, v52;
	v1 =	vadd.f32 v51, v1  }
0x4a: {  	v56 =	vld [tilespmem:s25+$0x20]  }
0x4b: {  	v58 =	vbroadcast v0, $0x5;
	v57 =	vmul.f32 v50, v55;
	v1 =	vadd.f32 v54, v1  }
0x4c: {  	v59 =	vld [tilespmem:s25+$0x30]  }
0x4d: {  	v61 =	vbroadcast v0, $0x6;
	v60 =	vmul.f32 v53, v58;
	v1 =	vadd.f32 v57, v1;
	_ =	sdelay $0x1  }
0x4e: {  	v63 =	vbroadcast v0, $0x7;
	v62 =	vmul.f32 v56, v61;
	v1 =	vadd.f32 v60, v1;
	_ =	sdelay $0x1  }
0x4f: {  	v0 =	vmul.f32 v59, v63;
	v1 =	vadd.f32 v62, v1;
	_ =	sdelay $0x1  }
0x50: {  	s23 =	sadd.s32 $0x1, s23;
	v0 =	vadd.f32 v0, v1  }
0x51: {  	s24 =	sshra.s32 s24, $0x2;
	p0 =	sne.s32 s23, s12  }
.Ltmp1:
0x52: {  	[tilespmem:s24+$0x7900] =	vst v0;
	(pc) =	sbr.rel @p0 .LBB2_2-.Ltmp1, $4  }
0x53: {  	[spmem:s2] =	stream.indirect.scatter.add.f32 [tilespmem:s22], [sflag:$0x2], $0x10, s17, s19, $0xb8;
	[tilespmem:$0x8100] =	vst v63  }
0x54: {  	_ =	swait.ge [sflag:s15], $0x800  }
0x55: {  	[sflag:s15] =	ssyncset.done $0x0  }
0x56: {  	[sflag:s15] =	ssyncadd.s32 $0xFFFFF800  }
0x57: {  	s3 =	sadd.s32 $0x1, s3  }
0x58: {  	p0 =	sne.s32 s3, s13  }
.Ltmp2:
0x59: {  	[bflag:$0x0] =	sbarrier.arrive $0xFFFF;
	(pc) =	sbr.rel @p0 .LBB2_1-.Ltmp2, $4  }
0x5a: {  	[hbm:s11], [sflag:s9] =	dma.local [spmem:s14], $0x500  }
0x5b: {  	_ =	swait.ge [sflag:s15], $0x500  }
0x5c: {  	[sflag:s15] =	ssyncset.done $0x0  }
0x5d: {  	[sflag:s15] =	ssyncadd.s32 $0xFFFFFB00  }
0x5e: {  	_ =	sfence.sel $0x180000  }
0x5f: {  	[bflag:$0x0] =	sbarrier.arrive $0xFFFF  }
0x60: {  	p0 =	sne.s32 s1, $0x0;
	_ =	strace $0x90000050  }
0x61: {  	s0 =	sadd.s32 @!p0 $0x100000, s0;
	[bflag:$0x2] =	sbarrier.arrive $0xFFFF  }
0x62: {  	[sflag:s0] =	ssyncadd.tile.s32 @!p0 $0x1;
	_ =	shalt  }
.Lfunc_end2:
_tile_overlayer_lowered:
.L_overlay_start_2:
0x63: {  	(tag) =	ssettag $0x2  }
0x64: {  	s0 =	rddreg [dreg:$0x0];
	s2 =	stileid.u32  }
0x65: {  	s1 =	rddreg [dreg:$0x1];
	p0 =	sne.s32 s2, $0x0  }
0x66: {  	s3 =	rddreg [dreg:$0x2];
	[bflag:$0x3] =	sbarrier.arrive $0xFFFF;
	s2 =	simm.s32 @!p0 $0x1C02  }
0x67: {  	[timem:s3], [sflag:s2] =	dma.local @!p0 [hbm:s0], s1  }
0x68: {  	s0 =	simm.s32 @!p0 $0x2  }
0x69: {  	_ =	swait.ge @!p0 [sflag:s0], s1  }
0x6a: {  	s1 =	ssub.s32 @!p0 $0x0, s1;
	[sflag:s0] =	ssyncset.done @!p0 $0x0  }
0x6b: {  	[sflag:s0] =	ssyncadd.s32 @!p0 s1  }
0x6c: {  	[bflag:$0x3] =	sbarrier.arrive $0xFFFF  }
0x6d: {  	_ =	shalt  }

</sc_bundles>
